<compile_context>
chip_gen: v7x
topology: tpu7x:2x2x1
jax: 0.10.2.dev20260603
libtpu: 0.0.44.dev20260713+nightly
codegen_flags: <defaults>
</compile_context>

<pallas_src>
import functools

import jax
import jax.numpy as jnp
from jax import lax
from jax.experimental import pallas as pl
from jax.experimental.pallas import tpu as pltpu
from jax.experimental.pallas import tpu_sc as plsc

N = 10000
E = 320000
C = 128
HC = C // 2
NC = 2
NS = 16
NW = NC * NS
CH = 128
NCHUNK = -(-E // (NW * CH))
NCHUNK += NCHUNK % 2
ET = NCHUNK * CH
PAD_E = ET * NW
NCB = PAD_E // CH // NC
NPAD = 10240
NROWS_T = NPAD // NS


@functools.cache
def _sc_degree_kernel():
    mesh = plsc.VectorSubcoreMesh(core_axis_name="c", subcore_axis_name="s",
                                  num_cores=NC, num_subcores=NS)
    return pl.kernel(
        _sc_degree_body,
        out_type=jax.ShapeDtypeStruct((NC, NPAD, 16), jnp.float32),
        mesh=mesh,
        scratch_types=[
            pltpu.VMEM_SHARED((NPAD, 16), jnp.float32),
            pltpu.VMEM((NCHUNK, CH), jnp.int32),
            pltpu.VMEM((CH, 16), jnp.float32),
        ],
    )


def _sc_degree_body(col2_hbm, out_hbm, acc, idx2, ones_v):
    c = lax.axis_index("c")
    s = lax.axis_index("s")

    @pl.loop(0, CH)
    def _(i):
        ones_v[i, :] = jnp.zeros((16,), jnp.float32)

    @pl.loop(0, NROWS_T // CH)
    def _(j):
        pltpu.sync_copy(ones_v, acc.at[pl.ds(s * NROWS_T + j * CH, CH)])

    @pl.loop(0, CH)
    def _(i):
        ones_v[i, :] = jnp.full((16,), 1.0, jnp.float32)

    pltpu.sync_copy(col2_hbm.at[pl.ds(c * NCB + s * NCHUNK, NCHUNK)], idx2)
    plsc.subcore_barrier()

    @pl.loop(0, NCHUNK)
    def _(t):
        pltpu.sync_copy(ones_v, acc.at[idx2.at[t]], add=True)

    plsc.subcore_barrier()
    pltpu.sync_copy(acc.at[pl.ds(s * NROWS_T, NROWS_T)],
                    out_hbm.at[c, pl.ds(s * NROWS_T, NROWS_T)])


@functools.cache
def _sc_prop_kernel():
    mesh = plsc.VectorSubcoreMesh(core_axis_name="c", subcore_axis_name="s",
                                  num_cores=NC, num_subcores=NS)
    return pl.kernel(
        _sc_prop_body,
        out_type=jax.ShapeDtypeStruct((NC, 2, NPAD, HC), jnp.float32),
        mesh=mesh,
        scratch_types=[
            pltpu.VMEM_SHARED((NPAD, HC), jnp.float32),
            pltpu.VMEM_SHARED((NPAD, HC), jnp.float32),
            pltpu.VMEM((NCHUNK // 2, CH), jnp.int32),
            pltpu.VMEM((NCHUNK // 2, CH), jnp.int32),
            pltpu.VMEM((CH, HC), jnp.float32),
            pltpu.VMEM((CH, HC), jnp.float32),
            pltpu.SemaphoreType.DMA,
            pltpu.SemaphoreType.DMA,
        ],
    )


_HP = NCHUNK // 2


def _sc_prop_body(u2_hbm, row2_hbm, col2_hbm, out_hbm,
                  u_sh, acc, idxr2, idxc2, rows0, rows1, sem0, sem1):
    c = lax.axis_index("c")
    s = lax.axis_index("s")
    rt = s * NROWS_T

    for h in range(2):
        @pl.loop(0, CH)
        def _(i):
            @pl.loop(0, HC // 16)
            def _(j):
                rows0[i, pl.ds(j * 16, 16)] = jnp.zeros((16,), jnp.float32)

        pltpu.sync_copy(u2_hbm.at[h, pl.ds(rt, NROWS_T)], u_sh.at[pl.ds(rt, NROWS_T)])

        @pl.loop(0, NROWS_T // CH)
        def _(j):
            pltpu.sync_copy(rows0, acc.at[pl.ds(rt + j * CH, CH)])

        plsc.subcore_barrier()

        for p in range(2):
            cb = c * NCB + s * NCHUNK + p * _HP
            pltpu.sync_copy(row2_hbm.at[pl.ds(cb, _HP)], idxr2)
            pltpu.sync_copy(col2_hbm.at[pl.ds(cb, _HP)], idxc2)
            pltpu.async_copy(u_sh.at[idxr2.at[0]], rows0, sem0)

            @pl.loop(0, _HP, step=2)
            def _(t):
                pltpu.make_async_copy(u_sh.at[idxr2.at[t]], rows0, sem0).wait()
                pltpu.async_copy(u_sh.at[idxr2.at[t + 1]], rows1, sem1)
                pltpu.sync_copy(rows0, acc.at[idxc2.at[t]], add=True)
                pltpu.make_async_copy(u_sh.at[idxr2.at[t + 1]], rows1, sem1).wait()

                @pl.when(t + 2 < _HP)
                def _():
                    pltpu.async_copy(u_sh.at[idxr2.at[t + 2]], rows0, sem0)

                pltpu.sync_copy(rows1, acc.at[idxc2.at[t + 1]], add=True)

        plsc.subcore_barrier()
        pltpu.sync_copy(acc.at[pl.ds(rt, NROWS_T)],
                        out_hbm.at[c, h, pl.ds(rt, NROWS_T)])


_BR = 1024


def _tc_prep_body(dp_ref, x_ref, u0_ref, dinv_ref):
    deg = dp_ref[0, :, 0:1] + dp_ref[1, :, 0:1] + 1.0
    dinv = lax.rsqrt(deg)
    u = jnp.broadcast_to(dinv, (_BR, C)) * x_ref[...]
    u0_ref[0] = u[:, :HC]
    u0_ref[1] = u[:, HC:]
    dinv_ref[...] = jnp.broadcast_to(dinv, (_BR, HC))


def _tc_prep(dp, x_pad):
    return pl.pallas_call(
        _tc_prep_body,
        grid=(NPAD // _BR,),
        in_specs=[
            pl.BlockSpec((NC, _BR, 16), lambda i: (0, i, 0)),
            pl.BlockSpec((_BR, C), lambda i: (i, 0)),
        ],
        out_specs=[
            pl.BlockSpec((2, _BR, HC), lambda i: (0, i, 0)),
            pl.BlockSpec((_BR, HC), lambda i: (i, 0)),
        ],
        out_shape=[
            jax.ShapeDtypeStruct((2, NPAD, HC), jnp.float32),
            jax.ShapeDtypeStruct((NPAD, HC), jnp.float32),
        ],
    )(dp, x_pad)


def _tc_mid_body(sp_ref, u_ref, dv_ref, o_ref):
    i = pl.program_id(0)
    dv2 = dv_ref[...] * dv_ref[...]
    rows = lax.broadcasted_iota(jnp.int32, (_BR, HC), 0) + i * _BR
    for h in range(2):
        t = sp_ref[0, h] + sp_ref[1, h] + u_ref[h]
        o_ref[h] = jnp.where(rows < N, dv2 * t, 0.0)


def _tc_mid(sp, u0, dinv_h):
    return pl.pallas_call(
        _tc_mid_body,
        grid=(NPAD // _BR,),
        in_specs=[
            pl.BlockSpec((NC, 2, _BR, HC), lambda i: (0, 0, i, 0)),
            pl.BlockSpec((2, _BR, HC), lambda i: (0, i, 0)),
            pl.BlockSpec((_BR, HC), lambda i: (i, 0)),
        ],
        out_specs=pl.BlockSpec((2, _BR, HC), lambda i: (0, i, 0)),
        out_shape=jax.ShapeDtypeStruct((2, NPAD, HC), jnp.float32),
    )(sp, u0, dinv_h)


_BR2 = 1000


def _tc_final_body(sp_ref, u_ref, dv_ref, w_ref, b_ref, o_ref):
    dv = dv_ref[...]
    h2 = jnp.concatenate(
        [dv * (sp_ref[0, h] + sp_ref[1, h] + u_ref[h]) for h in range(2)], axis=1)
    z = jnp.dot(h2, w_ref[...], preferred_element_type=jnp.float32) + b_ref[...]
    m = jnp.max(z, axis=-1, keepdims=True)
    e = jnp.exp(z - m)
    o_ref[...] = (z - m) - jnp.log(jnp.sum(e, axis=-1, keepdims=True))


def _tc_final(sp, u1, dinv_h, W, b2):
    return pl.pallas_call(
        _tc_final_body,
        grid=(N // _BR2,),
        in_specs=[
            pl.BlockSpec((NC, 2, _BR2, HC), lambda i: (0, 0, i, 0)),
            pl.BlockSpec((2, _BR2, HC), lambda i: (0, i, 0)),
            pl.BlockSpec((_BR2, HC), lambda i: (i, 0)),
            pl.BlockSpec((C, C), lambda i: (0, 0)),
            pl.BlockSpec((1, C), lambda i: (0, 0)),
        ],
        out_specs=pl.BlockSpec((_BR2, C), lambda i: (i, 0)),
        out_shape=jax.ShapeDtypeStruct((N, C), jnp.float32),
    )(sp, u1, dinv_h, W, b2)


def kernel(x, edge_index, W, b):
    pad = jnp.full((PAD_E - E,), N, dtype=jnp.int32)
    rowp = jnp.concatenate([edge_index[0], pad]).reshape(PAD_E // CH, CH)
    colp = jnp.concatenate([edge_index[1], pad]).reshape(PAD_E // CH, CH)
    x_pad = jnp.pad(x, ((0, NPAD - N), (0, 0)))

    dp = _sc_degree_kernel()(colp)
    u0, dinv_h = _tc_prep(dp, x_pad)
    s0 = _sc_prop_kernel()(u0, rowp, colp)
    u1 = _tc_mid(s0, u0, dinv_h)
    s1 = _sc_prop_kernel()(u1, rowp, colp)
    return _tc_final(s1, u1, dinv_h, W, b.reshape(1, C))

# --- scband reference (transcript-rebuilt; emitter-appended) ---
"""Pipeline reference for scband-sgcn-73778948211058 (READ-ONLY COPY).

The authoritative reference and input builder live on the scoring server;
editing this copy changes nothing except your own understanding.
"""

import jax, jax.numpy as jnp
import numpy as np

N_NODES = 10000
N_EDGES = 320000
IN_CH = 128
OUT_CH = 128
K = 2


def setup_inputs(seed: int = 0) -> dict:
    key = jax.random.key(seed)
    k1, k2, k3 = jax.random.split(key, 3)
    x = jax.random.normal(k1, (N_NODES, IN_CH), dtype=jnp.float32)
    edge_index = jax.random.randint(k2, (2, N_EDGES), 0, N_NODES, dtype=jnp.int32)
    # SGConv linear layer parameters (PyG Linear: y = x @ W + b)
    W = jax.random.normal(k3, (IN_CH, OUT_CH), dtype=jnp.float32) * (1.0 / np.sqrt(IN_CH))
    b = jnp.zeros((OUT_CH,), dtype=jnp.float32)
    return {"x": x, "edge_index": edge_index, "W": W, "b": b}


def reference(x, edge_index, W, b):
    # SGCN forward: layer_norm_first=False so no LayerNorm, then SGConv(K=2), then log_softmax.
    # SGConv: gcn_norm with self-loops, propagate K times, then linear.
    N = x.shape[0]
    sl = jnp.arange(N, dtype=edge_index.dtype)
    row = jnp.concatenate([edge_index[0], sl])
    col = jnp.concatenate([edge_index[1], sl])
    ones = jnp.ones(row.shape[0], dtype=x.dtype)
    deg = jnp.zeros(N, dtype=x.dtype).at[col].add(ones)
    dinv = jnp.where(deg > 0, jax.lax.rsqrt(jnp.where(deg > 0, deg, 1.0)), 0.0)
    norm = dinv[row] * dinv[col]
    h = x
    for _ in range(K):
        msg = h[row] * norm[:, None]          # gather (memory-bound)
        h = jnp.zeros_like(h).at[col].add(msg)  # scatter-add (memory-bound)
    out = h @ W + b
    return jax.nn.log_softmax(out, axis=-1)

if __name__ == "__main__":
    import jax
    _d = setup_inputs()
    print(jax.jit(kernel)(*tuple(_d.values())))

</pallas_src>

<mosaic_0001>
#map = affine_map<(d0, d1) -> (0, 0)>
#map1 = affine_map<(d0, d1) -> (0, 0, 0)>
module attributes {stable_mosaic.version = 14 : i64} {
  func.func @_sc_degree_body(%arg0: i32, %arg1: i32, %arg2: memref<2560x128xi32, #tpu.memory_space<hbm>>, %arg3: memref<2x10240x16xf32, #tpu.memory_space<hbm>>, %arg4: memref<10240x16xf32, #tpu.memory_space<vmem_shared>>, %arg5: memref<80x128xi32, #tpu.memory_space<vmem>>, %arg6: memref<128x16xf32, #tpu.memory_space<vmem>>) attributes {dimension_semantics = [#tpu.dimension_semantics<core_parallel>, #tpu.dimension_semantics<subcore_parallel>], iteration_bounds = array<i64: 2, 16>, scalar_prefetch = 0 : i64, scratch_operands = 3 : i64, tpu.core_type = #tpu.core_type<sc_vector_subcore>, window_params = [{transform_indices = #map}, {transform_indices = #map1}]} {
    %scan3A = arith.constant 0 : i32
    %scan3A_0 = arith.constant 128 : i32
    %scan3A_1 = arith.addi %scan3A, %scan3A_0 : i32
    %scan3A_2 = arith.constant 1 : i32
    scf.for %scan3A_27 = %scan3A to %scan3A_1 step %scan3A_2  : i32 {
      %mul3A_28 = arith.constant 1 : i32
      %mul3A_29 = arith.muli %scan3A_27, %mul3A_28 : i32
      %add3A_30 = arith.constant 0 : i32
      %add3A_31 = arith.addi %add3A_30, %mul3A_29 : i32
      %broadcast_in_dim3A = arith.constant 0.000000e+00 : f32
      %broadcast_in_dim3A_32 = vector.broadcast %broadcast_in_dim3A : f32 to vector<16xf32>
      %swap3A = arith.index_cast %add3A_31 : i32 to index
      %swap3A_33 = arith.constant 0 : index
      %swap3A_34 = tpu.vector_load %arg6[%swap3A, %swap3A_33] {strides = array<i32>} : memref<128x16xf32, #tpu.memory_space<vmem>>, vector<1x16xf32>,
      %swap3A_35 = vector.shape_cast %swap3A_34 : vector<1x16xf32> to vector<16xf32>
      %swap3A_36 = vector.shape_cast %broadcast_in_dim3A_32 : vector<16xf32> to vector<1x16xf32>
      tpu.vector_store %arg6[%swap3A, %swap3A_33], %swap3A_36 {strides = array<i32>} : memref<128x16xf32, #tpu.memory_space<vmem>>, vector<1x16xf32>,
    }
    %scan3A_3 = arith.constant 128 : i32
    %scan3A_4 = arith.constant 0 : i32
    %scan3A_5 = arith.constant 5 : i32
    %scan3A_6 = arith.addi %scan3A_4, %scan3A_5 : i32
    %scan3A_7 = arith.constant 1 : i32
    scf.for %scan3A_27 = %scan3A_4 to %scan3A_6 step %scan3A_7  : i32 {
      %mul3A_28 = arith.constant 1 : i32
      %mul3A_29 = arith.muli %scan3A_27, %mul3A_28 : i32
      %add3A_30 = arith.constant 0 : i32
      %add3A_31 = arith.addi %add3A_30, %mul3A_29 : i32
      %mul3A_32 = arith.constant 640 : i32
      %mul3A_33 = arith.muli %arg1, %mul3A_32 : i32
      %mul3A_34 = arith.constant 128 : i32
      %mul3A_35 = arith.muli %add3A_31, %mul3A_34 : i32
      %add3A_36 = arith.addi %mul3A_33, %mul3A_35 : i32
      "tpu.region"() ({
        %run_scoped3A = tpu.sem_alloc : memref<!tpu.dma_semaphore, #tpu.memory_space<semaphore_mem>>
        %dma_start3A = arith.constant 0 : i32
        %dma_start3A_37 = tpu.memref_slice %arg4[%add3A_36, %dma_start3A] : memref<10240x16xf32, #tpu.memory_space<vmem_shared>> -> memref<128x16xf32, #tpu.memory_space<vmem_shared>>
        %dma_start3A_38 = arith.constant 0 : i32
        %dma_start3A_39 = tpu.memref_slice %arg4[%add3A_36, %dma_start3A_38] : memref<10240x16xf32, #tpu.memory_space<vmem_shared>> -> memref<128x16xf32, #tpu.memory_space<vmem_shared>>
        tpu.enqueue_dma source(%arg6 : memref<128x16xf32, #tpu.memory_space<vmem>>) target(%dma_start3A_39 : memref<128x16xf32, #tpu.memory_space<vmem_shared>>) target_semaphore(%run_scoped3A : memref<!tpu.dma_semaphore, #tpu.memory_space<semaphore_mem>>)
        %dma_wait3A = arith.constant 0 : i32
        %dma_wait3A_40 = tpu.memref_slice %arg4[%add3A_36, %dma_wait3A] : memref<10240x16xf32, #tpu.memory_space<vmem_shared>> -> memref<128x16xf32, #tpu.memory_space<vmem_shared>>
        %dma_wait3A_41 = arith.constant 0 : i32
        %dma_wait3A_42 = tpu.memref_slice %arg4[%add3A_36, %dma_wait3A_41] : memref<10240x16xf32, #tpu.memory_space<vmem_shared>> -> memref<128x16xf32, #tpu.memory_space<vmem_shared>>
        tpu.wait_dma2 semaphore(%run_scoped3A : memref<!tpu.dma_semaphore, #tpu.memory_space<semaphore_mem>>) src(%arg6 : memref<128x16xf32, #tpu.memory_space<vmem>>) dst(%dma_wait3A_42 : memref<128x16xf32, #tpu.memory_space<vmem_shared>>)
        tpu.yield
      }) : () -> ()
    }
    %scan3A_8 = arith.constant 5 : i32
    %scan3A_9 = arith.constant 0 : i32
    %scan3A_10 = arith.constant 128 : i32
    %scan3A_11 = arith.addi %scan3A_9, %scan3A_10 : i32
    %scan3A_12 = arith.constant 1 : i32
    scf.for %scan3A_27 = %scan3A_9 to %scan3A_11 step %scan3A_12  : i32 {
      %mul3A_28 = arith.constant 1 : i32
      %mul3A_29 = arith.muli %scan3A_27, %mul3A_28 : i32
      %add3A_30 = arith.constant 0 : i32
      %add3A_31 = arith.addi %add3A_30, %mul3A_29 : i32
      %broadcast_in_dim3A = arith.constant 1.000000e+00 : f32
      %broadcast_in_dim3A_32 = vector.broadcast %broadcast_in_dim3A : f32 to vector<16xf32>
      %swap3A = arith.index_cast %add3A_31 : i32 to index
      %swap3A_33 = arith.constant 0 : index
      %swap3A_34 = tpu.vector_load %arg6[%swap3A, %swap3A_33] {strides = array<i32>} : memref<128x16xf32, #tpu.memory_space<vmem>>, vector<1x16xf32>,
      %swap3A_35 = vector.shape_cast %swap3A_34 : vector<1x16xf32> to vector<16xf32>
      %swap3A_36 = vector.shape_cast %broadcast_in_dim3A_32 : vector<16xf32> to vector<1x16xf32>
      tpu.vector_store %arg6[%swap3A, %swap3A_33], %swap3A_36 {strides = array<i32>} : memref<128x16xf32, #tpu.memory_space<vmem>>, vector<1x16xf32>,
    }
    %scan3A_13 = arith.constant 128 : i32
    %mul3A = arith.constant 1280 : i32
    %mul3A_14 = arith.muli %arg0, %mul3A : i32
    %mul3A_15 = arith.constant 80 : i32
    %mul3A_16 = arith.muli %arg1, %mul3A_15 : i32
    %add3A = arith.addi %mul3A_14, %mul3A_16 : i32
    "tpu.region"() ({
      %run_scoped3A = tpu.sem_alloc : memref<!tpu.dma_semaphore, #tpu.memory_space<semaphore_mem>>
      %dma_start3A = arith.constant 0 : i32
      %dma_start3A_27 = tpu.memref_slice %arg2[%add3A, %dma_start3A] : memref<2560x128xi32, #tpu.memory_space<hbm>> -> memref<80x128xi32, #tpu.memory_space<hbm>>
      %dma_start3A_28 = arith.constant 0 : i32
      %dma_start3A_29 = tpu.memref_slice %arg2[%add3A, %dma_start3A_28] : memref<2560x128xi32, #tpu.memory_space<hbm>> -> memref<80x128xi32, #tpu.memory_space<hbm>>
      tpu.enqueue_dma source(%dma_start3A_29 : memref<80x128xi32, #tpu.memory_space<hbm>>) target(%arg5 : memref<80x128xi32, #tpu.memory_space<vmem>>) target_semaphore(%run_scoped3A : memref<!tpu.dma_semaphore, #tpu.memory_space<semaphore_mem>>)
      %dma_wait3A = arith.constant 0 : i32
      %dma_wait3A_30 = tpu.memref_slice %arg2[%add3A, %dma_wait3A] : memref<2560x128xi32, #tpu.memory_space<hbm>> -> memref<80x128xi32, #tpu.memory_space<hbm>>
      %dma_wait3A_31 = arith.constant 0 : i32
      %dma_wait3A_32 = tpu.memref_slice %arg2[%add3A, %dma_wait3A_31] : memref<2560x128xi32, #tpu.memory_space<hbm>> -> memref<80x128xi32, #tpu.memory_space<hbm>>
      tpu.wait_dma2 semaphore(%run_scoped3A : memref<!tpu.dma_semaphore, #tpu.memory_space<semaphore_mem>>) src(%dma_wait3A_32 : memref<80x128xi32, #tpu.memory_space<hbm>>) dst(%arg5 : memref<80x128xi32, #tpu.memory_space<vmem>>)
      tpu.yield
    }) : () -> ()
    %barrier3A = arith.constant 0 : index
    tpu.barrier barrier_id(%barrier3A)
    %scan3A_17 = arith.constant 0 : i32
    %scan3A_18 = arith.constant 80 : i32
    %scan3A_19 = arith.addi %scan3A_17, %scan3A_18 : i32
    %scan3A_20 = arith.constant 1 : i32
    scf.for %scan3A_27 = %scan3A_17 to %scan3A_19 step %scan3A_20  : i32 {
      %mul3A_28 = arith.constant 1 : i32
      %mul3A_29 = arith.muli %scan3A_27, %mul3A_28 : i32
      %add3A_30 = arith.constant 0 : i32
      %add3A_31 = arith.addi %add3A_30, %mul3A_29 : i32
      "tpu.region"() ({
        %run_scoped3A = tpu.sem_alloc : memref<!tpu.dma_semaphore, #tpu.memory_space<semaphore_mem>>
        %dma_start3A = arith.constant 0 : i32
        %dma_start3A_32 = tpu.memref_slice %arg5[%add3A_31, %dma_start3A] : memref<80x128xi32, #tpu.memory_space<vmem>> -> memref<1x128xi32, #tpu.memory_space<vmem>>
        %dma_start3A_33 = tpu.memref_squeeze %dma_start3A_32 : memref<1x128xi32, #tpu.memory_space<vmem>> -> memref<128xi32, #tpu.memory_space<vmem>>
        %dma_start3A_34 = arith.constant 0 : i32
        %dma_start3A_35 = arith.constant 0 : i32
        %dma_start3A_36 = tpu.memref_slice %arg4[%dma_start3A_34, %dma_start3A_35] : memref<10240x16xf32, #tpu.memory_space<vmem_shared>> -> memref<10240x16xf32, #tpu.memory_space<vmem_shared>>
        tpu.enqueue_indirect_dma source(%arg6 : memref<128x16xf32, #tpu.memory_space<vmem>>) target(%dma_start3A_36 : memref<10240x16xf32, #tpu.memory_space<vmem_shared>>) offsets(%dma_start3A_33 : memref<128xi32, #tpu.memory_space<vmem>>) semaphore(%run_scoped3A : memref<!tpu.dma_semaphore, #tpu.memory_space<semaphore_mem>>) {add = true}
        %dma_wait3A = arith.constant 0 : i32
        %dma_wait3A_37 = tpu.memref_slice %arg5[%add3A_31, %dma_wait3A] : memref<80x128xi32, #tpu.memory_space<vmem>> -> memref<1x128xi32, #tpu.memory_space<vmem>>
        %dma_wait3A_38 = tpu.memref_squeeze %dma_wait3A_37 : memref<1x128xi32, #tpu.memory_space<vmem>> -> memref<128xi32, #tpu.memory_space<vmem>>
        %dma_wait3A_39 = arith.constant 0 : i32
        %dma_wait3A_40 = arith.constant 0 : i32
        %dma_wait3A_41 = tpu.memref_slice %arg4[%dma_wait3A_39, %dma_wait3A_40] : memref<10240x16xf32, #tpu.memory_space<vmem_shared>> -> memref<10240x16xf32, #tpu.memory_space<vmem_shared>>
        tpu.wait_indirect_dma semaphore(%run_scoped3A : memref<!tpu.dma_semaphore, #tpu.memory_space<semaphore_mem>>) src(%arg6 : memref<128x16xf32, #tpu.memory_space<vmem>>) dst(%dma_wait3A_41 : memref<10240x16xf32, #tpu.memory_space<vmem_shared>>)
        tpu.yield
      }) : () -> ()
    }
    %scan3A_21 = arith.constant 80 : i32
    %barrier3A_22 = arith.constant 0 : index
    tpu.barrier barrier_id(%barrier3A_22)
    %mul3A_23 = arith.constant 640 : i32
    %mul3A_24 = arith.muli %arg1, %mul3A_23 : i32
    %mul3A_25 = arith.constant 640 : i32
    %mul3A_26 = arith.muli %arg1, %mul3A_25 : i32
    "tpu.region"() ({
      %run_scoped3A = tpu.sem_alloc : memref<!tpu.dma_semaphore, #tpu.memory_space<semaphore_mem>>
      %dma_start3A = arith.constant 0 : i32
      %dma_start3A_27 = tpu.memref_slice %arg3[%arg0, %mul3A_26, %dma_start3A] : memref<2x10240x16xf32, #tpu.memory_space<hbm>> -> memref<1x640x16xf32, #tpu.memory_space<hbm>>
      %dma_start3A_28 = tpu.memref_squeeze %dma_start3A_27 : memref<1x640x16xf32, #tpu.memory_space<hbm>> -> memref<640x16xf32, #tpu.memory_space<hbm>>
      %dma_start3A_29 = arith.constant 0 : i32
      %dma_start3A_30 = tpu.memref_slice %arg4[%mul3A_24, %dma_start3A_29] : memref<10240x16xf32, #tpu.memory_space<vmem_shared>> -> memref<640x16xf32, #tpu.memory_space<vmem_shared>>
      tpu.enqueue_dma source(%dma_start3A_30 : memref<640x16xf32, #tpu.memory_space<vmem_shared>>) target(%dma_start3A_28 : memref<640x16xf32, #tpu.memory_space<hbm>>) target_semaphore(%run_scoped3A : memref<!tpu.dma_semaphore, #tpu.memory_space<semaphore_mem>>)
      %dma_wait3A = arith.constant 0 : i32
      %dma_wait3A_31 = tpu.memref_slice %arg3[%arg0, %mul3A_26, %dma_wait3A] : memref<2x10240x16xf32, #tpu.memory_space<hbm>> -> memref<1x640x16xf32, #tpu.memory_space<hbm>>
      %dma_wait3A_32 = tpu.memref_squeeze %dma_wait3A_31 : memref<1x640x16xf32, #tpu.memory_space<hbm>> -> memref<640x16xf32, #tpu.memory_space<hbm>>
      %dma_wait3A_33 = arith.constant 0 : i32
      %dma_wait3A_34 = tpu.memref_slice %arg4[%mul3A_24, %dma_wait3A_33] : memref<10240x16xf32, #tpu.memory_space<vmem_shared>> -> memref<640x16xf32, #tpu.memory_space<vmem_shared>>
      tpu.wait_dma2 semaphore(%run_scoped3A : memref<!tpu.dma_semaphore, #tpu.memory_space<semaphore_mem>>) src(%dma_wait3A_34 : memref<640x16xf32, #tpu.memory_space<vmem_shared>>) dst(%dma_wait3A_32 : memref<640x16xf32, #tpu.memory_space<hbm>>)
      tpu.yield
    }) : () -> ()
    return
  }
}

#map = affine_map<(d0, d1) -> (0, 0, 0)>
#map1 = affine_map<(d0, d1) -> (0, 0)>
#map2 = affine_map<(d0, d1) -> (0, 0, 0, 0)>
module attributes {stable_mosaic.version = 14 : i64} {
  func.func @_sc_prop_body(%arg0: i32, %arg1: i32, %arg2: memref<2x10240x64xf32, #tpu.memory_space<hbm>>, %arg3: memref<2560x128xi32, #tpu.memory_space<hbm>>, %arg4: memref<2560x128xi32, #tpu.memory_space<hbm>>, %arg5: memref<2x2x10240x64xf32, #tpu.memory_space<hbm>>, %arg6: memref<10240x64xf32, #tpu.memory_space<vmem_shared>>, %arg7: memref<10240x64xf32, #tpu.memory_space<vmem_shared>>, %arg8: memref<40x128xi32, #tpu.memory_space<vmem>>, %arg9: memref<40x128xi32, #tpu.memory_space<vmem>>, %arg10: memref<128x64xf32, #tpu.memory_space<vmem>>, %arg11: memref<128x64xf32, #tpu.memory_space<vmem>>, %arg12: memref<!tpu.dma_semaphore, #tpu.memory_space<semaphore_mem>>, %arg13: memref<!tpu.dma_semaphore, #tpu.memory_space<semaphore_mem>>) attributes {dimension_semantics = [#tpu.dimension_semantics<core_parallel>, #tpu.dimension_semantics<subcore_parallel>], iteration_bounds = array<i64: 2, 16>, scalar_prefetch = 0 : i64, scratch_operands = 8 : i64, tpu.core_type = #tpu.core_type<sc_vector_subcore>, window_params = [{transform_indices = #map}, {transform_indices = #map1}, {transform_indices = #map1}, {transform_indices = #map2}]} {
    %mul3A = arith.constant 640 : i32
    %mul3A_0 = arith.muli %arg1, %mul3A : i32
    %scan3A = arith.constant 0 : i32
    %scan3A_1 = arith.constant 128 : i32
    %scan3A_2 = arith.addi %scan3A, %scan3A_1 : i32
    %scan3A_3 = arith.constant 1 : i32
    scf.for %scan3A_100 = %scan3A to %scan3A_2 step %scan3A_3  : i32 {
      %mul3A_101 = arith.constant 1 : i32
      %mul3A_102 = arith.muli %scan3A_100, %mul3A_101 : i32
      %add3A_103 = arith.constant 0 : i32
      %add3A_104 = arith.addi %add3A_103, %mul3A_102 : i32
      %scan3A_105 = arith.constant 0 : i32
      %scan3A_106 = arith.constant 4 : i32
      %scan3A_107 = arith.addi %scan3A_105, %scan3A_106 : i32
      %scan3A_108 = arith.constant 1 : i32
      scf.for %scan3A_110 = %scan3A_105 to %scan3A_107 step %scan3A_108  : i32 {
        %mul3A_111 = arith.constant 1 : i32
        %mul3A_112 = arith.muli %scan3A_110, %mul3A_111 : i32
        %add3A_113 = arith.constant 0 : i32
        %add3A_114 = arith.addi %add3A_113, %mul3A_112 : i32
        %broadcast_in_dim3A = arith.constant 0.000000e+00 : f32
        %broadcast_in_dim3A_115 = vector.broadcast %broadcast_in_dim3A : f32 to vector<16xf32>
        %mul3A_116 = arith.constant 16 : i32
        %mul3A_117 = arith.muli %add3A_114, %mul3A_116 : i32
        %swap3A = arith.index_cast %add3A_104 : i32 to index
        %swap3A_118 = arith.index_cast %mul3A_117 : i32 to index
        %swap3A_119 = tpu.vector_load %arg10[%swap3A, %swap3A_118] {strides = array<i32>} : memref<128x64xf32, #tpu.memory_space<vmem>>, vector<1x16xf32>,
        %swap3A_120 = vector.shape_cast %swap3A_119 : vector<1x16xf32> to vector<16xf32>
        %swap3A_121 = vector.shape_cast %broadcast_in_dim3A_115 : vector<16xf32> to vector<1x16xf32>
        tpu.vector_store %arg10[%swap3A, %swap3A_118], %swap3A_121 {strides = array<i32>} : memref<128x64xf32, #tpu.memory_space<vmem>>, vector<1x16xf32>,
      }
      %scan3A_109 = arith.constant 4 : i32
    }
    %scan3A_4 = arith.constant 128 : i32
    %run_scoped3A = arith.constant 0 : i32
    "tpu.region"() ({
      %run_scoped3A_100 = tpu.sem_alloc : memref<!tpu.dma_semaphore, #tpu.memory_space<semaphore_mem>>
      %dma_start3A_101 = arith.constant 0 : i32
      %dma_start3A_102 = tpu.memref_slice %arg6[%mul3A_0, %dma_start3A_101] : memref<10240x64xf32, #tpu.memory_space<vmem_shared>> -> memref<640x64xf32, #tpu.memory_space<vmem_shared>>
      %dma_start3A_103 = arith.constant 0 : i32
      %dma_start3A_104 = tpu.memref_slice %arg2[%run_scoped3A, %mul3A_0, %dma_start3A_103] : memref<2x10240x64xf32, #tpu.memory_space<hbm>> -> memref<1x640x64xf32, #tpu.memory_space<hbm>>
      %dma_start3A_105 = tpu.memref_squeeze %dma_start3A_104 : memref<1x640x64xf32, #tpu.memory_space<hbm>> -> memref<640x64xf32, #tpu.memory_space<hbm>>
      tpu.enqueue_dma source(%dma_start3A_105 : memref<640x64xf32, #tpu.memory_space<hbm>>) target(%dma_start3A_102 : memref<640x64xf32, #tpu.memory_space<vmem_shared>>) target_semaphore(%run_scoped3A_100 : memref<!tpu.dma_semaphore, #tpu.memory_space<semaphore_mem>>)
      %dma_wait3A = arith.constant 0 : i32
      %dma_wait3A_106 = tpu.memref_slice %arg6[%mul3A_0, %dma_wait3A] : memref<10240x64xf32, #tpu.memory_space<vmem_shared>> -> memref<640x64xf32, #tpu.memory_space<vmem_shared>>
      %dma_wait3A_107 = arith.constant 0 : i32
      %dma_wait3A_108 = tpu.memref_slice %arg2[%run_scoped3A, %mul3A_0, %dma_wait3A_107] : memref<2x10240x64xf32, #tpu.memory_space<hbm>> -> memref<1x640x64xf32, #tpu.memory_space<hbm>>
      %dma_wait3A_109 = tpu.memref_squeeze %dma_wait3A_108 : memref<1x640x64xf32, #tpu.memory_space<hbm>> -> memref<640x64xf32, #tpu.memory_space<hbm>>
      tpu.wait_dma2 semaphore(%run_scoped3A_100 : memref<!tpu.dma_semaphore, #tpu.memory_space<semaphore_mem>>) src(%dma_wait3A_109 : memref<640x64xf32, #tpu.memory_space<hbm>>) dst(%dma_wait3A_106 : memref<640x64xf32, #tpu.memory_space<vmem_shared>>)
      tpu.yield
    }) : () -> ()
    %scan3A_5 = arith.constant 0 : i32
    %scan3A_6 = arith.constant 5 : i32
    %scan3A_7 = arith.addi %scan3A_5, %scan3A_6 : i32
    %scan3A_8 = arith.constant 1 : i32
    scf.for %scan3A_100 = %scan3A_5 to %scan3A_7 step %scan3A_8  : i32 {
      %mul3A_101 = arith.constant 1 : i32
      %mul3A_102 = arith.muli %scan3A_100, %mul3A_101 : i32
      %add3A_103 = arith.constant 0 : i32
      %add3A_104 = arith.addi %add3A_103, %mul3A_102 : i32
      %mul3A_105 = arith.constant 128 : i32
      %mul3A_106 = arith.muli %add3A_104, %mul3A_105 : i32
      %add3A_107 = arith.addi %mul3A_0, %mul3A_106 : i32
      "tpu.region"() ({
        %run_scoped3A_108 = tpu.sem_alloc : memref<!tpu.dma_semaphore, #tpu.memory_space<semaphore_mem>>
        %dma_start3A_109 = arith.constant 0 : i32
        %dma_start3A_110 = tpu.memref_slice %arg7[%add3A_107, %dma_start3A_109] : memref<10240x64xf32, #tpu.memory_space<vmem_shared>> -> memref<128x64xf32, #tpu.memory_space<vmem_shared>>
        %dma_start3A_111 = arith.constant 0 : i32
        %dma_start3A_112 = tpu.memref_slice %arg7[%add3A_107, %dma_start3A_111] : memref<10240x64xf32, #tpu.memory_space<vmem_shared>> -> memref<128x64xf32, #tpu.memory_space<vmem_shared>>
        tpu.enqueue_dma source(%arg10 : memref<128x64xf32, #tpu.memory_space<vmem>>) target(%dma_start3A_112 : memref<128x64xf32, #tpu.memory_space<vmem_shared>>) target_semaphore(%run_scoped3A_108 : memref<!tpu.dma_semaphore, #tpu.memory_space<semaphore_mem>>)
        %dma_wait3A = arith.constant 0 : i32
        %dma_wait3A_113 = tpu.memref_slice %arg7[%add3A_107, %dma_wait3A] : memref<10240x64xf32, #tpu.memory_space<vmem_shared>> -> memref<128x64xf32, #tpu.memory_space<vmem_shared>>
        %dma_wait3A_114 = arith.constant 0 : i32
        %dma_wait3A_115 = tpu.memref_slice %arg7[%add3A_107, %dma_wait3A_114] : memref<10240x64xf32, #tpu.memory_space<vmem_shared>> -> memref<128x64xf32, #tpu.memory_space<vmem_shared>>
        tpu.wait_dma2 semaphore(%run_scoped3A_108 : memref<!tpu.dma_semaphore, #tpu.memory_space<semaphore_mem>>) src(%arg10 : memref<128x64xf32, #tpu.memory_space<vmem>>) dst(%dma_wait3A_115 : memref<128x64xf32, #tpu.memory_space<vmem_shared>>)
        tpu.yield
      }) : () -> ()
    }
    %scan3A_9 = arith.constant 5 : i32
    %barrier3A = arith.constant 0 : index
    tpu.barrier barrier_id(%barrier3A)
    %mul3A_10 = arith.constant 1280 : i32
    %mul3A_11 = arith.muli %arg0, %mul3A_10 : i32
    %mul3A_12 = arith.constant 80 : i32
    %mul3A_13 = arith.muli %arg1, %mul3A_12 : i32
    %add3A = arith.addi %mul3A_11, %mul3A_13 : i32
    %add3A_14 = arith.constant 0 : i32
    %add3A_15 = arith.addi %add3A, %add3A_14 : i32
    "tpu.region"() ({
      %run_scoped3A_100 = tpu.sem_alloc : memref<!tpu.dma_semaphore, #tpu.memory_space<semaphore_mem>>
      %dma_start3A_101 = arith.constant 0 : i32
      %dma_start3A_102 = tpu.memref_slice %arg3[%add3A_15, %dma_start3A_101] : memref<2560x128xi32, #tpu.memory_space<hbm>> -> memref<40x128xi32, #tpu.memory_space<hbm>>
      %dma_start3A_103 = arith.constant 0 : i32
      %dma_start3A_104 = tpu.memref_slice %arg3[%add3A_15, %dma_start3A_103] : memref<2560x128xi32, #tpu.memory_space<hbm>> -> memref<40x128xi32, #tpu.memory_space<hbm>>
      tpu.enqueue_dma source(%dma_start3A_104 : memref<40x128xi32, #tpu.memory_space<hbm>>) target(%arg8 : memref<40x128xi32, #tpu.memory_space<vmem>>) target_semaphore(%run_scoped3A_100 : memref<!tpu.dma_semaphore, #tpu.memory_space<semaphore_mem>>)
      %dma_wait3A = arith.constant 0 : i32
      %dma_wait3A_105 = tpu.memref_slice %arg3[%add3A_15, %dma_wait3A] : memref<2560x128xi32, #tpu.memory_space<hbm>> -> memref<40x128xi32, #tpu.memory_space<hbm>>
      %dma_wait3A_106 = arith.constant 0 : i32
      %dma_wait3A_107 = tpu.memref_slice %arg3[%add3A_15, %dma_wait3A_106] : memref<2560x128xi32, #tpu.memory_space<hbm>> -> memref<40x128xi32, #tpu.memory_space<hbm>>
      tpu.wait_dma2 semaphore(%run_scoped3A_100 : memref<!tpu.dma_semaphore, #tpu.memory_space<semaphore_mem>>) src(%dma_wait3A_107 : memref<40x128xi32, #tpu.memory_space<hbm>>) dst(%arg8 : memref<40x128xi32, #tpu.memory_space<vmem>>)
      tpu.yield
    }) : () -> ()
    "tpu.region"() ({
      %run_scoped3A_100 = tpu.sem_alloc : memref<!tpu.dma_semaphore, #tpu.memory_space<semaphore_mem>>
      %dma_start3A_101 = arith.constant 0 : i32
      %dma_start3A_102 = tpu.memref_slice %arg4[%add3A_15, %dma_start3A_101] : memref<2560x128xi32, #tpu.memory_space<hbm>> -> memref<40x128xi32, #tpu.memory_space<hbm>>
      %dma_start3A_103 = arith.constant 0 : i32
      %dma_start3A_104 = tpu.memref_slice %arg4[%add3A_15, %dma_start3A_103] : memref<2560x128xi32, #tpu.memory_space<hbm>> -> memref<40x128xi32, #tpu.memory_space<hbm>>
      tpu.enqueue_dma source(%dma_start3A_104 : memref<40x128xi32, #tpu.memory_space<hbm>>) target(%arg9 : memref<40x128xi32, #tpu.memory_space<vmem>>) target_semaphore(%run_scoped3A_100 : memref<!tpu.dma_semaphore, #tpu.memory_space<semaphore_mem>>)
      %dma_wait3A = arith.constant 0 : i32
      %dma_wait3A_105 = tpu.memref_slice %arg4[%add3A_15, %dma_wait3A] : memref<2560x128xi32, #tpu.memory_space<hbm>> -> memref<40x128xi32, #tpu.memory_space<hbm>>
      %dma_wait3A_106 = arith.constant 0 : i32
      %dma_wait3A_107 = tpu.memref_slice %arg4[%add3A_15, %dma_wait3A_106] : memref<2560x128xi32, #tpu.memory_space<hbm>> -> memref<40x128xi32, #tpu.memory_space<hbm>>
      tpu.wait_dma2 semaphore(%run_scoped3A_100 : memref<!tpu.dma_semaphore, #tpu.memory_space<semaphore_mem>>) src(%dma_wait3A_107 : memref<40x128xi32, #tpu.memory_space<hbm>>) dst(%arg9 : memref<40x128xi32, #tpu.memory_space<vmem>>)
      tpu.yield
    }) : () -> ()
    %dma_start3A = arith.constant 0 : i32
    %dma_start3A_16 = arith.constant 0 : i32
    %dma_start3A_17 = tpu.memref_slice %arg8[%dma_start3A, %dma_start3A_16] : memref<40x128xi32, #tpu.memory_space<vmem>> -> memref<1x128xi32, #tpu.memory_space<vmem>>
    %dma_start3A_18 = tpu.memref_squeeze %dma_start3A_17 : memref<1x128xi32, #tpu.memory_space<vmem>> -> memref<128xi32, #tpu.memory_space<vmem>>
    %dma_start3A_19 = arith.constant 0 : i32
    %dma_start3A_20 = arith.constant 0 : i32
    %dma_start3A_21 = tpu.memref_slice %arg6[%dma_start3A_19, %dma_start3A_20] : memref<10240x64xf32, #tpu.memory_space<vmem_shared>> -> memref<10240x64xf32, #tpu.memory_space<vmem_shared>>
    tpu.enqueue_indirect_dma source(%dma_start3A_21 : memref<10240x64xf32, #tpu.memory_space<vmem_shared>>) target(%arg10 : memref<128x64xf32, #tpu.memory_space<vmem>>) offsets(%dma_start3A_18 : memref<128xi32, #tpu.memory_space<vmem>>) semaphore(%arg12 : memref<!tpu.dma_semaphore, #tpu.memory_space<semaphore_mem>>)
    %scan3A_22 = arith.constant 0 : i32
    %scan3A_23 = arith.constant 20 : i32
    %scan3A_24 = arith.addi %scan3A_22, %scan3A_23 : i32
    %scan3A_25 = arith.constant 1 : i32
    scf.for %scan3A_100 = %scan3A_22 to %scan3A_24 step %scan3A_25  : i32 {
      %mul3A_101 = arith.constant 2 : i32
      %mul3A_102 = arith.muli %scan3A_100, %mul3A_101 : i32
      %add3A_103 = arith.constant 0 : i32
      %add3A_104 = arith.addi %add3A_103, %mul3A_102 : i32
      %dma_wait3A = arith.constant 0 : i32
      %dma_wait3A_105 = tpu.memref_slice %arg8[%add3A_104, %dma_wait3A] : memref<40x128xi32, #tpu.memory_space<vmem>> -> memref<1x128xi32, #tpu.memory_space<vmem>>
      %dma_wait3A_106 = tpu.memref_squeeze %dma_wait3A_105 : memref<1x128xi32, #tpu.memory_space<vmem>> -> memref<128xi32, #tpu.memory_space<vmem>>
      %dma_wait3A_107 = arith.constant 0 : i32
      %dma_wait3A_108 = arith.constant 0 : i32
      %dma_wait3A_109 = tpu.memref_slice %arg6[%dma_wait3A_107, %dma_wait3A_108] : memref<10240x64xf32, #tpu.memory_space<vmem_shared>> -> memref<10240x64xf32, #tpu.memory_space<vmem_shared>>
      tpu.wait_indirect_dma semaphore(%arg12 : memref<!tpu.dma_semaphore, #tpu.memory_space<semaphore_mem>>) src(%dma_wait3A_109 : memref<10240x64xf32, #tpu.memory_space<vmem_shared>>) dst(%arg10 : memref<128x64xf32, #tpu.memory_space<vmem>>)
      %add3A_110 = arith.constant 1 : i32
      %add3A_111 = arith.addi %add3A_104, %add3A_110 : i32
      %dma_start3A_112 = arith.constant 0 : i32
      %dma_start3A_113 = tpu.memref_slice %arg8[%add3A_111, %dma_start3A_112] : memref<40x128xi32, #tpu.memory_space<vmem>> -> memref<1x128xi32, #tpu.memory_space<vmem>>
      %dma_start3A_114 = tpu.memref_squeeze %dma_start3A_113 : memref<1x128xi32, #tpu.memory_space<vmem>> -> memref<128xi32, #tpu.memory_space<vmem>>
      %dma_start3A_115 = arith.constant 0 : i32
      %dma_start3A_116 = arith.constant 0 : i32
      %dma_start3A_117 = tpu.memref_slice %arg6[%dma_start3A_115, %dma_start3A_116] : memref<10240x64xf32, #tpu.memory_space<vmem_shared>> -> memref<10240x64xf32, #tpu.memory_space<vmem_shared>>
      tpu.enqueue_indirect_dma source(%dma_start3A_117 : memref<10240x64xf32, #tpu.memory_space<vmem_shared>>) target(%arg11 : memref<128x64xf32, #tpu.memory_space<vmem>>) offsets(%dma_start3A_114 : memref<128xi32, #tpu.memory_space<vmem>>) semaphore(%arg13 : memref<!tpu.dma_semaphore, #tpu.memory_space<semaphore_mem>>)
      "tpu.region"() ({
        %run_scoped3A_132 = tpu.sem_alloc : memref<!tpu.dma_semaphore, #tpu.memory_space<semaphore_mem>>
        %dma_start3A_133 = arith.constant 0 : i32
        %dma_start3A_134 = tpu.memref_slice %arg9[%add3A_104, %dma_start3A_133] : memref<40x128xi32, #tpu.memory_space<vmem>> -> memref<1x128xi32, #tpu.memory_space<vmem>>
        %dma_start3A_135 = tpu.memref_squeeze %dma_start3A_134 : memref<1x128xi32, #tpu.memory_space<vmem>> -> memref<128xi32, #tpu.memory_space<vmem>>
        %dma_start3A_136 = arith.constant 0 : i32
        %dma_start3A_137 = arith.constant 0 : i32
        %dma_start3A_138 = tpu.memref_slice %arg7[%dma_start3A_136, %dma_start3A_137] : memref<10240x64xf32, #tpu.memory_space<vmem_shared>> -> memref<10240x64xf32, #tpu.memory_space<vmem_shared>>
        tpu.enqueue_indirect_dma source(%arg10 : memref<128x64xf32, #tpu.memory_space<vmem>>) target(%dma_start3A_138 : memref<10240x64xf32, #tpu.memory_space<vmem_shared>>) offsets(%dma_start3A_135 : memref<128xi32, #tpu.memory_space<vmem>>) semaphore(%run_scoped3A_132 : memref<!tpu.dma_semaphore, #tpu.memory_space<semaphore_mem>>) {add = true}
        %dma_wait3A_139 = arith.constant 0 : i32
        %dma_wait3A_140 = tpu.memref_slice %arg9[%add3A_104, %dma_wait3A_139] : memref<40x128xi32, #tpu.memory_space<vmem>> -> memref<1x128xi32, #tpu.memory_space<vmem>>
        %dma_wait3A_141 = tpu.memref_squeeze %dma_wait3A_140 : memref<1x128xi32, #tpu.memory_space<vmem>> -> memref<128xi32, #tpu.memory_space<vmem>>
        %dma_wait3A_142 = arith.constant 0 : i32
        %dma_wait3A_143 = arith.constant 0 : i32
        %dma_wait3A_144 = tpu.memref_slice %arg7[%dma_wait3A_142, %dma_wait3A_143] : memref<10240x64xf32, #tpu.memory_space<vmem_shared>> -> memref<10240x64xf32, #tpu.memory_space<vmem_shared>>
        tpu.wait_indirect_dma semaphore(%run_scoped3A_132 : memref<!tpu.dma_semaphore, #tpu.memory_space<semaphore_mem>>) src(%arg10 : memref<128x64xf32, #tpu.memory_space<vmem>>) dst(%dma_wait3A_144 : memref<10240x64xf32, #tpu.memory_space<vmem_shared>>)
        tpu.yield
      }) : () -> ()
      %add3A_118 = arith.constant 1 : i32
      %add3A_119 = arith.addi %add3A_104, %add3A_118 : i32
      %dma_wait3A_120 = arith.constant 0 : i32
      %dma_wait3A_121 = tpu.memref_slice %arg8[%add3A_119, %dma_wait3A_120] : memref<40x128xi32, #tpu.memory_space<vmem>> -> memref<1x128xi32, #tpu.memory_space<vmem>>
      %dma_wait3A_122 = tpu.memref_squeeze %dma_wait3A_121 : memref<1x128xi32, #tpu.memory_space<vmem>> -> memref<128xi32, #tpu.memory_space<vmem>>
      %dma_wait3A_123 = arith.constant 0 : i32
      %dma_wait3A_124 = arith.constant 0 : i32
      %dma_wait3A_125 = tpu.memref_slice %arg6[%dma_wait3A_123, %dma_wait3A_124] : memref<10240x64xf32, #tpu.memory_space<vmem_shared>> -> memref<10240x64xf32, #tpu.memory_space<vmem_shared>>
      tpu.wait_indirect_dma semaphore(%arg13 : memref<!tpu.dma_semaphore, #tpu.memory_space<semaphore_mem>>) src(%dma_wait3A_125 : memref<10240x64xf32, #tpu.memory_space<vmem_shared>>) dst(%arg11 : memref<128x64xf32, #tpu.memory_space<vmem>>)
      %add3A_126 = arith.constant 2 : i32
      %add3A_127 = arith.addi %add3A_104, %add3A_126 : i32
      %lt3A = arith.constant 40 : i32
      %lt3A_128 = arith.cmpi slt, %add3A_127, %lt3A : i32
      %convert_element_type3A = arith.extui %lt3A_128 : i1 to i32
      %cond3A = arith.constant 0 : i32
      %cond3A_129 = arith.cmpi ne, %convert_element_type3A, %cond3A : i32
      scf.if %cond3A_129 {
        %add3A_132 = arith.constant 2 : i32
        %add3A_133 = arith.addi %add3A_104, %add3A_132 : i32
        %dma_start3A_134 = arith.constant 0 : i32
        %dma_start3A_135 = tpu.memref_slice %arg8[%add3A_133, %dma_start3A_134] : memref<40x128xi32, #tpu.memory_space<vmem>> -> memref<1x128xi32, #tpu.memory_space<vmem>>
        %dma_start3A_136 = tpu.memref_squeeze %dma_start3A_135 : memref<1x128xi32, #tpu.memory_space<vmem>> -> memref<128xi32, #tpu.memory_space<vmem>>
        %dma_start3A_137 = arith.constant 0 : i32
        %dma_start3A_138 = arith.constant 0 : i32
        %dma_start3A_139 = tpu.memref_slice %arg6[%dma_start3A_137, %dma_start3A_138] : memref<10240x64xf32, #tpu.memory_space<vmem_shared>> -> memref<10240x64xf32, #tpu.memory_space<vmem_shared>>
        tpu.enqueue_indirect_dma source(%dma_start3A_139 : memref<10240x64xf32, #tpu.memory_space<vmem_shared>>) target(%arg10 : memref<128x64xf32, #tpu.memory_space<vmem>>) offsets(%dma_start3A_136 : memref<128xi32, #tpu.memory_space<vmem>>) semaphore(%arg12 : memref<!tpu.dma_semaphore, #tpu.memory_space<semaphore_mem>>)
      } else {
      }
      %add3A_130 = arith.constant 1 : i32
      %add3A_131 = arith.addi %add3A_104, %add3A_130 : i32
      "tpu.region"() ({
        %run_scoped3A_132 = tpu.sem_alloc : memref<!tpu.dma_semaphore, #tpu.memory_space<semaphore_mem>>
        %dma_start3A_133 = arith.constant 0 : i32
        %dma_start3A_134 = tpu.memref_slice %arg9[%add3A_131, %dma_start3A_133] : memref<40x128xi32, #tpu.memory_space<vmem>> -> memref<1x128xi32, #tpu.memory_space<vmem>>
        %dma_start3A_135 = tpu.memref_squeeze %dma_start3A_134 : memref<1x128xi32, #tpu.memory_space<vmem>> -> memref<128xi32, #tpu.memory_space<vmem>>
        %dma_start3A_136 = arith.constant 0 : i32
        %dma_start3A_137 = arith.constant 0 : i32
        %dma_start3A_138 = tpu.memref_slice %arg7[%dma_start3A_136, %dma_start3A_137] : memref<10240x64xf32, #tpu.memory_space<vmem_shared>> -> memref<10240x64xf32, #tpu.memory_space<vmem_shared>>
        tpu.enqueue_indirect_dma source(%arg11 : memref<128x64xf32, #tpu.memory_space<vmem>>) target(%dma_start3A_138 : memref<10240x64xf32, #tpu.memory_space<vmem_shared>>) offsets(%dma_start3A_135 : memref<128xi32, #tpu.memory_space<vmem>>) semaphore(%run_scoped3A_132 : memref<!tpu.dma_semaphore, #tpu.memory_space<semaphore_mem>>) {add = true}
        %dma_wait3A_139 = arith.constant 0 : i32
        %dma_wait3A_140 = tpu.memref_slice %arg9[%add3A_131, %dma_wait3A_139] : memref<40x128xi32, #tpu.memory_space<vmem>> -> memref<1x128xi32, #tpu.memory_space<vmem>>
        %dma_wait3A_141 = tpu.memref_squeeze %dma_wait3A_140 : memref<1x128xi32, #tpu.memory_space<vmem>> -> memref<128xi32, #tpu.memory_space<vmem>>
        %dma_wait3A_142 = arith.constant 0 : i32
        %dma_wait3A_143 = arith.constant 0 : i32
        %dma_wait3A_144 = tpu.memref_slice %arg7[%dma_wait3A_142, %dma_wait3A_143] : memref<10240x64xf32, #tpu.memory_space<vmem_shared>> -> memref<10240x64xf32, #tpu.memory_space<vmem_shared>>
        tpu.wait_indirect_dma semaphore(%run_scoped3A_132 : memref<!tpu.dma_semaphore, #tpu.memory_space<semaphore_mem>>) src(%arg11 : memref<128x64xf32, #tpu.memory_space<vmem>>) dst(%dma_wait3A_144 : memref<10240x64xf32, #tpu.memory_space<vmem_shared>>)
        tpu.yield
      }) : () -> ()
    }
    %scan3A_26 = arith.constant 20 : i32
    %mul3A_27 = arith.constant 1280 : i32
    %mul3A_28 = arith.muli %arg0, %mul3A_27 : i32
    %mul3A_29 = arith.constant 80 : i32
    %mul3A_30 = arith.muli %arg1, %mul3A_29 : i32
    %add3A_31 = arith.addi %mul3A_28, %mul3A_30 : i32
    %add3A_32 = arith.constant 40 : i32
    %add3A_33 = arith.addi %add3A_31, %add3A_32 : i32
    "tpu.region"() ({
      %run_scoped3A_100 = tpu.sem_alloc : memref<!tpu.dma_semaphore, #tpu.memory_space<semaphore_mem>>
      %dma_start3A_101 = arith.constant 0 : i32
      %dma_start3A_102 = tpu.memref_slice %arg3[%add3A_33, %dma_start3A_101] : memref<2560x128xi32, #tpu.memory_space<hbm>> -> memref<40x128xi32, #tpu.memory_space<hbm>>
      %dma_start3A_103 = arith.constant 0 : i32
      %dma_start3A_104 = tpu.memref_slice %arg3[%add3A_33, %dma_start3A_103] : memref<2560x128xi32, #tpu.memory_space<hbm>> -> memref<40x128xi32, #tpu.memory_space<hbm>>
      tpu.enqueue_dma source(%dma_start3A_104 : memref<40x128xi32, #tpu.memory_space<hbm>>) target(%arg8 : memref<40x128xi32, #tpu.memory_space<vmem>>) target_semaphore(%run_scoped3A_100 : memref<!tpu.dma_semaphore, #tpu.memory_space<semaphore_mem>>)
      %dma_wait3A = arith.constant 0 : i32
      %dma_wait3A_105 = tpu.memref_slice %arg3[%add3A_33, %dma_wait3A] : memref<2560x128xi32, #tpu.memory_space<hbm>> -> memref<40x128xi32, #tpu.memory_space<hbm>>
      %dma_wait3A_106 = arith.constant 0 : i32
      %dma_wait3A_107 = tpu.memref_slice %arg3[%add3A_33, %dma_wait3A_106] : memref<2560x128xi32, #tpu.memory_space<hbm>> -> memref<40x128xi32, #tpu.memory_space<hbm>>
      tpu.wait_dma2 semaphore(%run_scoped3A_100 : memref<!tpu.dma_semaphore, #tpu.memory_space<semaphore_mem>>) src(%dma_wait3A_107 : memref<40x128xi32, #tpu.memory_space<hbm>>) dst(%arg8 : memref<40x128xi32, #tpu.memory_space<vmem>>)
      tpu.yield
    }) : () -> ()
    "tpu.region"() ({
      %run_scoped3A_100 = tpu.sem_alloc : memref<!tpu.dma_semaphore, #tpu.memory_space<semaphore_mem>>
      %dma_start3A_101 = arith.constant 0 : i32
      %dma_start3A_102 = tpu.memref_slice %arg4[%add3A_33, %dma_start3A_101] : memref<2560x128xi32, #tpu.memory_space<hbm>> -> memref<40x128xi32, #tpu.memory_space<hbm>>
      %dma_start3A_103 = arith.constant 0 : i32
      %dma_start3A_104 = tpu.memref_slice %arg4[%add3A_33, %dma_start3A_103] : memref<2560x128xi32, #tpu.memory_space<hbm>> -> memref<40x128xi32, #tpu.memory_space<hbm>>
      tpu.enqueue_dma source(%dma_start3A_104 : memref<40x128xi32, #tpu.memory_space<hbm>>) target(%arg9 : memref<40x128xi32, #tpu.memory_space<vmem>>) target_semaphore(%run_scoped3A_100 : memref<!tpu.dma_semaphore, #tpu.memory_space<semaphore_mem>>)
      %dma_wait3A = arith.constant 0 : i32
      %dma_wait3A_105 = tpu.memref_slice %arg4[%add3A_33, %dma_wait3A] : memref<2560x128xi32, #tpu.memory_space<hbm>> -> memref<40x128xi32, #tpu.memory_space<hbm>>
      %dma_wait3A_106 = arith.constant 0 : i32
      %dma_wait3A_107 = tpu.memref_slice %arg4[%add3A_33, %dma_wait3A_106] : memref<2560x128xi32, #tpu.memory_space<hbm>> -> memref<40x128xi32, #tpu.memory_space<hbm>>
      tpu.wait_dma2 semaphore(%run_scoped3A_100 : memref<!tpu.dma_semaphore, #tpu.memory_space<semaphore_mem>>) src(%dma_wait3A_107 : memref<40x128xi32, #tpu.memory_space<hbm>>) dst(%arg9 : memref<40x128xi32, #tpu.memory_space<vmem>>)
      tpu.yield
    }) : () -> ()
    %dma_start3A_34 = arith.constant 0 : i32
    %dma_start3A_35 = arith.constant 0 : i32
    %dma_start3A_36 = tpu.memref_slice %arg8[%dma_start3A_34, %dma_start3A_35] : memref<40x128xi32, #tpu.memory_space<vmem>> -> memref<1x128xi32, #tpu.memory_space<vmem>>
    %dma_start3A_37 = tpu.memref_squeeze %dma_start3A_36 : memref<1x128xi32, #tpu.memory_space<vmem>> -> memref<128xi32, #tpu.memory_space<vmem>>
    %dma_start3A_38 = arith.constant 0 : i32
    %dma_start3A_39 = arith.constant 0 : i32
    %dma_start3A_40 = tpu.memref_slice %arg6[%dma_start3A_38, %dma_start3A_39] : memref<10240x64xf32, #tpu.memory_space<vmem_shared>> -> memref<10240x64xf32, #tpu.memory_space<vmem_shared>>
    tpu.enqueue_indirect_dma source(%dma_start3A_40 : memref<10240x64xf32, #tpu.memory_space<vmem_shared>>) target(%arg10 : memref<128x64xf32, #tpu.memory_space<vmem>>) offsets(%dma_start3A_37 : memref<128xi32, #tpu.memory_space<vmem>>) semaphore(%arg12 : memref<!tpu.dma_semaphore, #tpu.memory_space<semaphore_mem>>)
    %scan3A_41 = arith.constant 0 : i32
    %scan3A_42 = arith.constant 20 : i32
    %scan3A_43 = arith.addi %scan3A_41, %scan3A_42 : i32
    %scan3A_44 = arith.constant 1 : i32
    scf.for %scan3A_100 = %scan3A_41 to %scan3A_43 step %scan3A_44  : i32 {
      %mul3A_101 = arith.constant 2 : i32
      %mul3A_102 = arith.muli %scan3A_100, %mul3A_101 : i32
      %add3A_103 = arith.constant 0 : i32
      %add3A_104 = arith.addi %add3A_103, %mul3A_102 : i32
      %dma_wait3A = arith.constant 0 : i32
      %dma_wait3A_105 = tpu.memref_slice %arg8[%add3A_104, %dma_wait3A] : memref<40x128xi32, #tpu.memory_space<vmem>> -> memref<1x128xi32, #tpu.memory_space<vmem>>
      %dma_wait3A_106 = tpu.memref_squeeze %dma_wait3A_105 : memref<1x128xi32, #tpu.memory_space<vmem>> -> memref<128xi32, #tpu.memory_space<vmem>>
      %dma_wait3A_107 = arith.constant 0 : i32
      %dma_wait3A_108 = arith.constant 0 : i32
      %dma_wait3A_109 = tpu.memref_slice %arg6[%dma_wait3A_107, %dma_wait3A_108] : memref<10240x64xf32, #tpu.memory_space<vmem_shared>> -> memref<10240x64xf32, #tpu.memory_space<vmem_shared>>
      tpu.wait_indirect_dma semaphore(%arg12 : memref<!tpu.dma_semaphore, #tpu.memory_space<semaphore_mem>>) src(%dma_wait3A_109 : memref<10240x64xf32, #tpu.memory_space<vmem_shared>>) dst(%arg10 : memref<128x64xf32, #tpu.memory_space<vmem>>)
      %add3A_110 = arith.constant 1 : i32
      %add3A_111 = arith.addi %add3A_104, %add3A_110 : i32
      %dma_start3A_112 = arith.constant 0 : i32
      %dma_start3A_113 = tpu.memref_slice %arg8[%add3A_111, %dma_start3A_112] : memref<40x128xi32, #tpu.memory_space<vmem>> -> memref<1x128xi32, #tpu.memory_space<vmem>>
      %dma_start3A_114 = tpu.memref_squeeze %dma_start3A_113 : memref<1x128xi32, #tpu.memory_space<vmem>> -> memref<128xi32, #tpu.memory_space<vmem>>
      %dma_start3A_115 = arith.constant 0 : i32
      %dma_start3A_116 = arith.constant 0 : i32
      %dma_start3A_117 = tpu.memref_slice %arg6[%dma_start3A_115, %dma_start3A_116] : memref<10240x64xf32, #tpu.memory_space<vmem_shared>> -> memref<10240x64xf32, #tpu.memory_space<vmem_shared>>
      tpu.enqueue_indirect_dma source(%dma_start3A_117 : memref<10240x64xf32, #tpu.memory_space<vmem_shared>>) target(%arg11 : memref<128x64xf32, #tpu.memory_space<vmem>>) offsets(%dma_start3A_114 : memref<128xi32, #tpu.memory_space<vmem>>) semaphore(%arg13 : memref<!tpu.dma_semaphore, #tpu.memory_space<semaphore_mem>>)
      "tpu.region"() ({
        %run_scoped3A_132 = tpu.sem_alloc : memref<!tpu.dma_semaphore, #tpu.memory_space<semaphore_mem>>
        %dma_start3A_133 = arith.constant 0 : i32
        %dma_start3A_134 = tpu.memref_slice %arg9[%add3A_104, %dma_start3A_133] : memref<40x128xi32, #tpu.memory_space<vmem>> -> memref<1x128xi32, #tpu.memory_space<vmem>>
        %dma_start3A_135 = tpu.memref_squeeze %dma_start3A_134 : memref<1x128xi32, #tpu.memory_space<vmem>> -> memref<128xi32, #tpu.memory_space<vmem>>
        %dma_start3A_136 = arith.constant 0 : i32
        %dma_start3A_137 = arith.constant 0 : i32
        %dma_start3A_138 = tpu.memref_slice %arg7[%dma_start3A_136, %dma_start3A_137] : memref<10240x64xf32, #tpu.memory_space<vmem_shared>> -> memref<10240x64xf32, #tpu.memory_space<vmem_shared>>
        tpu.enqueue_indirect_dma source(%arg10 : memref<128x64xf32, #tpu.memory_space<vmem>>) target(%dma_start3A_138 : memref<10240x64xf32, #tpu.memory_space<vmem_shared>>) offsets(%dma_start3A_135 : memref<128xi32, #tpu.memory_space<vmem>>) semaphore(%run_scoped3A_132 : memref<!tpu.dma_semaphore, #tpu.memory_space<semaphore_mem>>) {add = true}
        %dma_wait3A_139 = arith.constant 0 : i32
        %dma_wait3A_140 = tpu.memref_slice %arg9[%add3A_104, %dma_wait3A_139] : memref<40x128xi32, #tpu.memory_space<vmem>> -> memref<1x128xi32, #tpu.memory_space<vmem>>
        %dma_wait3A_141 = tpu.memref_squeeze %dma_wait3A_140 : memref<1x128xi32, #tpu.memory_space<vmem>> -> memref<128xi32, #tpu.memory_space<vmem>>
        %dma_wait3A_142 = arith.constant 0 : i32
        %dma_wait3A_143 = arith.constant 0 : i32
        %dma_wait3A_144 = tpu.memref_slice %arg7[%dma_wait3A_142, %dma_wait3A_143] : memref<10240x64xf32, #tpu.memory_space<vmem_shared>> -> memref<10240x64xf32, #tpu.memory_space<vmem_shared>>
        tpu.wait_indirect_dma semaphore(%run_scoped3A_132 : memref<!tpu.dma_semaphore, #tpu.memory_space<semaphore_mem>>) src(%arg10 : memref<128x64xf32, #tpu.memory_space<vmem>>) dst(%dma_wait3A_144 : memref<10240x64xf32, #tpu.memory_space<vmem_shared>>)
        tpu.yield
      }) : () -> ()
      %add3A_118 = arith.constant 1 : i32
      %add3A_119 = arith.addi %add3A_104, %add3A_118 : i32
      %dma_wait3A_120 = arith.constant 0 : i32
      %dma_wait3A_121 = tpu.memref_slice %arg8[%add3A_119, %dma_wait3A_120] : memref<40x128xi32, #tpu.memory_space<vmem>> -> memref<1x128xi32, #tpu.memory_space<vmem>>
      %dma_wait3A_122 = tpu.memref_squeeze %dma_wait3A_121 : memref<1x128xi32, #tpu.memory_space<vmem>> -> memref<128xi32, #tpu.memory_space<vmem>>
      %dma_wait3A_123 = arith.constant 0 : i32
      %dma_wait3A_124 = arith.constant 0 : i32
      %dma_wait3A_125 = tpu.memref_slice %arg6[%dma_wait3A_123, %dma_wait3A_124] : memref<10240x64xf32, #tpu.memory_space<vmem_shared>> -> memref<10240x64xf32, #tpu.memory_space<vmem_shared>>
      tpu.wait_indirect_dma semaphore(%arg13 : memref<!tpu.dma_semaphore, #tpu.memory_space<semaphore_mem>>) src(%dma_wait3A_125 : memref<10240x64xf32, #tpu.memory_space<vmem_shared>>) dst(%arg11 : memref<128x64xf32, #tpu.memory_space<vmem>>)
      %add3A_126 = arith.constant 2 : i32
      %add3A_127 = arith.addi %add3A_104, %add3A_126 : i32
      %lt3A = arith.constant 40 : i32
      %lt3A_128 = arith.cmpi slt, %add3A_127, %lt3A : i32
      %convert_element_type3A = arith.extui %lt3A_128 : i1 to i32
      %cond3A = arith.constant 0 : i32
      %cond3A_129 = arith.cmpi ne, %convert_element_type3A, %cond3A : i32
      scf.if %cond3A_129 {
        %add3A_132 = arith.constant 2 : i32
        %add3A_133 = arith.addi %add3A_104, %add3A_132 : i32
        %dma_start3A_134 = arith.constant 0 : i32
        %dma_start3A_135 = tpu.memref_slice %arg8[%add3A_133, %dma_start3A_134] : memref<40x128xi32, #tpu.memory_space<vmem>> -> memref<1x128xi32, #tpu.memory_space<vmem>>
        %dma_start3A_136 = tpu.memref_squeeze %dma_start3A_135 : memref<1x128xi32, #tpu.memory_space<vmem>> -> memref<128xi32, #tpu.memory_space<vmem>>
        %dma_start3A_137 = arith.constant 0 : i32
        %dma_start3A_138 = arith.constant 0 : i32
        %dma_start3A_139 = tpu.memref_slice %arg6[%dma_start3A_137, %dma_start3A_138] : memref<10240x64xf32, #tpu.memory_space<vmem_shared>> -> memref<10240x64xf32, #tpu.memory_space<vmem_shared>>
        tpu.enqueue_indirect_dma source(%dma_start3A_139 : memref<10240x64xf32, #tpu.memory_space<vmem_shared>>) target(%arg10 : memref<128x64xf32, #tpu.memory_space<vmem>>) offsets(%dma_start3A_136 : memref<128xi32, #tpu.memory_space<vmem>>) semaphore(%arg12 : memref<!tpu.dma_semaphore, #tpu.memory_space<semaphore_mem>>)
      } else {
      }
      %add3A_130 = arith.constant 1 : i32
      %add3A_131 = arith.addi %add3A_104, %add3A_130 : i32
      "tpu.region"() ({
        %run_scoped3A_132 = tpu.sem_alloc : memref<!tpu.dma_semaphore, #tpu.memory_space<semaphore_mem>>
        %dma_start3A_133 = arith.constant 0 : i32
        %dma_start3A_134 = tpu.memref_slice %arg9[%add3A_131, %dma_start3A_133] : memref<40x128xi32, #tpu.memory_space<vmem>> -> memref<1x128xi32, #tpu.memory_space<vmem>>
        %dma_start3A_135 = tpu.memref_squeeze %dma_start3A_134 : memref<1x128xi32, #tpu.memory_space<vmem>> -> memref<128xi32, #tpu.memory_space<vmem>>
        %dma_start3A_136 = arith.constant 0 : i32
        %dma_start3A_137 = arith.constant 0 : i32
        %dma_start3A_138 = tpu.memref_slice %arg7[%dma_start3A_136, %dma_start3A_137] : memref<10240x64xf32, #tpu.memory_space<vmem_shared>> -> memref<10240x64xf32, #tpu.memory_space<vmem_shared>>
        tpu.enqueue_indirect_dma source(%arg11 : memref<128x64xf32, #tpu.memory_space<vmem>>) target(%dma_start3A_138 : memref<10240x64xf32, #tpu.memory_space<vmem_shared>>) offsets(%dma_start3A_135 : memref<128xi32, #tpu.memory_space<vmem>>) semaphore(%run_scoped3A_132 : memref<!tpu.dma_semaphore, #tpu.memory_space<semaphore_mem>>) {add = true}
        %dma_wait3A_139 = arith.constant 0 : i32
        %dma_wait3A_140 = tpu.memref_slice %arg9[%add3A_131, %dma_wait3A_139] : memref<40x128xi32, #tpu.memory_space<vmem>> -> memref<1x128xi32, #tpu.memory_space<vmem>>
        %dma_wait3A_141 = tpu.memref_squeeze %dma_wait3A_140 : memref<1x128xi32, #tpu.memory_space<vmem>> -> memref<128xi32, #tpu.memory_space<vmem>>
        %dma_wait3A_142 = arith.constant 0 : i32
        %dma_wait3A_143 = arith.constant 0 : i32
        %dma_wait3A_144 = tpu.memref_slice %arg7[%dma_wait3A_142, %dma_wait3A_143] : memref<10240x64xf32, #tpu.memory_space<vmem_shared>> -> memref<10240x64xf32, #tpu.memory_space<vmem_shared>>
        tpu.wait_indirect_dma semaphore(%run_scoped3A_132 : memref<!tpu.dma_semaphore, #tpu.memory_space<semaphore_mem>>) src(%arg11 : memref<128x64xf32, #tpu.memory_space<vmem>>) dst(%dma_wait3A_144 : memref<10240x64xf32, #tpu.memory_space<vmem_shared>>)
        tpu.yield
      }) : () -> ()
    }
    %scan3A_45 = arith.constant 20 : i32
    %barrier3A_46 = arith.constant 0 : index
    tpu.barrier barrier_id(%barrier3A_46)
    %run_scoped3A_47 = arith.constant 0 : i32
    "tpu.region"() ({
      %run_scoped3A_100 = tpu.sem_alloc : memref<!tpu.dma_semaphore, #tpu.memory_space<semaphore_mem>>
      %dma_start3A_101 = arith.constant 0 : i32
      %dma_start3A_102 = tpu.memref_slice %arg5[%arg0, %run_scoped3A_47, %mul3A_0, %dma_start3A_101] : memref<2x2x10240x64xf32, #tpu.memory_space<hbm>> -> memref<1x1x640x64xf32, #tpu.memory_space<hbm>>
      %dma_start3A_103 = tpu.memref_squeeze %dma_start3A_102 : memref<1x1x640x64xf32, #tpu.memory_space<hbm>> -> memref<640x64xf32, #tpu.memory_space<hbm>>
      %dma_start3A_104 = arith.constant 0 : i32
      %dma_start3A_105 = tpu.memref_slice %arg7[%mul3A_0, %dma_start3A_104] : memref<10240x64xf32, #tpu.memory_space<vmem_shared>> -> memref<640x64xf32, #tpu.memory_space<vmem_shared>>
      tpu.enqueue_dma source(%dma_start3A_105 : memref<640x64xf32, #tpu.memory_space<vmem_shared>>) target(%dma_start3A_103 : memref<640x64xf32, #tpu.memory_space<hbm>>) target_semaphore(%run_scoped3A_100 : memref<!tpu.dma_semaphore, #tpu.memory_space<semaphore_mem>>)
      %dma_wait3A = arith.constant 0 : i32
      %dma_wait3A_106 = tpu.memref_slice %arg5[%arg0, %run_scoped3A_47, %mul3A_0, %dma_wait3A] : memref<2x2x10240x64xf32, #tpu.memory_space<hbm>> -> memref<1x1x640x64xf32, #tpu.memory_space<hbm>>
      %dma_wait3A_107 = tpu.memref_squeeze %dma_wait3A_106 : memref<1x1x640x64xf32, #tpu.memory_space<hbm>> -> memref<640x64xf32, #tpu.memory_space<hbm>>
      %dma_wait3A_108 = arith.constant 0 : i32
      %dma_wait3A_109 = tpu.memref_slice %arg7[%mul3A_0, %dma_wait3A_108] : memref<10240x64xf32, #tpu.memory_space<vmem_shared>> -> memref<640x64xf32, #tpu.memory_space<vmem_shared>>
      tpu.wait_dma2 semaphore(%run_scoped3A_100 : memref<!tpu.dma_semaphore, #tpu.memory_space<semaphore_mem>>) src(%dma_wait3A_109 : memref<640x64xf32, #tpu.memory_space<vmem_shared>>) dst(%dma_wait3A_107 : memref<640x64xf32, #tpu.memory_space<hbm>>)
      tpu.yield
    }) : () -> ()
    %scan3A_48 = arith.constant 0 : i32
    %scan3A_49 = arith.constant 128 : i32
    %scan3A_50 = arith.addi %scan3A_48, %scan3A_49 : i32
    %scan3A_51 = arith.constant 1 : i32
    scf.for %scan3A_100 = %scan3A_48 to %scan3A_50 step %scan3A_51  : i32 {
      %mul3A_101 = arith.constant 1 : i32
      %mul3A_102 = arith.muli %scan3A_100, %mul3A_101 : i32
      %add3A_103 = arith.constant 0 : i32
      %add3A_104 = arith.addi %add3A_103, %mul3A_102 : i32
      %scan3A_105 = arith.constant 0 : i32
      %scan3A_106 = arith.constant 4 : i32
      %scan3A_107 = arith.addi %scan3A_105, %scan3A_106 : i32
      %scan3A_108 = arith.constant 1 : i32
      scf.for %scan3A_110 = %scan3A_105 to %scan3A_107 step %scan3A_108  : i32 {
        %mul3A_111 = arith.constant 1 : i32
        %mul3A_112 = arith.muli %scan3A_110, %mul3A_111 : i32
        %add3A_113 = arith.constant 0 : i32
        %add3A_114 = arith.addi %add3A_113, %mul3A_112 : i32
        %broadcast_in_dim3A = arith.constant 0.000000e+00 : f32
        %broadcast_in_dim3A_115 = vector.broadcast %broadcast_in_dim3A : f32 to vector<16xf32>
        %mul3A_116 = arith.constant 16 : i32
        %mul3A_117 = arith.muli %add3A_114, %mul3A_116 : i32
        %swap3A = arith.index_cast %add3A_104 : i32 to index
        %swap3A_118 = arith.index_cast %mul3A_117 : i32 to index
        %swap3A_119 = tpu.vector_load %arg10[%swap3A, %swap3A_118] {strides = array<i32>} : memref<128x64xf32, #tpu.memory_space<vmem>>, vector<1x16xf32>,
        %swap3A_120 = vector.shape_cast %swap3A_119 : vector<1x16xf32> to vector<16xf32>
        %swap3A_121 = vector.shape_cast %broadcast_in_dim3A_115 : vector<16xf32> to vector<1x16xf32>
        tpu.vector_store %arg10[%swap3A, %swap3A_118], %swap3A_121 {strides = array<i32>} : memref<128x64xf32, #tpu.memory_space<vmem>>, vector<1x16xf32>,
      }
      %scan3A_109 = arith.constant 4 : i32
    }
    %scan3A_52 = arith.constant 128 : i32
    %run_scoped3A_53 = arith.constant 1 : i32
    "tpu.region"() ({
      %run_scoped3A_100 = tpu.sem_alloc : memref<!tpu.dma_semaphore, #tpu.memory_space<semaphore_mem>>
      %dma_start3A_101 = arith.constant 0 : i32
      %dma_start3A_102 = tpu.memref_slice %arg6[%mul3A_0, %dma_start3A_101] : memref<10240x64xf32, #tpu.memory_space<vmem_shared>> -> memref<640x64xf32, #tpu.memory_space<vmem_shared>>
      %dma_start3A_103 = arith.constant 0 : i32
      %dma_start3A_104 = tpu.memref_slice %arg2[%run_scoped3A_53, %mul3A_0, %dma_start3A_103] : memref<2x10240x64xf32, #tpu.memory_space<hbm>> -> memref<1x640x64xf32, #tpu.memory_space<hbm>>
      %dma_start3A_105 = tpu.memref_squeeze %dma_start3A_104 : memref<1x640x64xf32, #tpu.memory_space<hbm>> -> memref<640x64xf32, #tpu.memory_space<hbm>>
      tpu.enqueue_dma source(%dma_start3A_105 : memref<640x64xf32, #tpu.memory_space<hbm>>) target(%dma_start3A_102 : memref<640x64xf32, #tpu.memory_space<vmem_shared>>) target_semaphore(%run_scoped3A_100 : memref<!tpu.dma_semaphore, #tpu.memory_space<semaphore_mem>>)
      %dma_wait3A = arith.constant 0 : i32
      %dma_wait3A_106 = tpu.memref_slice %arg6[%mul3A_0, %dma_wait3A] : memref<10240x64xf32, #tpu.memory_space<vmem_shared>> -> memref<640x64xf32, #tpu.memory_space<vmem_shared>>
      %dma_wait3A_107 = arith.constant 0 : i32
      %dma_wait3A_108 = tpu.memref_slice %arg2[%run_scoped3A_53, %mul3A_0, %dma_wait3A_107] : memref<2x10240x64xf32, #tpu.memory_space<hbm>> -> memref<1x640x64xf32, #tpu.memory_space<hbm>>
      %dma_wait3A_109 = tpu.memref_squeeze %dma_wait3A_108 : memref<1x640x64xf32, #tpu.memory_space<hbm>> -> memref<640x64xf32, #tpu.memory_space<hbm>>
      tpu.wait_dma2 semaphore(%run_scoped3A_100 : memref<!tpu.dma_semaphore, #tpu.memory_space<semaphore_mem>>) src(%dma_wait3A_109 : memref<640x64xf32, #tpu.memory_space<hbm>>) dst(%dma_wait3A_106 : memref<640x64xf32, #tpu.memory_space<vmem_shared>>)
      tpu.yield
    }) : () -> ()
    %scan3A_54 = arith.constant 0 : i32
    %scan3A_55 = arith.constant 5 : i32
    %scan3A_56 = arith.addi %scan3A_54, %scan3A_55 : i32
    %scan3A_57 = arith.constant 1 : i32
    scf.for %scan3A_100 = %scan3A_54 to %scan3A_56 step %scan3A_57  : i32 {
      %mul3A_101 = arith.constant 1 : i32
      %mul3A_102 = arith.muli %scan3A_100, %mul3A_101 : i32
      %add3A_103 = arith.constant 0 : i32
      %add3A_104 = arith.addi %add3A_103, %mul3A_102 : i32
      %mul3A_105 = arith.constant 128 : i32
      %mul3A_106 = arith.muli %add3A_104, %mul3A_105 : i32
      %add3A_107 = arith.addi %mul3A_0, %mul3A_106 : i32
      "tpu.region"() ({
        %run_scoped3A_108 = tpu.sem_alloc : memref<!tpu.dma_semaphore, #tpu.memory_space<semaphore_mem>>
        %dma_start3A_109 = arith.constant 0 : i32
        %dma_start3A_110 = tpu.memref_slice %arg7[%add3A_107, %dma_start3A_109] : memref<10240x64xf32, #tpu.memory_space<vmem_shared>> -> memref<128x64xf32, #tpu.memory_space<vmem_shared>>
        %dma_start3A_111 = arith.constant 0 : i32
        %dma_start3A_112 = tpu.memref_slice %arg7[%add3A_107, %dma_start3A_111] : memref<10240x64xf32, #tpu.memory_space<vmem_shared>> -> memref<128x64xf32, #tpu.memory_space<vmem_shared>>
        tpu.enqueue_dma source(%arg10 : memref<128x64xf32, #tpu.memory_space<vmem>>) target(%dma_start3A_112 : memref<128x64xf32, #tpu.memory_space<vmem_shared>>) target_semaphore(%run_scoped3A_108 : memref<!tpu.dma_semaphore, #tpu.memory_space<semaphore_mem>>)
        %dma_wait3A = arith.constant 0 : i32
        %dma_wait3A_113 = tpu.memref_slice %arg7[%add3A_107, %dma_wait3A] : memref<10240x64xf32, #tpu.memory_space<vmem_shared>> -> memref<128x64xf32, #tpu.memory_space<vmem_shared>>
        %dma_wait3A_114 = arith.constant 0 : i32
        %dma_wait3A_115 = tpu.memref_slice %arg7[%add3A_107, %dma_wait3A_114] : memref<10240x64xf32, #tpu.memory_space<vmem_shared>> -> memref<128x64xf32, #tpu.memory_space<vmem_shared>>
        tpu.wait_dma2 semaphore(%run_scoped3A_108 : memref<!tpu.dma_semaphore, #tpu.memory_space<semaphore_mem>>) src(%arg10 : memref<128x64xf32, #tpu.memory_space<vmem>>) dst(%dma_wait3A_115 : memref<128x64xf32, #tpu.memory_space<vmem_shared>>)
        tpu.yield
      }) : () -> ()
    }
    %scan3A_58 = arith.constant 5 : i32
    %barrier3A_59 = arith.constant 0 : index
    tpu.barrier barrier_id(%barrier3A_59)
    %mul3A_60 = arith.constant 1280 : i32
    %mul3A_61 = arith.muli %arg0, %mul3A_60 : i32
    %mul3A_62 = arith.constant 80 : i32
    %mul3A_63 = arith.muli %arg1, %mul3A_62 : i32
    %add3A_64 = arith.addi %mul3A_61, %mul3A_63 : i32
    %add3A_65 = arith.constant 0 : i32
    %add3A_66 = arith.addi %add3A_64, %add3A_65 : i32
    "tpu.region"() ({
      %run_scoped3A_100 = tpu.sem_alloc : memref<!tpu.dma_semaphore, #tpu.memory_space<semaphore_mem>>
      %dma_start3A_101 = arith.constant 0 : i32
      %dma_start3A_102 = tpu.memref_slice %arg3[%add3A_66, %dma_start3A_101] : memref<2560x128xi32, #tpu.memory_space<hbm>> -> memref<40x128xi32, #tpu.memory_space<hbm>>
      %dma_start3A_103 = arith.constant 0 : i32
      %dma_start3A_104 = tpu.memref_slice %arg3[%add3A_66, %dma_start3A_103] : memref<2560x128xi32, #tpu.memory_space<hbm>> -> memref<40x128xi32, #tpu.memory_space<hbm>>
      tpu.enqueue_dma source(%dma_start3A_104 : memref<40x128xi32, #tpu.memory_space<hbm>>) target(%arg8 : memref<40x128xi32, #tpu.memory_space<vmem>>) target_semaphore(%run_scoped3A_100 : memref<!tpu.dma_semaphore, #tpu.memory_space<semaphore_mem>>)
      %dma_wait3A = arith.constant 0 : i32
      %dma_wait3A_105 = tpu.memref_slice %arg3[%add3A_66, %dma_wait3A] : memref<2560x128xi32, #tpu.memory_space<hbm>> -> memref<40x128xi32, #tpu.memory_space<hbm>>
      %dma_wait3A_106 = arith.constant 0 : i32
      %dma_wait3A_107 = tpu.memref_slice %arg3[%add3A_66, %dma_wait3A_106] : memref<2560x128xi32, #tpu.memory_space<hbm>> -> memref<40x128xi32, #tpu.memory_space<hbm>>
      tpu.wait_dma2 semaphore(%run_scoped3A_100 : memref<!tpu.dma_semaphore, #tpu.memory_space<semaphore_mem>>) src(%dma_wait3A_107 : memref<40x128xi32, #tpu.memory_space<hbm>>) dst(%arg8 : memref<40x128xi32, #tpu.memory_space<vmem>>)
      tpu.yield
    }) : () -> ()
    "tpu.region"() ({
      %run_scoped3A_100 = tpu.sem_alloc : memref<!tpu.dma_semaphore, #tpu.memory_space<semaphore_mem>>
      %dma_start3A_101 = arith.constant 0 : i32
      %dma_start3A_102 = tpu.memref_slice %arg4[%add3A_66, %dma_start3A_101] : memref<2560x128xi32, #tpu.memory_space<hbm>> -> memref<40x128xi32, #tpu.memory_space<hbm>>
      %dma_start3A_103 = arith.constant 0 : i32
      %dma_start3A_104 = tpu.memref_slice %arg4[%add3A_66, %dma_start3A_103] : memref<2560x128xi32, #tpu.memory_space<hbm>> -> memref<40x128xi32, #tpu.memory_space<hbm>>
      tpu.enqueue_dma source(%dma_start3A_104 : memref<40x128xi32, #tpu.memory_space<hbm>>) target(%arg9 : memref<40x128xi32, #tpu.memory_space<vmem>>) target_semaphore(%run_scoped3A_100 : memref<!tpu.dma_semaphore, #tpu.memory_space<semaphore_mem>>)
      %dma_wait3A = arith.constant 0 : i32
      %dma_wait3A_105 = tpu.memref_slice %arg4[%add3A_66, %dma_wait3A] : memref<2560x128xi32, #tpu.memory_space<hbm>> -> memref<40x128xi32, #tpu.memory_space<hbm>>
      %dma_wait3A_106 = arith.constant 0 : i32
      %dma_wait3A_107 = tpu.memref_slice %arg4[%add3A_66, %dma_wait3A_106] : memref<2560x128xi32, #tpu.memory_space<hbm>> -> memref<40x128xi32, #tpu.memory_space<hbm>>
      tpu.wait_dma2 semaphore(%run_scoped3A_100 : memref<!tpu.dma_semaphore, #tpu.memory_space<semaphore_mem>>) src(%dma_wait3A_107 : memref<40x128xi32, #tpu.memory_space<hbm>>) dst(%arg9 : memref<40x128xi32, #tpu.memory_space<vmem>>)
      tpu.yield
    }) : () -> ()
    %dma_start3A_67 = arith.constant 0 : i32
    %dma_start3A_68 = arith.constant 0 : i32
    %dma_start3A_69 = tpu.memref_slice %arg8[%dma_start3A_67, %dma_start3A_68] : memref<40x128xi32, #tpu.memory_space<vmem>> -> memref<1x128xi32, #tpu.memory_space<vmem>>
    %dma_start3A_70 = tpu.memref_squeeze %dma_start3A_69 : memref<1x128xi32, #tpu.memory_space<vmem>> -> memref<128xi32, #tpu.memory_space<vmem>>
    %dma_start3A_71 = arith.constant 0 : i32
    %dma_start3A_72 = arith.constant 0 : i32
    %dma_start3A_73 = tpu.memref_slice %arg6[%dma_start3A_71, %dma_start3A_72] : memref<10240x64xf32, #tpu.memory_space<vmem_shared>> -> memref<10240x64xf32, #tpu.memory_space<vmem_shared>>
    tpu.enqueue_indirect_dma source(%dma_start3A_73 : memref<10240x64xf32, #tpu.memory_space<vmem_shared>>) target(%arg10 : memref<128x64xf32, #tpu.memory_space<vmem>>) offsets(%dma_start3A_70 : memref<128xi32, #tpu.memory_space<vmem>>) semaphore(%arg12 : memref<!tpu.dma_semaphore, #tpu.memory_space<semaphore_mem>>)
    %scan3A_74 = arith.constant 0 : i32
    %scan3A_75 = arith.constant 20 : i32
    %scan3A_76 = arith.addi %scan3A_74, %scan3A_75 : i32
    %scan3A_77 = arith.constant 1 : i32
    scf.for %scan3A_100 = %scan3A_74 to %scan3A_76 step %scan3A_77  : i32 {
      %mul3A_101 = arith.constant 2 : i32
      %mul3A_102 = arith.muli %scan3A_100, %mul3A_101 : i32
      %add3A_103 = arith.constant 0 : i32
      %add3A_104 = arith.addi %add3A_103, %mul3A_102 : i32
      %dma_wait3A = arith.constant 0 : i32
      %dma_wait3A_105 = tpu.memref_slice %arg8[%add3A_104, %dma_wait3A] : memref<40x128xi32, #tpu.memory_space<vmem>> -> memref<1x128xi32, #tpu.memory_space<vmem>>
      %dma_wait3A_106 = tpu.memref_squeeze %dma_wait3A_105 : memref<1x128xi32, #tpu.memory_space<vmem>> -> memref<128xi32, #tpu.memory_space<vmem>>
      %dma_wait3A_107 = arith.constant 0 : i32
      %dma_wait3A_108 = arith.constant 0 : i32
      %dma_wait3A_109 = tpu.memref_slice %arg6[%dma_wait3A_107, %dma_wait3A_108] : memref<10240x64xf32, #tpu.memory_space<vmem_shared>> -> memref<10240x64xf32, #tpu.memory_space<vmem_shared>>
      tpu.wait_indirect_dma semaphore(%arg12 : memref<!tpu.dma_semaphore, #tpu.memory_space<semaphore_mem>>) src(%dma_wait3A_109 : memref<10240x64xf32, #tpu.memory_space<vmem_shared>>) dst(%arg10 : memref<128x64xf32, #tpu.memory_space<vmem>>)
      %add3A_110 = arith.constant 1 : i32
      %add3A_111 = arith.addi %add3A_104, %add3A_110 : i32
      %dma_start3A_112 = arith.constant 0 : i32
      %dma_start3A_113 = tpu.memref_slice %arg8[%add3A_111, %dma_start3A_112] : memref<40x128xi32, #tpu.memory_space<vmem>> -> memref<1x128xi32, #tpu.memory_space<vmem>>
      %dma_start3A_114 = tpu.memref_squeeze %dma_start3A_113 : memref<1x128xi32, #tpu.memory_space<vmem>> -> memref<128xi32, #tpu.memory_space<vmem>>
      %dma_start3A_115 = arith.constant 0 : i32
      %dma_start3A_116 = arith.constant 0 : i32
      %dma_start3A_117 = tpu.memref_slice %arg6[%dma_start3A_115, %dma_start3A_116] : memref<10240x64xf32, #tpu.memory_space<vmem_shared>> -> memref<10240x64xf32, #tpu.memory_space<vmem_shared>>
      tpu.enqueue_indirect_dma source(%dma_start3A_117 : memref<10240x64xf32, #tpu.memory_space<vmem_shared>>) target(%arg11 : memref<128x64xf32, #tpu.memory_space<vmem>>) offsets(%dma_start3A_114 : memref<128xi32, #tpu.memory_space<vmem>>) semaphore(%arg13 : memref<!tpu.dma_semaphore, #tpu.memory_space<semaphore_mem>>)
      "tpu.region"() ({
        %run_scoped3A_132 = tpu.sem_alloc : memref<!tpu.dma_semaphore, #tpu.memory_space<semaphore_mem>>
        %dma_start3A_133 = arith.constant 0 : i32
        %dma_start3A_134 = tpu.memref_slice %arg9[%add3A_104, %dma_start3A_133] : memref<40x128xi32, #tpu.memory_space<vmem>> -> memref<1x128xi32, #tpu.memory_space<vmem>>
        %dma_start3A_135 = tpu.memref_squeeze %dma_start3A_134 : memref<1x128xi32, #tpu.memory_space<vmem>> -> memref<128xi32, #tpu.memory_space<vmem>>
        %dma_start3A_136 = arith.constant 0 : i32
        %dma_start3A_137 = arith.constant 0 : i32
        %dma_start3A_138 = tpu.memref_slice %arg7[%dma_start3A_136, %dma_start3A_137] : memref<10240x64xf32, #tpu.memory_space<vmem_shared>> -> memref<10240x64xf32, #tpu.memory_space<vmem_shared>>
        tpu.enqueue_indirect_dma source(%arg10 : memref<128x64xf32, #tpu.memory_space<vmem>>) target(%dma_start3A_138 : memref<10240x64xf32, #tpu.memory_space<vmem_shared>>) offsets(%dma_start3A_135 : memref<128xi32, #tpu.memory_space<vmem>>) semaphore(%run_scoped3A_132 : memref<!tpu.dma_semaphore, #tpu.memory_space<semaphore_mem>>) {add = true}
        %dma_wait3A_139 = arith.constant 0 : i32
        %dma_wait3A_140 = tpu.memref_slice %arg9[%add3A_104, %dma_wait3A_139] : memref<40x128xi32, #tpu.memory_space<vmem>> -> memref<1x128xi32, #tpu.memory_space<vmem>>
        %dma_wait3A_141 = tpu.memref_squeeze %dma_wait3A_140 : memref<1x128xi32, #tpu.memory_space<vmem>> -> memref<128xi32, #tpu.memory_space<vmem>>
        %dma_wait3A_142 = arith.constant 0 : i32
        %dma_wait3A_143 = arith.constant 0 : i32
        %dma_wait3A_144 = tpu.memref_slice %arg7[%dma_wait3A_142, %dma_wait3A_143] : memref<10240x64xf32, #tpu.memory_space<vmem_shared>> -> memref<10240x64xf32, #tpu.memory_space<vmem_shared>>
        tpu.wait_indirect_dma semaphore(%run_scoped3A_132 : memref<!tpu.dma_semaphore, #tpu.memory_space<semaphore_mem>>) src(%arg10 : memref<128x64xf32, #tpu.memory_space<vmem>>) dst(%dma_wait3A_144 : memref<10240x64xf32, #tpu.memory_space<vmem_shared>>)
        tpu.yield
      }) : () -> ()
      %add3A_118 = arith.constant 1 : i32
      %add3A_119 = arith.addi %add3A_104, %add3A_118 : i32
      %dma_wait3A_120 = arith.constant 0 : i32
      %dma_wait3A_121 = tpu.memref_slice %arg8[%add3A_119, %dma_wait3A_120] : memref<40x128xi32, #tpu.memory_space<vmem>> -> memref<1x128xi32, #tpu.memory_space<vmem>>
      %dma_wait3A_122 = tpu.memref_squeeze %dma_wait3A_121 : memref<1x128xi32, #tpu.memory_space<vmem>> -> memref<128xi32, #tpu.memory_space<vmem>>
      %dma_wait3A_123 = arith.constant 0 : i32
      %dma_wait3A_124 = arith.constant 0 : i32
      %dma_wait3A_125 = tpu.memref_slice %arg6[%dma_wait3A_123, %dma_wait3A_124] : memref<10240x64xf32, #tpu.memory_space<vmem_shared>> -> memref<10240x64xf32, #tpu.memory_space<vmem_shared>>
      tpu.wait_indirect_dma semaphore(%arg13 : memref<!tpu.dma_semaphore, #tpu.memory_space<semaphore_mem>>) src(%dma_wait3A_125 : memref<10240x64xf32, #tpu.memory_space<vmem_shared>>) dst(%arg11 : memref<128x64xf32, #tpu.memory_space<vmem>>)
      %add3A_126 = arith.constant 2 : i32
      %add3A_127 = arith.addi %add3A_104, %add3A_126 : i32
      %lt3A = arith.constant 40 : i32
      %lt3A_128 = arith.cmpi slt, %add3A_127, %lt3A : i32
      %convert_element_type3A = arith.extui %lt3A_128 : i1 to i32
      %cond3A = arith.constant 0 : i32
      %cond3A_129 = arith.cmpi ne, %convert_element_type3A, %cond3A : i32
      scf.if %cond3A_129 {
        %add3A_132 = arith.constant 2 : i32
        %add3A_133 = arith.addi %add3A_104, %add3A_132 : i32
        %dma_start3A_134 = arith.constant 0 : i32
        %dma_start3A_135 = tpu.memref_slice %arg8[%add3A_133, %dma_start3A_134] : memref<40x128xi32, #tpu.memory_space<vmem>> -> memref<1x128xi32, #tpu.memory_space<vmem>>
        %dma_start3A_136 = tpu.memref_squeeze %dma_start3A_135 : memref<1x128xi32, #tpu.memory_space<vmem>> -> memref<128xi32, #tpu.memory_space<vmem>>
        %dma_start3A_137 = arith.constant 0 : i32
        %dma_start3A_138 = arith.constant 0 : i32
        %dma_start3A_139 = tpu.memref_slice %arg6[%dma_start3A_137, %dma_start3A_138] : memref<10240x64xf32, #tpu.memory_space<vmem_shared>> -> memref<10240x64xf32, #tpu.memory_space<vmem_shared>>
        tpu.enqueue_indirect_dma source(%dma_start3A_139 : memref<10240x64xf32, #tpu.memory_space<vmem_shared>>) target(%arg10 : memref<128x64xf32, #tpu.memory_space<vmem>>) offsets(%dma_start3A_136 : memref<128xi32, #tpu.memory_space<vmem>>) semaphore(%arg12 : memref<!tpu.dma_semaphore, #tpu.memory_space<semaphore_mem>>)
      } else {
      }
      %add3A_130 = arith.constant 1 : i32
      %add3A_131 = arith.addi %add3A_104, %add3A_130 : i32
      "tpu.region"() ({
        %run_scoped3A_132 = tpu.sem_alloc : memref<!tpu.dma_semaphore, #tpu.memory_space<semaphore_mem>>
        %dma_start3A_133 = arith.constant 0 : i32
        %dma_start3A_134 = tpu.memref_slice %arg9[%add3A_131, %dma_start3A_133] : memref<40x128xi32, #tpu.memory_space<vmem>> -> memref<1x128xi32, #tpu.memory_space<vmem>>
        %dma_start3A_135 = tpu.memref_squeeze %dma_start3A_134 : memref<1x128xi32, #tpu.memory_space<vmem>> -> memref<128xi32, #tpu.memory_space<vmem>>
        %dma_start3A_136 = arith.constant 0 : i32
        %dma_start3A_137 = arith.constant 0 : i32
        %dma_start3A_138 = tpu.memref_slice %arg7[%dma_start3A_136, %dma_start3A_137] : memref<10240x64xf32, #tpu.memory_space<vmem_shared>> -> memref<10240x64xf32, #tpu.memory_space<vmem_shared>>
        tpu.enqueue_indirect_dma source(%arg11 : memref<128x64xf32, #tpu.memory_space<vmem>>) target(%dma_start3A_138 : memref<10240x64xf32, #tpu.memory_space<vmem_shared>>) offsets(%dma_start3A_135 : memref<128xi32, #tpu.memory_space<vmem>>) semaphore(%run_scoped3A_132 : memref<!tpu.dma_semaphore, #tpu.memory_space<semaphore_mem>>) {add = true}
        %dma_wait3A_139 = arith.constant 0 : i32
        %dma_wait3A_140 = tpu.memref_slice %arg9[%add3A_131, %dma_wait3A_139] : memref<40x128xi32, #tpu.memory_space<vmem>> -> memref<1x128xi32, #tpu.memory_space<vmem>>
        %dma_wait3A_141 = tpu.memref_squeeze %dma_wait3A_140 : memref<1x128xi32, #tpu.memory_space<vmem>> -> memref<128xi32, #tpu.memory_space<vmem>>
        %dma_wait3A_142 = arith.constant 0 : i32
        %dma_wait3A_143 = arith.constant 0 : i32
        %dma_wait3A_144 = tpu.memref_slice %arg7[%dma_wait3A_142, %dma_wait3A_143] : memref<10240x64xf32, #tpu.memory_space<vmem_shared>> -> memref<10240x64xf32, #tpu.memory_space<vmem_shared>>
        tpu.wait_indirect_dma semaphore(%run_scoped3A_132 : memref<!tpu.dma_semaphore, #tpu.memory_space<semaphore_mem>>) src(%arg11 : memref<128x64xf32, #tpu.memory_space<vmem>>) dst(%dma_wait3A_144 : memref<10240x64xf32, #tpu.memory_space<vmem_shared>>)
        tpu.yield
      }) : () -> ()
    }
    %scan3A_78 = arith.constant 20 : i32
    %mul3A_79 = arith.constant 1280 : i32
    %mul3A_80 = arith.muli %arg0, %mul3A_79 : i32
    %mul3A_81 = arith.constant 80 : i32
    %mul3A_82 = arith.muli %arg1, %mul3A_81 : i32
    %add3A_83 = arith.addi %mul3A_80, %mul3A_82 : i32
    %add3A_84 = arith.constant 40 : i32
    %add3A_85 = arith.addi %add3A_83, %add3A_84 : i32
    "tpu.region"() ({
      %run_scoped3A_100 = tpu.sem_alloc : memref<!tpu.dma_semaphore, #tpu.memory_space<semaphore_mem>>
      %dma_start3A_101 = arith.constant 0 : i32
      %dma_start3A_102 = tpu.memref_slice %arg3[%add3A_85, %dma_start3A_101] : memref<2560x128xi32, #tpu.memory_space<hbm>> -> memref<40x128xi32, #tpu.memory_space<hbm>>
      %dma_start3A_103 = arith.constant 0 : i32
      %dma_start3A_104 = tpu.memref_slice %arg3[%add3A_85, %dma_start3A_103] : memref<2560x128xi32, #tpu.memory_space<hbm>> -> memref<40x128xi32, #tpu.memory_space<hbm>>
      tpu.enqueue_dma source(%dma_start3A_104 : memref<40x128xi32, #tpu.memory_space<hbm>>) target(%arg8 : memref<40x128xi32, #tpu.memory_space<vmem>>) target_semaphore(%run_scoped3A_100 : memref<!tpu.dma_semaphore, #tpu.memory_space<semaphore_mem>>)
      %dma_wait3A = arith.constant 0 : i32
      %dma_wait3A_105 = tpu.memref_slice %arg3[%add3A_85, %dma_wait3A] : memref<2560x128xi32, #tpu.memory_space<hbm>> -> memref<40x128xi32, #tpu.memory_space<hbm>>
      %dma_wait3A_106 = arith.constant 0 : i32
      %dma_wait3A_107 = tpu.memref_slice %arg3[%add3A_85, %dma_wait3A_106] : memref<2560x128xi32, #tpu.memory_space<hbm>> -> memref<40x128xi32, #tpu.memory_space<hbm>>
      tpu.wait_dma2 semaphore(%run_scoped3A_100 : memref<!tpu.dma_semaphore, #tpu.memory_space<semaphore_mem>>) src(%dma_wait3A_107 : memref<40x128xi32, #tpu.memory_space<hbm>>) dst(%arg8 : memref<40x128xi32, #tpu.memory_space<vmem>>)
      tpu.yield
    }) : () -> ()
    "tpu.region"() ({
      %run_scoped3A_100 = tpu.sem_alloc : memref<!tpu.dma_semaphore, #tpu.memory_space<semaphore_mem>>
      %dma_start3A_101 = arith.constant 0 : i32
      %dma_start3A_102 = tpu.memref_slice %arg4[%add3A_85, %dma_start3A_101] : memref<2560x128xi32, #tpu.memory_space<hbm>> -> memref<40x128xi32, #tpu.memory_space<hbm>>
      %dma_start3A_103 = arith.constant 0 : i32
      %dma_start3A_104 = tpu.memref_slice %arg4[%add3A_85, %dma_start3A_103] : memref<2560x128xi32, #tpu.memory_space<hbm>> -> memref<40x128xi32, #tpu.memory_space<hbm>>
      tpu.enqueue_dma source(%dma_start3A_104 : memref<40x128xi32, #tpu.memory_space<hbm>>) target(%arg9 : memref<40x128xi32, #tpu.memory_space<vmem>>) target_semaphore(%run_scoped3A_100 : memref<!tpu.dma_semaphore, #tpu.memory_space<semaphore_mem>>)
      %dma_wait3A = arith.constant 0 : i32
      %dma_wait3A_105 = tpu.memref_slice %arg4[%add3A_85, %dma_wait3A] : memref<2560x128xi32, #tpu.memory_space<hbm>> -> memref<40x128xi32, #tpu.memory_space<hbm>>
      %dma_wait3A_106 = arith.constant 0 : i32
      %dma_wait3A_107 = tpu.memref_slice %arg4[%add3A_85, %dma_wait3A_106] : memref<2560x128xi32, #tpu.memory_space<hbm>> -> memref<40x128xi32, #tpu.memory_space<hbm>>
      tpu.wait_dma2 semaphore(%run_scoped3A_100 : memref<!tpu.dma_semaphore, #tpu.memory_space<semaphore_mem>>) src(%dma_wait3A_107 : memref<40x128xi32, #tpu.memory_space<hbm>>) dst(%arg9 : memref<40x128xi32, #tpu.memory_space<vmem>>)
      tpu.yield
    }) : () -> ()
    %dma_start3A_86 = arith.constant 0 : i32
    %dma_start3A_87 = arith.constant 0 : i32
    %dma_start3A_88 = tpu.memref_slice %arg8[%dma_start3A_86, %dma_start3A_87] : memref<40x128xi32, #tpu.memory_space<vmem>> -> memref<1x128xi32, #tpu.memory_space<vmem>>
    %dma_start3A_89 = tpu.memref_squeeze %dma_start3A_88 : memref<1x128xi32, #tpu.memory_space<vmem>> -> memref<128xi32, #tpu.memory_space<vmem>>
    %dma_start3A_90 = arith.constant 0 : i32
    %dma_start3A_91 = arith.constant 0 : i32
    %dma_start3A_92 = tpu.memref_slice %arg6[%dma_start3A_90, %dma_start3A_91] : memref<10240x64xf32, #tpu.memory_space<vmem_shared>> -> memref<10240x64xf32, #tpu.memory_space<vmem_shared>>
    tpu.enqueue_indirect_dma source(%dma_start3A_92 : memref<10240x64xf32, #tpu.memory_space<vmem_shared>>) target(%arg10 : memref<128x64xf32, #tpu.memory_space<vmem>>) offsets(%dma_start3A_89 : memref<128xi32, #tpu.memory_space<vmem>>) semaphore(%arg12 : memref<!tpu.dma_semaphore, #tpu.memory_space<semaphore_mem>>)
    %scan3A_93 = arith.constant 0 : i32
    %scan3A_94 = arith.constant 20 : i32
    %scan3A_95 = arith.addi %scan3A_93, %scan3A_94 : i32
    %scan3A_96 = arith.constant 1 : i32
    scf.for %scan3A_100 = %scan3A_93 to %scan3A_95 step %scan3A_96  : i32 {
      %mul3A_101 = arith.constant 2 : i32
      %mul3A_102 = arith.muli %scan3A_100, %mul3A_101 : i32
      %add3A_103 = arith.constant 0 : i32
      %add3A_104 = arith.addi %add3A_103, %mul3A_102 : i32
      %dma_wait3A = arith.constant 0 : i32
      %dma_wait3A_105 = tpu.memref_slice %arg8[%add3A_104, %dma_wait3A] : memref<40x128xi32, #tpu.memory_space<vmem>> -> memref<1x128xi32, #tpu.memory_space<vmem>>
      %dma_wait3A_106 = tpu.memref_squeeze %dma_wait3A_105 : memref<1x128xi32, #tpu.memory_space<vmem>> -> memref<128xi32, #tpu.memory_space<vmem>>
      %dma_wait3A_107 = arith.constant 0 : i32
      %dma_wait3A_108 = arith.constant 0 : i32
      %dma_wait3A_109 = tpu.memref_slice %arg6[%dma_wait3A_107, %dma_wait3A_108] : memref<10240x64xf32, #tpu.memory_space<vmem_shared>> -> memref<10240x64xf32, #tpu.memory_space<vmem_shared>>
      tpu.wait_indirect_dma semaphore(%arg12 : memref<!tpu.dma_semaphore, #tpu.memory_space<semaphore_mem>>) src(%dma_wait3A_109 : memref<10240x64xf32, #tpu.memory_space<vmem_shared>>) dst(%arg10 : memref<128x64xf32, #tpu.memory_space<vmem>>)
      %add3A_110 = arith.constant 1 : i32
      %add3A_111 = arith.addi %add3A_104, %add3A_110 : i32
      %dma_start3A_112 = arith.constant 0 : i32
      %dma_start3A_113 = tpu.memref_slice %arg8[%add3A_111, %dma_start3A_112] : memref<40x128xi32, #tpu.memory_space<vmem>> -> memref<1x128xi32, #tpu.memory_space<vmem>>
      %dma_start3A_114 = tpu.memref_squeeze %dma_start3A_113 : memref<1x128xi32, #tpu.memory_space<vmem>> -> memref<128xi32, #tpu.memory_space<vmem>>
      %dma_start3A_115 = arith.constant 0 : i32
      %dma_start3A_116 = arith.constant 0 : i32
      %dma_start3A_117 = tpu.memref_slice %arg6[%dma_start3A_115, %dma_start3A_116] : memref<10240x64xf32, #tpu.memory_space<vmem_shared>> -> memref<10240x64xf32, #tpu.memory_space<vmem_shared>>
      tpu.enqueue_indirect_dma source(%dma_start3A_117 : memref<10240x64xf32, #tpu.memory_space<vmem_shared>>) target(%arg11 : memref<128x64xf32, #tpu.memory_space<vmem>>) offsets(%dma_start3A_114 : memref<128xi32, #tpu.memory_space<vmem>>) semaphore(%arg13 : memref<!tpu.dma_semaphore, #tpu.memory_space<semaphore_mem>>)
      "tpu.region"() ({
        %run_scoped3A_132 = tpu.sem_alloc : memref<!tpu.dma_semaphore, #tpu.memory_space<semaphore_mem>>
        %dma_start3A_133 = arith.constant 0 : i32
        %dma_start3A_134 = tpu.memref_slice %arg9[%add3A_104, %dma_start3A_133] : memref<40x128xi32, #tpu.memory_space<vmem>> -> memref<1x128xi32, #tpu.memory_space<vmem>>
        %dma_start3A_135 = tpu.memref_squeeze %dma_start3A_134 : memref<1x128xi32, #tpu.memory_space<vmem>> -> memref<128xi32, #tpu.memory_space<vmem>>
        %dma_start3A_136 = arith.constant 0 : i32
        %dma_start3A_137 = arith.constant 0 : i32
        %dma_start3A_138 = tpu.memref_slice %arg7[%dma_start3A_136, %dma_start3A_137] : memref<10240x64xf32, #tpu.memory_space<vmem_shared>> -> memref<10240x64xf32, #tpu.memory_space<vmem_shared>>
        tpu.enqueue_indirect_dma source(%arg10 : memref<128x64xf32, #tpu.memory_space<vmem>>) target(%dma_start3A_138 : memref<10240x64xf32, #tpu.memory_space<vmem_shared>>) offsets(%dma_start3A_135 : memref<128xi32, #tpu.memory_space<vmem>>) semaphore(%run_scoped3A_132 : memref<!tpu.dma_semaphore, #tpu.memory_space<semaphore_mem>>) {add = true}
        %dma_wait3A_139 = arith.constant 0 : i32
        %dma_wait3A_140 = tpu.memref_slice %arg9[%add3A_104, %dma_wait3A_139] : memref<40x128xi32, #tpu.memory_space<vmem>> -> memref<1x128xi32, #tpu.memory_space<vmem>>
        %dma_wait3A_141 = tpu.memref_squeeze %dma_wait3A_140 : memref<1x128xi32, #tpu.memory_space<vmem>> -> memref<128xi32, #tpu.memory_space<vmem>>
        %dma_wait3A_142 = arith.constant 0 : i32
        %dma_wait3A_143 = arith.constant 0 : i32
        %dma_wait3A_144 = tpu.memref_slice %arg7[%dma_wait3A_142, %dma_wait3A_143] : memref<10240x64xf32, #tpu.memory_space<vmem_shared>> -> memref<10240x64xf32, #tpu.memory_space<vmem_shared>>
        tpu.wait_indirect_dma semaphore(%run_scoped3A_132 : memref<!tpu.dma_semaphore, #tpu.memory_space<semaphore_mem>>) src(%arg10 : memref<128x64xf32, #tpu.memory_space<vmem>>) dst(%dma_wait3A_144 : memref<10240x64xf32, #tpu.memory_space<vmem_shared>>)
        tpu.yield
      }) : () -> ()
      %add3A_118 = arith.constant 1 : i32
      %add3A_119 = arith.addi %add3A_104, %add3A_118 : i32
      %dma_wait3A_120 = arith.constant 0 : i32
      %dma_wait3A_121 = tpu.memref_slice %arg8[%add3A_119, %dma_wait3A_120] : memref<40x128xi32, #tpu.memory_space<vmem>> -> memref<1x128xi32, #tpu.memory_space<vmem>>
      %dma_wait3A_122 = tpu.memref_squeeze %dma_wait3A_121 : memref<1x128xi32, #tpu.memory_space<vmem>> -> memref<128xi32, #tpu.memory_space<vmem>>
      %dma_wait3A_123 = arith.constant 0 : i32
      %dma_wait3A_124 = arith.constant 0 : i32
      %dma_wait3A_125 = tpu.memref_slice %arg6[%dma_wait3A_123, %dma_wait3A_124] : memref<10240x64xf32, #tpu.memory_space<vmem_shared>> -> memref<10240x64xf32, #tpu.memory_space<vmem_shared>>
      tpu.wait_indirect_dma semaphore(%arg13 : memref<!tpu.dma_semaphore, #tpu.memory_space<semaphore_mem>>) src(%dma_wait3A_125 : memref<10240x64xf32, #tpu.memory_space<vmem_shared>>) dst(%arg11 : memref<128x64xf32, #tpu.memory_space<vmem>>)
      %add3A_126 = arith.constant 2 : i32
      %add3A_127 = arith.addi %add3A_104, %add3A_126 : i32
      %lt3A = arith.constant 40 : i32
      %lt3A_128 = arith.cmpi slt, %add3A_127, %lt3A : i32
      %convert_element_type3A = arith.extui %lt3A_128 : i1 to i32
      %cond3A = arith.constant 0 : i32
      %cond3A_129 = arith.cmpi ne, %convert_element_type3A, %cond3A : i32
      scf.if %cond3A_129 {
        %add3A_132 = arith.constant 2 : i32
        %add3A_133 = arith.addi %add3A_104, %add3A_132 : i32
        %dma_start3A_134 = arith.constant 0 : i32
        %dma_start3A_135 = tpu.memref_slice %arg8[%add3A_133, %dma_start3A_134] : memref<40x128xi32, #tpu.memory_space<vmem>> -> memref<1x128xi32, #tpu.memory_space<vmem>>
        %dma_start3A_136 = tpu.memref_squeeze %dma_start3A_135 : memref<1x128xi32, #tpu.memory_space<vmem>> -> memref<128xi32, #tpu.memory_space<vmem>>
        %dma_start3A_137 = arith.constant 0 : i32
        %dma_start3A_138 = arith.constant 0 : i32
        %dma_start3A_139 = tpu.memref_slice %arg6[%dma_start3A_137, %dma_start3A_138] : memref<10240x64xf32, #tpu.memory_space<vmem_shared>> -> memref<10240x64xf32, #tpu.memory_space<vmem_shared>>
        tpu.enqueue_indirect_dma source(%dma_start3A_139 : memref<10240x64xf32, #tpu.memory_space<vmem_shared>>) target(%arg10 : memref<128x64xf32, #tpu.memory_space<vmem>>) offsets(%dma_start3A_136 : memref<128xi32, #tpu.memory_space<vmem>>) semaphore(%arg12 : memref<!tpu.dma_semaphore, #tpu.memory_space<semaphore_mem>>)
      } else {
      }
      %add3A_130 = arith.constant 1 : i32
      %add3A_131 = arith.addi %add3A_104, %add3A_130 : i32
      "tpu.region"() ({
        %run_scoped3A_132 = tpu.sem_alloc : memref<!tpu.dma_semaphore, #tpu.memory_space<semaphore_mem>>
        %dma_start3A_133 = arith.constant 0 : i32
        %dma_start3A_134 = tpu.memref_slice %arg9[%add3A_131, %dma_start3A_133] : memref<40x128xi32, #tpu.memory_space<vmem>> -> memref<1x128xi32, #tpu.memory_space<vmem>>
        %dma_start3A_135 = tpu.memref_squeeze %dma_start3A_134 : memref<1x128xi32, #tpu.memory_space<vmem>> -> memref<128xi32, #tpu.memory_space<vmem>>
        %dma_start3A_136 = arith.constant 0 : i32
        %dma_start3A_137 = arith.constant 0 : i32
        %dma_start3A_138 = tpu.memref_slice %arg7[%dma_start3A_136, %dma_start3A_137] : memref<10240x64xf32, #tpu.memory_space<vmem_shared>> -> memref<10240x64xf32, #tpu.memory_space<vmem_shared>>
        tpu.enqueue_indirect_dma source(%arg11 : memref<128x64xf32, #tpu.memory_space<vmem>>) target(%dma_start3A_138 : memref<10240x64xf32, #tpu.memory_space<vmem_shared>>) offsets(%dma_start3A_135 : memref<128xi32, #tpu.memory_space<vmem>>) semaphore(%run_scoped3A_132 : memref<!tpu.dma_semaphore, #tpu.memory_space<semaphore_mem>>) {add = true}
        %dma_wait3A_139 = arith.constant 0 : i32
        %dma_wait3A_140 = tpu.memref_slice %arg9[%add3A_131, %dma_wait3A_139] : memref<40x128xi32, #tpu.memory_space<vmem>> -> memref<1x128xi32, #tpu.memory_space<vmem>>
        %dma_wait3A_141 = tpu.memref_squeeze %dma_wait3A_140 : memref<1x128xi32, #tpu.memory_space<vmem>> -> memref<128xi32, #tpu.memory_space<vmem>>
        %dma_wait3A_142 = arith.constant 0 : i32
        %dma_wait3A_143 = arith.constant 0 : i32
        %dma_wait3A_144 = tpu.memref_slice %arg7[%dma_wait3A_142, %dma_wait3A_143] : memref<10240x64xf32, #tpu.memory_space<vmem_shared>> -> memref<10240x64xf32, #tpu.memory_space<vmem_shared>>
        tpu.wait_indirect_dma semaphore(%run_scoped3A_132 : memref<!tpu.dma_semaphore, #tpu.memory_space<semaphore_mem>>) src(%arg11 : memref<128x64xf32, #tpu.memory_space<vmem>>) dst(%dma_wait3A_144 : memref<10240x64xf32, #tpu.memory_space<vmem_shared>>)
        tpu.yield
      }) : () -> ()
    }
    %scan3A_97 = arith.constant 20 : i32
    %barrier3A_98 = arith.constant 0 : index
    tpu.barrier barrier_id(%barrier3A_98)
    %run_scoped3A_99 = arith.constant 1 : i32
    "tpu.region"() ({
      %run_scoped3A_100 = tpu.sem_alloc : memref<!tpu.dma_semaphore, #tpu.memory_space<semaphore_mem>>
      %dma_start3A_101 = arith.constant 0 : i32
      %dma_start3A_102 = tpu.memref_slice %arg5[%arg0, %run_scoped3A_99, %mul3A_0, %dma_start3A_101] : memref<2x2x10240x64xf32, #tpu.memory_space<hbm>> -> memref<1x1x640x64xf32, #tpu.memory_space<hbm>>
      %dma_start3A_103 = tpu.memref_squeeze %dma_start3A_102 : memref<1x1x640x64xf32, #tpu.memory_space<hbm>> -> memref<640x64xf32, #tpu.memory_space<hbm>>
      %dma_start3A_104 = arith.constant 0 : i32
      %dma_start3A_105 = tpu.memref_slice %arg7[%mul3A_0, %dma_start3A_104] : memref<10240x64xf32, #tpu.memory_space<vmem_shared>> -> memref<640x64xf32, #tpu.memory_space<vmem_shared>>
      tpu.enqueue_dma source(%dma_start3A_105 : memref<640x64xf32, #tpu.memory_space<vmem_shared>>) target(%dma_start3A_103 : memref<640x64xf32, #tpu.memory_space<hbm>>) target_semaphore(%run_scoped3A_100 : memref<!tpu.dma_semaphore, #tpu.memory_space<semaphore_mem>>)
      %dma_wait3A = arith.constant 0 : i32
      %dma_wait3A_106 = tpu.memref_slice %arg5[%arg0, %run_scoped3A_99, %mul3A_0, %dma_wait3A] : memref<2x2x10240x64xf32, #tpu.memory_space<hbm>> -> memref<1x1x640x64xf32, #tpu.memory_space<hbm>>
      %dma_wait3A_107 = tpu.memref_squeeze %dma_wait3A_106 : memref<1x1x640x64xf32, #tpu.memory_space<hbm>> -> memref<640x64xf32, #tpu.memory_space<hbm>>
      %dma_wait3A_108 = arith.constant 0 : i32
      %dma_wait3A_109 = tpu.memref_slice %arg7[%mul3A_0, %dma_wait3A_108] : memref<10240x64xf32, #tpu.memory_space<vmem_shared>> -> memref<640x64xf32, #tpu.memory_space<vmem_shared>>
      tpu.wait_dma2 semaphore(%run_scoped3A_100 : memref<!tpu.dma_semaphore, #tpu.memory_space<semaphore_mem>>) src(%dma_wait3A_109 : memref<640x64xf32, #tpu.memory_space<vmem_shared>>) dst(%dma_wait3A_107 : memref<640x64xf32, #tpu.memory_space<hbm>>)
      tpu.yield
    }) : () -> ()
    return
  }
}

#map = affine_map<(d0, d1) -> (0, 0, 0)>
#map1 = affine_map<(d0, d1) -> (0, 0)>
#map2 = affine_map<(d0, d1) -> (0, 0, 0, 0)>
module attributes {stable_mosaic.version = 14 : i64} {
  func.func @_sc_prop_body(%arg0: i32, %arg1: i32, %arg2: memref<2x10240x64xf32, #tpu.memory_space<hbm>>, %arg3: memref<2560x128xi32, #tpu.memory_space<hbm>>, %arg4: memref<2560x128xi32, #tpu.memory_space<hbm>>, %arg5: memref<2x2x10240x64xf32, #tpu.memory_space<hbm>>, %arg6: memref<10240x64xf32, #tpu.memory_space<vmem_shared>>, %arg7: memref<10240x64xf32, #tpu.memory_space<vmem_shared>>, %arg8: memref<40x128xi32, #tpu.memory_space<vmem>>, %arg9: memref<40x128xi32, #tpu.memory_space<vmem>>, %arg10: memref<128x64xf32, #tpu.memory_space<vmem>>, %arg11: memref<128x64xf32, #tpu.memory_space<vmem>>, %arg12: memref<!tpu.dma_semaphore, #tpu.memory_space<semaphore_mem>>, %arg13: memref<!tpu.dma_semaphore, #tpu.memory_space<semaphore_mem>>) attributes {dimension_semantics = [#tpu.dimension_semantics<core_parallel>, #tpu.dimension_semantics<subcore_parallel>], iteration_bounds = array<i64: 2, 16>, scalar_prefetch = 0 : i64, scratch_operands = 8 : i64, tpu.core_type = #tpu.core_type<sc_vector_subcore>, window_params = [{transform_indices = #map}, {transform_indices = #map1}, {transform_indices = #map1}, {transform_indices = #map2}]} {
    %mul3A = arith.constant 640 : i32
    %mul3A_0 = arith.muli %arg1, %mul3A : i32
    %scan3A = arith.constant 0 : i32
    %scan3A_1 = arith.constant 128 : i32
    %scan3A_2 = arith.addi %scan3A, %scan3A_1 : i32
    %scan3A_3 = arith.constant 1 : i32
    scf.for %scan3A_100 = %scan3A to %scan3A_2 step %scan3A_3  : i32 {
      %mul3A_101 = arith.constant 1 : i32
      %mul3A_102 = arith.muli %scan3A_100, %mul3A_101 : i32
      %add3A_103 = arith.constant 0 : i32
      %add3A_104 = arith.addi %add3A_103, %mul3A_102 : i32
      %scan3A_105 = arith.constant 0 : i32
      %scan3A_106 = arith.constant 4 : i32
      %scan3A_107 = arith.addi %scan3A_105, %scan3A_106 : i32
      %scan3A_108 = arith.constant 1 : i32
      scf.for %scan3A_110 = %scan3A_105 to %scan3A_107 step %scan3A_108  : i32 {
        %mul3A_111 = arith.constant 1 : i32
        %mul3A_112 = arith.muli %scan3A_110, %mul3A_111 : i32
        %add3A_113 = arith.constant 0 : i32
        %add3A_114 = arith.addi %add3A_113, %mul3A_112 : i32
        %broadcast_in_dim3A = arith.constant 0.000000e+00 : f32
        %broadcast_in_dim3A_115 = vector.broadcast %broadcast_in_dim3A : f32 to vector<16xf32>
        %mul3A_116 = arith.constant 16 : i32
        %mul3A_117 = arith.muli %add3A_114, %mul3A_116 : i32
        %swap3A = arith.index_cast %add3A_104 : i32 to index
        %swap3A_118 = arith.index_cast %mul3A_117 : i32 to index
        %swap3A_119 = tpu.vector_load %arg10[%swap3A, %swap3A_118] {strides = array<i32>} : memref<128x64xf32, #tpu.memory_space<vmem>>, vector<1x16xf32>,
        %swap3A_120 = vector.shape_cast %swap3A_119 : vector<1x16xf32> to vector<16xf32>
        %swap3A_121 = vector.shape_cast %broadcast_in_dim3A_115 : vector<16xf32> to vector<1x16xf32>
        tpu.vector_store %arg10[%swap3A, %swap3A_118], %swap3A_121 {strides = array<i32>} : memref<128x64xf32, #tpu.memory_space<vmem>>, vector<1x16xf32>,
      }
      %scan3A_109 = arith.constant 4 : i32
    }
    %scan3A_4 = arith.constant 128 : i32
    %run_scoped3A = arith.constant 0 : i32
    "tpu.region"() ({
      %run_scoped3A_100 = tpu.sem_alloc : memref<!tpu.dma_semaphore, #tpu.memory_space<semaphore_mem>>
      %dma_start3A_101 = arith.constant 0 : i32
      %dma_start3A_102 = tpu.memref_slice %arg6[%mul3A_0, %dma_start3A_101] : memref<10240x64xf32, #tpu.memory_space<vmem_shared>> -> memref<640x64xf32, #tpu.memory_space<vmem_shared>>
      %dma_start3A_103 = arith.constant 0 : i32
      %dma_start3A_104 = tpu.memref_slice %arg2[%run_scoped3A, %mul3A_0, %dma_start3A_103] : memref<2x10240x64xf32, #tpu.memory_space<hbm>> -> memref<1x640x64xf32, #tpu.memory_space<hbm>>
      %dma_start3A_105 = tpu.memref_squeeze %dma_start3A_104 : memref<1x640x64xf32, #tpu.memory_space<hbm>> -> memref<640x64xf32, #tpu.memory_space<hbm>>
      tpu.enqueue_dma source(%dma_start3A_105 : memref<640x64xf32, #tpu.memory_space<hbm>>) target(%dma_start3A_102 : memref<640x64xf32, #tpu.memory_space<vmem_shared>>) target_semaphore(%run_scoped3A_100 : memref<!tpu.dma_semaphore, #tpu.memory_space<semaphore_mem>>)
      %dma_wait3A = arith.constant 0 : i32
      %dma_wait3A_106 = tpu.memref_slice %arg6[%mul3A_0, %dma_wait3A] : memref<10240x64xf32, #tpu.memory_space<vmem_shared>> -> memref<640x64xf32, #tpu.memory_space<vmem_shared>>
      %dma_wait3A_107 = arith.constant 0 : i32
      %dma_wait3A_108 = tpu.memref_slice %arg2[%run_scoped3A, %mul3A_0, %dma_wait3A_107] : memref<2x10240x64xf32, #tpu.memory_space<hbm>> -> memref<1x640x64xf32, #tpu.memory_space<hbm>>
      %dma_wait3A_109 = tpu.memref_squeeze %dma_wait3A_108 : memref<1x640x64xf32, #tpu.memory_space<hbm>> -> memref<640x64xf32, #tpu.memory_space<hbm>>
      tpu.wait_dma2 semaphore(%run_scoped3A_100 : memref<!tpu.dma_semaphore, #tpu.memory_space<semaphore_mem>>) src(%dma_wait3A_109 : memref<640x64xf32, #tpu.memory_space<hbm>>) dst(%dma_wait3A_106 : memref<640x64xf32, #tpu.memory_space<vmem_shared>>)
      tpu.yield
    }) : () -> ()
    %scan3A_5 = arith.constant 0 : i32
    %scan3A_6 = arith.constant 5 : i32
    %scan3A_7 = arith.addi %scan3A_5, %scan3A_6 : i32
    %scan3A_8 = arith.constant 1 : i32
    scf.for %scan3A_100 = %scan3A_5 to %scan3A_7 step %scan3A_8  : i32 {
      %mul3A_101 = arith.constant 1 : i32
      %mul3A_102 = arith.muli %scan3A_100, %mul3A_101 : i32
      %add3A_103 = arith.constant 0 : i32
      %add3A_104 = arith.addi %add3A_103, %mul3A_102 : i32
      %mul3A_105 = arith.constant 128 : i32
      %mul3A_106 = arith.muli %add3A_104, %mul3A_105 : i32
      %add3A_107 = arith.addi %mul3A_0, %mul3A_106 : i32
      "tpu.region"() ({
        %run_scoped3A_108 = tpu.sem_alloc : memref<!tpu.dma_semaphore, #tpu.memory_space<semaphore_mem>>
        %dma_start3A_109 = arith.constant 0 : i32
        %dma_start3A_110 = tpu.memref_slice %arg7[%add3A_107, %dma_start3A_109] : memref<10240x64xf32, #tpu.memory_space<vmem_shared>> -> memref<128x64xf32, #tpu.memory_space<vmem_shared>>
        %dma_start3A_111 = arith.constant 0 : i32
        %dma_start3A_112 = tpu.memref_slice %arg7[%add3A_107, %dma_start3A_111] : memref<10240x64xf32, #tpu.memory_space<vmem_shared>> -> memref<128x64xf32, #tpu.memory_space<vmem_shared>>
        tpu.enqueue_dma source(%arg10 : memref<128x64xf32, #tpu.memory_space<vmem>>) target(%dma_start3A_112 : memref<128x64xf32, #tpu.memory_space<vmem_shared>>) target_semaphore(%run_scoped3A_108 : memref<!tpu.dma_semaphore, #tpu.memory_space<semaphore_mem>>)
        %dma_wait3A = arith.constant 0 : i32
        %dma_wait3A_113 = tpu.memref_slice %arg7[%add3A_107, %dma_wait3A] : memref<10240x64xf32, #tpu.memory_space<vmem_shared>> -> memref<128x64xf32, #tpu.memory_space<vmem_shared>>
        %dma_wait3A_114 = arith.constant 0 : i32
        %dma_wait3A_115 = tpu.memref_slice %arg7[%add3A_107, %dma_wait3A_114] : memref<10240x64xf32, #tpu.memory_space<vmem_shared>> -> memref<128x64xf32, #tpu.memory_space<vmem_shared>>
        tpu.wait_dma2 semaphore(%run_scoped3A_108 : memref<!tpu.dma_semaphore, #tpu.memory_space<semaphore_mem>>) src(%arg10 : memref<128x64xf32, #tpu.memory_space<vmem>>) dst(%dma_wait3A_115 : memref<128x64xf32, #tpu.memory_space<vmem_shared>>)
        tpu.yield
      }) : () -> ()
    }
    %scan3A_9 = arith.constant 5 : i32
    %barrier3A = arith.constant 0 : index
    tpu.barrier barrier_id(%barrier3A)
    %mul3A_10 = arith.constant 1280 : i32
    %mul3A_11 = arith.muli %arg0, %mul3A_10 : i32
    %mul3A_12 = arith.constant 80 : i32
    %mul3A_13 = arith.muli %arg1, %mul3A_12 : i32
    %add3A = arith.addi %mul3A_11, %mul3A_13 : i32
    %add3A_14 = arith.constant 0 : i32
    %add3A_15 = arith.addi %add3A, %add3A_14 : i32
    "tpu.region"() ({
      %run_scoped3A_100 = tpu.sem_alloc : memref<!tpu.dma_semaphore, #tpu.memory_space<semaphore_mem>>
      %dma_start3A_101 = arith.constant 0 : i32
      %dma_start3A_102 = tpu.memref_slice %arg3[%add3A_15, %dma_start3A_101] : memref<2560x128xi32, #tpu.memory_space<hbm>> -> memref<40x128xi32, #tpu.memory_space<hbm>>
      %dma_start3A_103 = arith.constant 0 : i32
      %dma_start3A_104 = tpu.memref_slice %arg3[%add3A_15, %dma_start3A_103] : memref<2560x128xi32, #tpu.memory_space<hbm>> -> memref<40x128xi32, #tpu.memory_space<hbm>>
      tpu.enqueue_dma source(%dma_start3A_104 : memref<40x128xi32, #tpu.memory_space<hbm>>) target(%arg8 : memref<40x128xi32, #tpu.memory_space<vmem>>) target_semaphore(%run_scoped3A_100 : memref<!tpu.dma_semaphore, #tpu.memory_space<semaphore_mem>>)
      %dma_wait3A = arith.constant 0 : i32
      %dma_wait3A_105 = tpu.memref_slice %arg3[%add3A_15, %dma_wait3A] : memref<2560x128xi32, #tpu.memory_space<hbm>> -> memref<40x128xi32, #tpu.memory_space<hbm>>
      %dma_wait3A_106 = arith.constant 0 : i32
      %dma_wait3A_107 = tpu.memref_slice %arg3[%add3A_15, %dma_wait3A_106] : memref<2560x128xi32, #tpu.memory_space<hbm>> -> memref<40x128xi32, #tpu.memory_space<hbm>>
      tpu.wait_dma2 semaphore(%run_scoped3A_100 : memref<!tpu.dma_semaphore, #tpu.memory_space<semaphore_mem>>) src(%dma_wait3A_107 : memref<40x128xi32, #tpu.memory_space<hbm>>) dst(%arg8 : memref<40x128xi32, #tpu.memory_space<vmem>>)
      tpu.yield
    }) : () -> ()
    "tpu.region"() ({
      %run_scoped3A_100 = tpu.sem_alloc : memref<!tpu.dma_semaphore, #tpu.memory_space<semaphore_mem>>
      %dma_start3A_101 = arith.constant 0 : i32
      %dma_start3A_102 = tpu.memref_slice %arg4[%add3A_15, %dma_start3A_101] : memref<2560x128xi32, #tpu.memory_space<hbm>> -> memref<40x128xi32, #tpu.memory_space<hbm>>
      %dma_start3A_103 = arith.constant 0 : i32
      %dma_start3A_104 = tpu.memref_slice %arg4[%add3A_15, %dma_start3A_103] : memref<2560x128xi32, #tpu.memory_space<hbm>> -> memref<40x128xi32, #tpu.memory_space<hbm>>
      tpu.enqueue_dma source(%dma_start3A_104 : memref<40x128xi32, #tpu.memory_space<hbm>>) target(%arg9 : memref<40x128xi32, #tpu.memory_space<vmem>>) target_semaphore(%run_scoped3A_100 : memref<!tpu.dma_semaphore, #tpu.memory_space<semaphore_mem>>)
      %dma_wait3A = arith.constant 0 : i32
      %dma_wait3A_105 = tpu.memref_slice %arg4[%add3A_15, %dma_wait3A] : memref<2560x128xi32, #tpu.memory_space<hbm>> -> memref<40x128xi32, #tpu.memory_space<hbm>>
      %dma_wait3A_106 = arith.constant 0 : i32
      %dma_wait3A_107 = tpu.memref_slice %arg4[%add3A_15, %dma_wait3A_106] : memref<2560x128xi32, #tpu.memory_space<hbm>> -> memref<40x128xi32, #tpu.memory_space<hbm>>
      tpu.wait_dma2 semaphore(%run_scoped3A_100 : memref<!tpu.dma_semaphore, #tpu.memory_space<semaphore_mem>>) src(%dma_wait3A_107 : memref<40x128xi32, #tpu.memory_space<hbm>>) dst(%arg9 : memref<40x128xi32, #tpu.memory_space<vmem>>)
      tpu.yield
    }) : () -> ()
    %dma_start3A = arith.constant 0 : i32
    %dma_start3A_16 = arith.constant 0 : i32
    %dma_start3A_17 = tpu.memref_slice %arg8[%dma_start3A, %dma_start3A_16] : memref<40x128xi32, #tpu.memory_space<vmem>> -> memref<1x128xi32, #tpu.memory_space<vmem>>
    %dma_start3A_18 = tpu.memref_squeeze %dma_start3A_17 : memref<1x128xi32, #tpu.memory_space<vmem>> -> memref<128xi32, #tpu.memory_space<vmem>>
    %dma_start3A_19 = arith.constant 0 : i32
    %dma_start3A_20 = arith.constant 0 : i32
    %dma_start3A_21 = tpu.memref_slice %arg6[%dma_start3A_19, %dma_start3A_20] : memref<10240x64xf32, #tpu.memory_space<vmem_shared>> -> memref<10240x64xf32, #tpu.memory_space<vmem_shared>>
    tpu.enqueue_indirect_dma source(%dma_start3A_21 : memref<10240x64xf32, #tpu.memory_space<vmem_shared>>) target(%arg10 : memref<128x64xf32, #tpu.memory_space<vmem>>) offsets(%dma_start3A_18 : memref<128xi32, #tpu.memory_space<vmem>>) semaphore(%arg12 : memref<!tpu.dma_semaphore, #tpu.memory_space<semaphore_mem>>)
    %scan3A_22 = arith.constant 0 : i32
    %scan3A_23 = arith.constant 20 : i32
    %scan3A_24 = arith.addi %scan3A_22, %scan3A_23 : i32
    %scan3A_25 = arith.constant 1 : i32
    scf.for %scan3A_100 = %scan3A_22 to %scan3A_24 step %scan3A_25  : i32 {
      %mul3A_101 = arith.constant 2 : i32
      %mul3A_102 = arith.muli %scan3A_100, %mul3A_101 : i32
      %add3A_103 = arith.constant 0 : i32
      %add3A_104 = arith.addi %add3A_103, %mul3A_102 : i32
      %dma_wait3A = arith.constant 0 : i32
      %dma_wait3A_105 = tpu.memref_slice %arg8[%add3A_104, %dma_wait3A] : memref<40x128xi32, #tpu.memory_space<vmem>> -> memref<1x128xi32, #tpu.memory_space<vmem>>
      %dma_wait3A_106 = tpu.memref_squeeze %dma_wait3A_105 : memref<1x128xi32, #tpu.memory_space<vmem>> -> memref<128xi32, #tpu.memory_space<vmem>>
      %dma_wait3A_107 = arith.constant 0 : i32
      %dma_wait3A_108 = arith.constant 0 : i32
      %dma_wait3A_109 = tpu.memref_slice %arg6[%dma_wait3A_107, %dma_wait3A_108] : memref<10240x64xf32, #tpu.memory_space<vmem_shared>> -> memref<10240x64xf32, #tpu.memory_space<vmem_shared>>
      tpu.wait_indirect_dma semaphore(%arg12 : memref<!tpu.dma_semaphore, #tpu.memory_space<semaphore_mem>>) src(%dma_wait3A_109 : memref<10240x64xf32, #tpu.memory_space<vmem_shared>>) dst(%arg10 : memref<128x64xf32, #tpu.memory_space<vmem>>)
      %add3A_110 = arith.constant 1 : i32
      %add3A_111 = arith.addi %add3A_104, %add3A_110 : i32
      %dma_start3A_112 = arith.constant 0 : i32
      %dma_start3A_113 = tpu.memref_slice %arg8[%add3A_111, %dma_start3A_112] : memref<40x128xi32, #tpu.memory_space<vmem>> -> memref<1x128xi32, #tpu.memory_space<vmem>>
      %dma_start3A_114 = tpu.memref_squeeze %dma_start3A_113 : memref<1x128xi32, #tpu.memory_space<vmem>> -> memref<128xi32, #tpu.memory_space<vmem>>
      %dma_start3A_115 = arith.constant 0 : i32
      %dma_start3A_116 = arith.constant 0 : i32
      %dma_start3A_117 = tpu.memref_slice %arg6[%dma_start3A_115, %dma_start3A_116] : memref<10240x64xf32, #tpu.memory_space<vmem_shared>> -> memref<10240x64xf32, #tpu.memory_space<vmem_shared>>
      tpu.enqueue_indirect_dma source(%dma_start3A_117 : memref<10240x64xf32, #tpu.memory_space<vmem_shared>>) target(%arg11 : memref<128x64xf32, #tpu.memory_space<vmem>>) offsets(%dma_start3A_114 : memref<128xi32, #tpu.memory_space<vmem>>) semaphore(%arg13 : memref<!tpu.dma_semaphore, #tpu.memory_space<semaphore_mem>>)
      "tpu.region"() ({
        %run_scoped3A_132 = tpu.sem_alloc : memref<!tpu.dma_semaphore, #tpu.memory_space<semaphore_mem>>
        %dma_start3A_133 = arith.constant 0 : i32
        %dma_start3A_134 = tpu.memref_slice %arg9[%add3A_104, %dma_start3A_133] : memref<40x128xi32, #tpu.memory_space<vmem>> -> memref<1x128xi32, #tpu.memory_space<vmem>>
        %dma_start3A_135 = tpu.memref_squeeze %dma_start3A_134 : memref<1x128xi32, #tpu.memory_space<vmem>> -> memref<128xi32, #tpu.memory_space<vmem>>
        %dma_start3A_136 = arith.constant 0 : i32
        %dma_start3A_137 = arith.constant 0 : i32
        %dma_start3A_138 = tpu.memref_slice %arg7[%dma_start3A_136, %dma_start3A_137] : memref<10240x64xf32, #tpu.memory_space<vmem_shared>> -> memref<10240x64xf32, #tpu.memory_space<vmem_shared>>
        tpu.enqueue_indirect_dma source(%arg10 : memref<128x64xf32, #tpu.memory_space<vmem>>) target(%dma_start3A_138 : memref<10240x64xf32, #tpu.memory_space<vmem_shared>>) offsets(%dma_start3A_135 : memref<128xi32, #tpu.memory_space<vmem>>) semaphore(%run_scoped3A_132 : memref<!tpu.dma_semaphore, #tpu.memory_space<semaphore_mem>>) {add = true}
        %dma_wait3A_139 = arith.constant 0 : i32
        %dma_wait3A_140 = tpu.memref_slice %arg9[%add3A_104, %dma_wait3A_139] : memref<40x128xi32, #tpu.memory_space<vmem>> -> memref<1x128xi32, #tpu.memory_space<vmem>>
        %dma_wait3A_141 = tpu.memref_squeeze %dma_wait3A_140 : memref<1x128xi32, #tpu.memory_space<vmem>> -> memref<128xi32, #tpu.memory_space<vmem>>
        %dma_wait3A_142 = arith.constant 0 : i32
        %dma_wait3A_143 = arith.constant 0 : i32
        %dma_wait3A_144 = tpu.memref_slice %arg7[%dma_wait3A_142, %dma_wait3A_143] : memref<10240x64xf32, #tpu.memory_space<vmem_shared>> -> memref<10240x64xf32, #tpu.memory_space<vmem_shared>>
        tpu.wait_indirect_dma semaphore(%run_scoped3A_132 : memref<!tpu.dma_semaphore, #tpu.memory_space<semaphore_mem>>) src(%arg10 : memref<128x64xf32, #tpu.memory_space<vmem>>) dst(%dma_wait3A_144 : memref<10240x64xf32, #tpu.memory_space<vmem_shared>>)
        tpu.yield
      }) : () -> ()
      %add3A_118 = arith.constant 1 : i32
      %add3A_119 = arith.addi %add3A_104, %add3A_118 : i32
      %dma_wait3A_120 = arith.constant 0 : i32
      %dma_wait3A_121 = tpu.memref_slice %arg8[%add3A_119, %dma_wait3A_120] : memref<40x128xi32, #tpu.memory_space<vmem>> -> memref<1x128xi32, #tpu.memory_space<vmem>>
      %dma_wait3A_122 = tpu.memref_squeeze %dma_wait3A_121 : memref<1x128xi32, #tpu.memory_space<vmem>> -> memref<128xi32, #tpu.memory_space<vmem>>
      %dma_wait3A_123 = arith.constant 0 : i32
      %dma_wait3A_124 = arith.constant 0 : i32
      %dma_wait3A_125 = tpu.memref_slice %arg6[%dma_wait3A_123, %dma_wait3A_124] : memref<10240x64xf32, #tpu.memory_space<vmem_shared>> -> memref<10240x64xf32, #tpu.memory_space<vmem_shared>>
      tpu.wait_indirect_dma semaphore(%arg13 : memref<!tpu.dma_semaphore, #tpu.memory_space<semaphore_mem>>) src(%dma_wait3A_125 : memref<10240x64xf32, #tpu.memory_space<vmem_shared>>) dst(%arg11 : memref<128x64xf32, #tpu.memory_space<vmem>>)
      %add3A_126 = arith.constant 2 : i32
      %add3A_127 = arith.addi %add3A_104, %add3A_126 : i32
      %lt3A = arith.constant 40 : i32
      %lt3A_128 = arith.cmpi slt, %add3A_127, %lt3A : i32
      %convert_element_type3A = arith.extui %lt3A_128 : i1 to i32
      %cond3A = arith.constant 0 : i32
      %cond3A_129 = arith.cmpi ne, %convert_element_type3A, %cond3A : i32
      scf.if %cond3A_129 {
        %add3A_132 = arith.constant 2 : i32
        %add3A_133 = arith.addi %add3A_104, %add3A_132 : i32
        %dma_start3A_134 = arith.constant 0 : i32
        %dma_start3A_135 = tpu.memref_slice %arg8[%add3A_133, %dma_start3A_134] : memref<40x128xi32, #tpu.memory_space<vmem>> -> memref<1x128xi32, #tpu.memory_space<vmem>>
        %dma_start3A_136 = tpu.memref_squeeze %dma_start3A_135 : memref<1x128xi32, #tpu.memory_space<vmem>> -> memref<128xi32, #tpu.memory_space<vmem>>
        %dma_start3A_137 = arith.constant 0 : i32
        %dma_start3A_138 = arith.constant 0 : i32
        %dma_start3A_139 = tpu.memref_slice %arg6[%dma_start3A_137, %dma_start3A_138] : memref<10240x64xf32, #tpu.memory_space<vmem_shared>> -> memref<10240x64xf32, #tpu.memory_space<vmem_shared>>
        tpu.enqueue_indirect_dma source(%dma_start3A_139 : memref<10240x64xf32, #tpu.memory_space<vmem_shared>>) target(%arg10 : memref<128x64xf32, #tpu.memory_space<vmem>>) offsets(%dma_start3A_136 : memref<128xi32, #tpu.memory_space<vmem>>) semaphore(%arg12 : memref<!tpu.dma_semaphore, #tpu.memory_space<semaphore_mem>>)
      } else {
      }
      %add3A_130 = arith.constant 1 : i32
      %add3A_131 = arith.addi %add3A_104, %add3A_130 : i32
      "tpu.region"() ({
        %run_scoped3A_132 = tpu.sem_alloc : memref<!tpu.dma_semaphore, #tpu.memory_space<semaphore_mem>>
        %dma_start3A_133 = arith.constant 0 : i32
        %dma_start3A_134 = tpu.memref_slice %arg9[%add3A_131, %dma_start3A_133] : memref<40x128xi32, #tpu.memory_space<vmem>> -> memref<1x128xi32, #tpu.memory_space<vmem>>
        %dma_start3A_135 = tpu.memref_squeeze %dma_start3A_134 : memref<1x128xi32, #tpu.memory_space<vmem>> -> memref<128xi32, #tpu.memory_space<vmem>>
        %dma_start3A_136 = arith.constant 0 : i32
        %dma_start3A_137 = arith.constant 0 : i32
        %dma_start3A_138 = tpu.memref_slice %arg7[%dma_start3A_136, %dma_start3A_137] : memref<10240x64xf32, #tpu.memory_space<vmem_shared>> -> memref<10240x64xf32, #tpu.memory_space<vmem_shared>>
        tpu.enqueue_indirect_dma source(%arg11 : memref<128x64xf32, #tpu.memory_space<vmem>>) target(%dma_start3A_138 : memref<10240x64xf32, #tpu.memory_space<vmem_shared>>) offsets(%dma_start3A_135 : memref<128xi32, #tpu.memory_space<vmem>>) semaphore(%run_scoped3A_132 : memref<!tpu.dma_semaphore, #tpu.memory_space<semaphore_mem>>) {add = true}
        %dma_wait3A_139 = arith.constant 0 : i32
        %dma_wait3A_140 = tpu.memref_slice %arg9[%add3A_131, %dma_wait3A_139] : memref<40x128xi32, #tpu.memory_space<vmem>> -> memref<1x128xi32, #tpu.memory_space<vmem>>
        %dma_wait3A_141 = tpu.memref_squeeze %dma_wait3A_140 : memref<1x128xi32, #tpu.memory_space<vmem>> -> memref<128xi32, #tpu.memory_space<vmem>>
        %dma_wait3A_142 = arith.constant 0 : i32
        %dma_wait3A_143 = arith.constant 0 : i32
        %dma_wait3A_144 = tpu.memref_slice %arg7[%dma_wait3A_142, %dma_wait3A_143] : memref<10240x64xf32, #tpu.memory_space<vmem_shared>> -> memref<10240x64xf32, #tpu.memory_space<vmem_shared>>
        tpu.wait_indirect_dma semaphore(%run_scoped3A_132 : memref<!tpu.dma_semaphore, #tpu.memory_space<semaphore_mem>>) src(%arg11 : memref<128x64xf32, #tpu.memory_space<vmem>>) dst(%dma_wait3A_144 : memref<10240x64xf32, #tpu.memory_space<vmem_shared>>)
        tpu.yield
      }) : () -> ()
    }
    %scan3A_26 = arith.constant 20 : i32
    %mul3A_27 = arith.constant 1280 : i32
    %mul3A_28 = arith.muli %arg0, %mul3A_27 : i32
    %mul3A_29 = arith.constant 80 : i32
    %mul3A_30 = arith.muli %arg1, %mul3A_29 : i32
    %add3A_31 = arith.addi %mul3A_28, %mul3A_30 : i32
    %add3A_32 = arith.constant 40 : i32
    %add3A_33 = arith.addi %add3A_31, %add3A_32 : i32
    "tpu.region"() ({
      %run_scoped3A_100 = tpu.sem_alloc : memref<!tpu.dma_semaphore, #tpu.memory_space<semaphore_mem>>
      %dma_start3A_101 = arith.constant 0 : i32
      %dma_start3A_102 = tpu.memref_slice %arg3[%add3A_33, %dma_start3A_101] : memref<2560x128xi32, #tpu.memory_space<hbm>> -> memref<40x128xi32, #tpu.memory_space<hbm>>
      %dma_start3A_103 = arith.constant 0 : i32
      %dma_start3A_104 = tpu.memref_slice %arg3[%add3A_33, %dma_start3A_103] : memref<2560x128xi32, #tpu.memory_space<hbm>> -> memref<40x128xi32, #tpu.memory_space<hbm>>
      tpu.enqueue_dma source(%dma_start3A_104 : memref<40x128xi32, #tpu.memory_space<hbm>>) target(%arg8 : memref<40x128xi32, #tpu.memory_space<vmem>>) target_semaphore(%run_scoped3A_100 : memref<!tpu.dma_semaphore, #tpu.memory_space<semaphore_mem>>)
      %dma_wait3A = arith.constant 0 : i32
      %dma_wait3A_105 = tpu.memref_slice %arg3[%add3A_33, %dma_wait3A] : memref<2560x128xi32, #tpu.memory_space<hbm>> -> memref<40x128xi32, #tpu.memory_space<hbm>>
      %dma_wait3A_106 = arith.constant 0 : i32
      %dma_wait3A_107 = tpu.memref_slice %arg3[%add3A_33, %dma_wait3A_106] : memref<2560x128xi32, #tpu.memory_space<hbm>> -> memref<40x128xi32, #tpu.memory_space<hbm>>
      tpu.wait_dma2 semaphore(%run_scoped3A_100 : memref<!tpu.dma_semaphore, #tpu.memory_space<semaphore_mem>>) src(%dma_wait3A_107 : memref<40x128xi32, #tpu.memory_space<hbm>>) dst(%arg8 : memref<40x128xi32, #tpu.memory_space<vmem>>)
      tpu.yield
    }) : () -> ()
    "tpu.region"() ({
      %run_scoped3A_100 = tpu.sem_alloc : memref<!tpu.dma_semaphore, #tpu.memory_space<semaphore_mem>>
      %dma_start3A_101 = arith.constant 0 : i32
      %dma_start3A_102 = tpu.memref_slice %arg4[%add3A_33, %dma_start3A_101] : memref<2560x128xi32, #tpu.memory_space<hbm>> -> memref<40x128xi32, #tpu.memory_space<hbm>>
      %dma_start3A_103 = arith.constant 0 : i32
      %dma_start3A_104 = tpu.memref_slice %arg4[%add3A_33, %dma_start3A_103] : memref<2560x128xi32, #tpu.memory_space<hbm>> -> memref<40x128xi32, #tpu.memory_space<hbm>>
      tpu.enqueue_dma source(%dma_start3A_104 : memref<40x128xi32, #tpu.memory_space<hbm>>) target(%arg9 : memref<40x128xi32, #tpu.memory_space<vmem>>) target_semaphore(%run_scoped3A_100 : memref<!tpu.dma_semaphore, #tpu.memory_space<semaphore_mem>>)
      %dma_wait3A = arith.constant 0 : i32
      %dma_wait3A_105 = tpu.memref_slice %arg4[%add3A_33, %dma_wait3A] : memref<2560x128xi32, #tpu.memory_space<hbm>> -> memref<40x128xi32, #tpu.memory_space<hbm>>
      %dma_wait3A_106 = arith.constant 0 : i32
      %dma_wait3A_107 = tpu.memref_slice %arg4[%add3A_33, %dma_wait3A_106] : memref<2560x128xi32, #tpu.memory_space<hbm>> -> memref<40x128xi32, #tpu.memory_space<hbm>>
      tpu.wait_dma2 semaphore(%run_scoped3A_100 : memref<!tpu.dma_semaphore, #tpu.memory_space<semaphore_mem>>) src(%dma_wait3A_107 : memref<40x128xi32, #tpu.memory_space<hbm>>) dst(%arg9 : memref<40x128xi32, #tpu.memory_space<vmem>>)
      tpu.yield
    }) : () -> ()
    %dma_start3A_34 = arith.constant 0 : i32
    %dma_start3A_35 = arith.constant 0 : i32
    %dma_start3A_36 = tpu.memref_slice %arg8[%dma_start3A_34, %dma_start3A_35] : memref<40x128xi32, #tpu.memory_space<vmem>> -> memref<1x128xi32, #tpu.memory_space<vmem>>
    %dma_start3A_37 = tpu.memref_squeeze %dma_start3A_36 : memref<1x128xi32, #tpu.memory_space<vmem>> -> memref<128xi32, #tpu.memory_space<vmem>>
    %dma_start3A_38 = arith.constant 0 : i32
    %dma_start3A_39 = arith.constant 0 : i32
    %dma_start3A_40 = tpu.memref_slice %arg6[%dma_start3A_38, %dma_start3A_39] : memref<10240x64xf32, #tpu.memory_space<vmem_shared>> -> memref<10240x64xf32, #tpu.memory_space<vmem_shared>>
    tpu.enqueue_indirect_dma source(%dma_start3A_40 : memref<10240x64xf32, #tpu.memory_space<vmem_shared>>) target(%arg10 : memref<128x64xf32, #tpu.memory_space<vmem>>) offsets(%dma_start3A_37 : memref<128xi32, #tpu.memory_space<vmem>>) semaphore(%arg12 : memref<!tpu.dma_semaphore, #tpu.memory_space<semaphore_mem>>)
    %scan3A_41 = arith.constant 0 : i32
    %scan3A_42 = arith.constant 20 : i32
    %scan3A_43 = arith.addi %scan3A_41, %scan3A_42 : i32
    %scan3A_44 = arith.constant 1 : i32
    scf.for %scan3A_100 = %scan3A_41 to %scan3A_43 step %scan3A_44  : i32 {
      %mul3A_101 = arith.constant 2 : i32
      %mul3A_102 = arith.muli %scan3A_100, %mul3A_101 : i32
      %add3A_103 = arith.constant 0 : i32
      %add3A_104 = arith.addi %add3A_103, %mul3A_102 : i32
      %dma_wait3A = arith.constant 0 : i32
      %dma_wait3A_105 = tpu.memref_slice %arg8[%add3A_104, %dma_wait3A] : memref<40x128xi32, #tpu.memory_space<vmem>> -> memref<1x128xi32, #tpu.memory_space<vmem>>
      %dma_wait3A_106 = tpu.memref_squeeze %dma_wait3A_105 : memref<1x128xi32, #tpu.memory_space<vmem>> -> memref<128xi32, #tpu.memory_space<vmem>>
      %dma_wait3A_107 = arith.constant 0 : i32
      %dma_wait3A_108 = arith.constant 0 : i32
      %dma_wait3A_109 = tpu.memref_slice %arg6[%dma_wait3A_107, %dma_wait3A_108] : memref<10240x64xf32, #tpu.memory_space<vmem_shared>> -> memref<10240x64xf32, #tpu.memory_space<vmem_shared>>
      tpu.wait_indirect_dma semaphore(%arg12 : memref<!tpu.dma_semaphore, #tpu.memory_space<semaphore_mem>>) src(%dma_wait3A_109 : memref<10240x64xf32, #tpu.memory_space<vmem_shared>>) dst(%arg10 : memref<128x64xf32, #tpu.memory_space<vmem>>)
      %add3A_110 = arith.constant 1 : i32
      %add3A_111 = arith.addi %add3A_104, %add3A_110 : i32
      %dma_start3A_112 = arith.constant 0 : i32
      %dma_start3A_113 = tpu.memref_slice %arg8[%add3A_111, %dma_start3A_112] : memref<40x128xi32, #tpu.memory_space<vmem>> -> memref<1x128xi32, #tpu.memory_space<vmem>>
      %dma_start3A_114 = tpu.memref_squeeze %dma_start3A_113 : memref<1x128xi32, #tpu.memory_space<vmem>> -> memref<128xi32, #tpu.memory_space<vmem>>
      %dma_start3A_115 = arith.constant 0 : i32
      %dma_start3A_116 = arith.constant 0 : i32
      %dma_start3A_117 = tpu.memref_slice %arg6[%dma_start3A_115, %dma_start3A_116] : memref<10240x64xf32, #tpu.memory_space<vmem_shared>> -> memref<10240x64xf32, #tpu.memory_space<vmem_shared>>
      tpu.enqueue_indirect_dma source(%dma_start3A_117 : memref<10240x64xf32, #tpu.memory_space<vmem_shared>>) target(%arg11 : memref<128x64xf32, #tpu.memory_space<vmem>>) offsets(%dma_start3A_114 : memref<128xi32, #tpu.memory_space<vmem>>) semaphore(%arg13 : memref<!tpu.dma_semaphore, #tpu.memory_space<semaphore_mem>>)
      "tpu.region"() ({
        %run_scoped3A_132 = tpu.sem_alloc : memref<!tpu.dma_semaphore, #tpu.memory_space<semaphore_mem>>
        %dma_start3A_133 = arith.constant 0 : i32
        %dma_start3A_134 = tpu.memref_slice %arg9[%add3A_104, %dma_start3A_133] : memref<40x128xi32, #tpu.memory_space<vmem>> -> memref<1x128xi32, #tpu.memory_space<vmem>>
        %dma_start3A_135 = tpu.memref_squeeze %dma_start3A_134 : memref<1x128xi32, #tpu.memory_space<vmem>> -> memref<128xi32, #tpu.memory_space<vmem>>
        %dma_start3A_136 = arith.constant 0 : i32
        %dma_start3A_137 = arith.constant 0 : i32
        %dma_start3A_138 = tpu.memref_slice %arg7[%dma_start3A_136, %dma_start3A_137] : memref<10240x64xf32, #tpu.memory_space<vmem_shared>> -> memref<10240x64xf32, #tpu.memory_space<vmem_shared>>
        tpu.enqueue_indirect_dma source(%arg10 : memref<128x64xf32, #tpu.memory_space<vmem>>) target(%dma_start3A_138 : memref<10240x64xf32, #tpu.memory_space<vmem_shared>>) offsets(%dma_start3A_135 : memref<128xi32, #tpu.memory_space<vmem>>) semaphore(%run_scoped3A_132 : memref<!tpu.dma_semaphore, #tpu.memory_space<semaphore_mem>>) {add = true}
        %dma_wait3A_139 = arith.constant 0 : i32
        %dma_wait3A_140 = tpu.memref_slice %arg9[%add3A_104, %dma_wait3A_139] : memref<40x128xi32, #tpu.memory_space<vmem>> -> memref<1x128xi32, #tpu.memory_space<vmem>>
        %dma_wait3A_141 = tpu.memref_squeeze %dma_wait3A_140 : memref<1x128xi32, #tpu.memory_space<vmem>> -> memref<128xi32, #tpu.memory_space<vmem>>
        %dma_wait3A_142 = arith.constant 0 : i32
        %dma_wait3A_143 = arith.constant 0 : i32
        %dma_wait3A_144 = tpu.memref_slice %arg7[%dma_wait3A_142, %dma_wait3A_143] : memref<10240x64xf32, #tpu.memory_space<vmem_shared>> -> memref<10240x64xf32, #tpu.memory_space<vmem_shared>>
        tpu.wait_indirect_dma semaphore(%run_scoped3A_132 : memref<!tpu.dma_semaphore, #tpu.memory_space<semaphore_mem>>) src(%arg10 : memref<128x64xf32, #tpu.memory_space<vmem>>) dst(%dma_wait3A_144 : memref<10240x64xf32, #tpu.memory_space<vmem_shared>>)
        tpu.yield
      }) : () -> ()
      %add3A_118 = arith.constant 1 : i32
      %add3A_119 = arith.addi %add3A_104, %add3A_118 : i32
      %dma_wait3A_120 = arith.constant 0 : i32
      %dma_wait3A_121 = tpu.memref_slice %arg8[%add3A_119, %dma_wait3A_120] : memref<40x128xi32, #tpu.memory_space<vmem>> -> memref<1x128xi32, #tpu.memory_space<vmem>>
      %dma_wait3A_122 = tpu.memref_squeeze %dma_wait3A_121 : memref<1x128xi32, #tpu.memory_space<vmem>> -> memref<128xi32, #tpu.memory_space<vmem>>
      %dma_wait3A_123 = arith.constant 0 : i32
      %dma_wait3A_124 = arith.constant 0 : i32
      %dma_wait3A_125 = tpu.memref_slice %arg6[%dma_wait3A_123, %dma_wait3A_124] : memref<10240x64xf32, #tpu.memory_space<vmem_shared>> -> memref<10240x64xf32, #tpu.memory_space<vmem_shared>>
      tpu.wait_indirect_dma semaphore(%arg13 : memref<!tpu.dma_semaphore, #tpu.memory_space<semaphore_mem>>) src(%dma_wait3A_125 : memref<10240x64xf32, #tpu.memory_space<vmem_shared>>) dst(%arg11 : memref<128x64xf32, #tpu.memory_space<vmem>>)
      %add3A_126 = arith.constant 2 : i32
      %add3A_127 = arith.addi %add3A_104, %add3A_126 : i32
      %lt3A = arith.constant 40 : i32
      %lt3A_128 = arith.cmpi slt, %add3A_127, %lt3A : i32
      %convert_element_type3A = arith.extui %lt3A_128 : i1 to i32
      %cond3A = arith.constant 0 : i32
      %cond3A_129 = arith.cmpi ne, %convert_element_type3A, %cond3A : i32
      scf.if %cond3A_129 {
        %add3A_132 = arith.constant 2 : i32
        %add3A_133 = arith.addi %add3A_104, %add3A_132 : i32
        %dma_start3A_134 = arith.constant 0 : i32
        %dma_start3A_135 = tpu.memref_slice %arg8[%add3A_133, %dma_start3A_134] : memref<40x128xi32, #tpu.memory_space<vmem>> -> memref<1x128xi32, #tpu.memory_space<vmem>>
        %dma_start3A_136 = tpu.memref_squeeze %dma_start3A_135 : memref<1x128xi32, #tpu.memory_space<vmem>> -> memref<128xi32, #tpu.memory_space<vmem>>
        %dma_start3A_137 = arith.constant 0 : i32
        %dma_start3A_138 = arith.constant 0 : i32
        %dma_start3A_139 = tpu.memref_slice %arg6[%dma_start3A_137, %dma_start3A_138] : memref<10240x64xf32, #tpu.memory_space<vmem_shared>> -> memref<10240x64xf32, #tpu.memory_space<vmem_shared>>
        tpu.enqueue_indirect_dma source(%dma_start3A_139 : memref<10240x64xf32, #tpu.memory_space<vmem_shared>>) target(%arg10 : memref<128x64xf32, #tpu.memory_space<vmem>>) offsets(%dma_start3A_136 : memref<128xi32, #tpu.memory_space<vmem>>) semaphore(%arg12 : memref<!tpu.dma_semaphore, #tpu.memory_space<semaphore_mem>>)
      } else {
      }
      %add3A_130 = arith.constant 1 : i32
      %add3A_131 = arith.addi %add3A_104, %add3A_130 : i32
      "tpu.region"() ({
        %run_scoped3A_132 = tpu.sem_alloc : memref<!tpu.dma_semaphore, #tpu.memory_space<semaphore_mem>>
        %dma_start3A_133 = arith.constant 0 : i32
        %dma_start3A_134 = tpu.memref_slice %arg9[%add3A_131, %dma_start3A_133] : memref<40x128xi32, #tpu.memory_space<vmem>> -> memref<1x128xi32, #tpu.memory_space<vmem>>
        %dma_start3A_135 = tpu.memref_squeeze %dma_start3A_134 : memref<1x128xi32, #tpu.memory_space<vmem>> -> memref<128xi32, #tpu.memory_space<vmem>>
        %dma_start3A_136 = arith.constant 0 : i32
        %dma_start3A_137 = arith.constant 0 : i32
        %dma_start3A_138 = tpu.memref_slice %arg7[%dma_start3A_136, %dma_start3A_137] : memref<10240x64xf32, #tpu.memory_space<vmem_shared>> -> memref<10240x64xf32, #tpu.memory_space<vmem_shared>>
        tpu.enqueue_indirect_dma source(%arg11 : memref<128x64xf32, #tpu.memory_space<vmem>>) target(%dma_start3A_138 : memref<10240x64xf32, #tpu.memory_space<vmem_shared>>) offsets(%dma_start3A_135 : memref<128xi32, #tpu.memory_space<vmem>>) semaphore(%run_scoped3A_132 : memref<!tpu.dma_semaphore, #tpu.memory_space<semaphore_mem>>) {add = true}
        %dma_wait3A_139 = arith.constant 0 : i32
        %dma_wait3A_140 = tpu.memref_slice %arg9[%add3A_131, %dma_wait3A_139] : memref<40x128xi32, #tpu.memory_space<vmem>> -> memref<1x128xi32, #tpu.memory_space<vmem>>
        %dma_wait3A_141 = tpu.memref_squeeze %dma_wait3A_140 : memref<1x128xi32, #tpu.memory_space<vmem>> -> memref<128xi32, #tpu.memory_space<vmem>>
        %dma_wait3A_142 = arith.constant 0 : i32
        %dma_wait3A_143 = arith.constant 0 : i32
        %dma_wait3A_144 = tpu.memref_slice %arg7[%dma_wait3A_142, %dma_wait3A_143] : memref<10240x64xf32, #tpu.memory_space<vmem_shared>> -> memref<10240x64xf32, #tpu.memory_space<vmem_shared>>
        tpu.wait_indirect_dma semaphore(%run_scoped3A_132 : memref<!tpu.dma_semaphore, #tpu.memory_space<semaphore_mem>>) src(%arg11 : memref<128x64xf32, #tpu.memory_space<vmem>>) dst(%dma_wait3A_144 : memref<10240x64xf32, #tpu.memory_space<vmem_shared>>)
        tpu.yield
      }) : () -> ()
    }
    %scan3A_45 = arith.constant 20 : i32
    %barrier3A_46 = arith.constant 0 : index
    tpu.barrier barrier_id(%barrier3A_46)
    %run_scoped3A_47 = arith.constant 0 : i32
    "tpu.region"() ({
      %run_scoped3A_100 = tpu.sem_alloc : memref<!tpu.dma_semaphore, #tpu.memory_space<semaphore_mem>>
      %dma_start3A_101 = arith.constant 0 : i32
      %dma_start3A_102 = tpu.memref_slice %arg5[%arg0, %run_scoped3A_47, %mul3A_0, %dma_start3A_101] : memref<2x2x10240x64xf32, #tpu.memory_space<hbm>> -> memref<1x1x640x64xf32, #tpu.memory_space<hbm>>
      %dma_start3A_103 = tpu.memref_squeeze %dma_start3A_102 : memref<1x1x640x64xf32, #tpu.memory_space<hbm>> -> memref<640x64xf32, #tpu.memory_space<hbm>>
      %dma_start3A_104 = arith.constant 0 : i32
      %dma_start3A_105 = tpu.memref_slice %arg7[%mul3A_0, %dma_start3A_104] : memref<10240x64xf32, #tpu.memory_space<vmem_shared>> -> memref<640x64xf32, #tpu.memory_space<vmem_shared>>
      tpu.enqueue_dma source(%dma_start3A_105 : memref<640x64xf32, #tpu.memory_space<vmem_shared>>) target(%dma_start3A_103 : memref<640x64xf32, #tpu.memory_space<hbm>>) target_semaphore(%run_scoped3A_100 : memref<!tpu.dma_semaphore, #tpu.memory_space<semaphore_mem>>)
      %dma_wait3A = arith.constant 0 : i32
      %dma_wait3A_106 = tpu.memref_slice %arg5[%arg0, %run_scoped3A_47, %mul3A_0, %dma_wait3A] : memref<2x2x10240x64xf32, #tpu.memory_space<hbm>> -> memref<1x1x640x64xf32, #tpu.memory_space<hbm>>
      %dma_wait3A_107 = tpu.memref_squeeze %dma_wait3A_106 : memref<1x1x640x64xf32, #tpu.memory_space<hbm>> -> memref<640x64xf32, #tpu.memory_space<hbm>>
      %dma_wait3A_108 = arith.constant 0 : i32
      %dma_wait3A_109 = tpu.memref_slice %arg7[%mul3A_0, %dma_wait3A_108] : memref<10240x64xf32, #tpu.memory_space<vmem_shared>> -> memref<640x64xf32, #tpu.memory_space<vmem_shared>>
      tpu.wait_dma2 semaphore(%run_scoped3A_100 : memref<!tpu.dma_semaphore, #tpu.memory_space<semaphore_mem>>) src(%dma_wait3A_109 : memref<640x64xf32, #tpu.memory_space<vmem_shared>>) dst(%dma_wait3A_107 : memref<640x64xf32, #tpu.memory_space<hbm>>)
      tpu.yield
    }) : () -> ()
    %scan3A_48 = arith.constant 0 : i32
    %scan3A_49 = arith.constant 128 : i32
    %scan3A_50 = arith.addi %scan3A_48, %scan3A_49 : i32
    %scan3A_51 = arith.constant 1 : i32
    scf.for %scan3A_100 = %scan3A_48 to %scan3A_50 step %scan3A_51  : i32 {
      %mul3A_101 = arith.constant 1 : i32
      %mul3A_102 = arith.muli %scan3A_100, %mul3A_101 : i32
      %add3A_103 = arith.constant 0 : i32
      %add3A_104 = arith.addi %add3A_103, %mul3A_102 : i32
      %scan3A_105 = arith.constant 0 : i32
      %scan3A_106 = arith.constant 4 : i32
      %scan3A_107 = arith.addi %scan3A_105, %scan3A_106 : i32
      %scan3A_108 = arith.constant 1 : i32
      scf.for %scan3A_110 = %scan3A_105 to %scan3A_107 step %scan3A_108  : i32 {
        %mul3A_111 = arith.constant 1 : i32
        %mul3A_112 = arith.muli %scan3A_110, %mul3A_111 : i32
        %add3A_113 = arith.constant 0 : i32
        %add3A_114 = arith.addi %add3A_113, %mul3A_112 : i32
        %broadcast_in_dim3A = arith.constant 0.000000e+00 : f32
        %broadcast_in_dim3A_115 = vector.broadcast %broadcast_in_dim3A : f32 to vector<16xf32>
        %mul3A_116 = arith.constant 16 : i32
        %mul3A_117 = arith.muli %add3A_114, %mul3A_116 : i32
        %swap3A = arith.index_cast %add3A_104 : i32 to index
        %swap3A_118 = arith.index_cast %mul3A_117 : i32 to index
        %swap3A_119 = tpu.vector_load %arg10[%swap3A, %swap3A_118] {strides = array<i32>} : memref<128x64xf32, #tpu.memory_space<vmem>>, vector<1x16xf32>,
        %swap3A_120 = vector.shape_cast %swap3A_119 : vector<1x16xf32> to vector<16xf32>
        %swap3A_121 = vector.shape_cast %broadcast_in_dim3A_115 : vector<16xf32> to vector<1x16xf32>
        tpu.vector_store %arg10[%swap3A, %swap3A_118], %swap3A_121 {strides = array<i32>} : memref<128x64xf32, #tpu.memory_space<vmem>>, vector<1x16xf32>,
      }
      %scan3A_109 = arith.constant 4 : i32
    }
    %scan3A_52 = arith.constant 128 : i32
    %run_scoped3A_53 = arith.constant 1 : i32
    "tpu.region"() ({
      %run_scoped3A_100 = tpu.sem_alloc : memref<!tpu.dma_semaphore, #tpu.memory_space<semaphore_mem>>
      %dma_start3A_101 = arith.constant 0 : i32
      %dma_start3A_102 = tpu.memref_slice %arg6[%mul3A_0, %dma_start3A_101] : memref<10240x64xf32, #tpu.memory_space<vmem_shared>> -> memref<640x64xf32, #tpu.memory_space<vmem_shared>>
      %dma_start3A_103 = arith.constant 0 : i32
      %dma_start3A_104 = tpu.memref_slice %arg2[%run_scoped3A_53, %mul3A_0, %dma_start3A_103] : memref<2x10240x64xf32, #tpu.memory_space<hbm>> -> memref<1x640x64xf32, #tpu.memory_space<hbm>>
      %dma_start3A_105 = tpu.memref_squeeze %dma_start3A_104 : memref<1x640x64xf32, #tpu.memory_space<hbm>> -> memref<640x64xf32, #tpu.memory_space<hbm>>
      tpu.enqueue_dma source(%dma_start3A_105 : memref<640x64xf32, #tpu.memory_space<hbm>>) target(%dma_start3A_102 : memref<640x64xf32, #tpu.memory_space<vmem_shared>>) target_semaphore(%run_scoped3A_100 : memref<!tpu.dma_semaphore, #tpu.memory_space<semaphore_mem>>)
      %dma_wait3A = arith.constant 0 : i32
      %dma_wait3A_106 = tpu.memref_slice %arg6[%mul3A_0, %dma_wait3A] : memref<10240x64xf32, #tpu.memory_space<vmem_shared>> -> memref<640x64xf32, #tpu.memory_space<vmem_shared>>
      %dma_wait3A_107 = arith.constant 0 : i32
      %dma_wait3A_108 = tpu.memref_slice %arg2[%run_scoped3A_53, %mul3A_0, %dma_wait3A_107] : memref<2x10240x64xf32, #tpu.memory_space<hbm>> -> memref<1x640x64xf32, #tpu.memory_space<hbm>>
      %dma_wait3A_109 = tpu.memref_squeeze %dma_wait3A_108 : memref<1x640x64xf32, #tpu.memory_space<hbm>> -> memref<640x64xf32, #tpu.memory_space<hbm>>
      tpu.wait_dma2 semaphore(%run_scoped3A_100 : memref<!tpu.dma_semaphore, #tpu.memory_space<semaphore_mem>>) src(%dma_wait3A_109 : memref<640x64xf32, #tpu.memory_space<hbm>>) dst(%dma_wait3A_106 : memref<640x64xf32, #tpu.memory_space<vmem_shared>>)
      tpu.yield
    }) : () -> ()
    %scan3A_54 = arith.constant 0 : i32
    %scan3A_55 = arith.constant 5 : i32
    %scan3A_56 = arith.addi %scan3A_54, %scan3A_55 : i32
    %scan3A_57 = arith.constant 1 : i32
    scf.for %scan3A_100 = %scan3A_54 to %scan3A_56 step %scan3A_57  : i32 {
      %mul3A_101 = arith.constant 1 : i32
      %mul3A_102 = arith.muli %scan3A_100, %mul3A_101 : i32
      %add3A_103 = arith.constant 0 : i32
      %add3A_104 = arith.addi %add3A_103, %mul3A_102 : i32
      %mul3A_105 = arith.constant 128 : i32
      %mul3A_106 = arith.muli %add3A_104, %mul3A_105 : i32
      %add3A_107 = arith.addi %mul3A_0, %mul3A_106 : i32
      "tpu.region"() ({
        %run_scoped3A_108 = tpu.sem_alloc : memref<!tpu.dma_semaphore, #tpu.memory_space<semaphore_mem>>
        %dma_start3A_109 = arith.constant 0 : i32
        %dma_start3A_110 = tpu.memref_slice %arg7[%add3A_107, %dma_start3A_109] : memref<10240x64xf32, #tpu.memory_space<vmem_shared>> -> memref<128x64xf32, #tpu.memory_space<vmem_shared>>
        %dma_start3A_111 = arith.constant 0 : i32
        %dma_start3A_112 = tpu.memref_slice %arg7[%add3A_107, %dma_start3A_111] : memref<10240x64xf32, #tpu.memory_space<vmem_shared>> -> memref<128x64xf32, #tpu.memory_space<vmem_shared>>
        tpu.enqueue_dma source(%arg10 : memref<128x64xf32, #tpu.memory_space<vmem>>) target(%dma_start3A_112 : memref<128x64xf32, #tpu.memory_space<vmem_shared>>) target_semaphore(%run_scoped3A_108 : memref<!tpu.dma_semaphore, #tpu.memory_space<semaphore_mem>>)
        %dma_wait3A = arith.constant 0 : i32
        %dma_wait3A_113 = tpu.memref_slice %arg7[%add3A_107, %dma_wait3A] : memref<10240x64xf32, #tpu.memory_space<vmem_shared>> -> memref<128x64xf32, #tpu.memory_space<vmem_shared>>
        %dma_wait3A_114 = arith.constant 0 : i32
        %dma_wait3A_115 = tpu.memref_slice %arg7[%add3A_107, %dma_wait3A_114] : memref<10240x64xf32, #tpu.memory_space<vmem_shared>> -> memref<128x64xf32, #tpu.memory_space<vmem_shared>>
        tpu.wait_dma2 semaphore(%run_scoped3A_108 : memref<!tpu.dma_semaphore, #tpu.memory_space<semaphore_mem>>) src(%arg10 : memref<128x64xf32, #tpu.memory_space<vmem>>) dst(%dma_wait3A_115 : memref<128x64xf32, #tpu.memory_space<vmem_shared>>)
        tpu.yield
      }) : () -> ()
    }
    %scan3A_58 = arith.constant 5 : i32
    %barrier3A_59 = arith.constant 0 : index
    tpu.barrier barrier_id(%barrier3A_59)
    %mul3A_60 = arith.constant 1280 : i32
    %mul3A_61 = arith.muli %arg0, %mul3A_60 : i32
    %mul3A_62 = arith.constant 80 : i32
    %mul3A_63 = arith.muli %arg1, %mul3A_62 : i32
    %add3A_64 = arith.addi %mul3A_61, %mul3A_63 : i32
    %add3A_65 = arith.constant 0 : i32
    %add3A_66 = arith.addi %add3A_64, %add3A_65 : i32
    "tpu.region"() ({
      %run_scoped3A_100 = tpu.sem_alloc : memref<!tpu.dma_semaphore, #tpu.memory_space<semaphore_mem>>
      %dma_start3A_101 = arith.constant 0 : i32
      %dma_start3A_102 = tpu.memref_slice %arg3[%add3A_66, %dma_start3A_101] : memref<2560x128xi32, #tpu.memory_space<hbm>> -> memref<40x128xi32, #tpu.memory_space<hbm>>
      %dma_start3A_103 = arith.constant 0 : i32
      %dma_start3A_104 = tpu.memref_slice %arg3[%add3A_66, %dma_start3A_103] : memref<2560x128xi32, #tpu.memory_space<hbm>> -> memref<40x128xi32, #tpu.memory_space<hbm>>
      tpu.enqueue_dma source(%dma_start3A_104 : memref<40x128xi32, #tpu.memory_space<hbm>>) target(%arg8 : memref<40x128xi32, #tpu.memory_space<vmem>>) target_semaphore(%run_scoped3A_100 : memref<!tpu.dma_semaphore, #tpu.memory_space<semaphore_mem>>)
      %dma_wait3A = arith.constant 0 : i32
      %dma_wait3A_105 = tpu.memref_slice %arg3[%add3A_66, %dma_wait3A] : memref<2560x128xi32, #tpu.memory_space<hbm>> -> memref<40x128xi32, #tpu.memory_space<hbm>>
      %dma_wait3A_106 = arith.constant 0 : i32
      %dma_wait3A_107 = tpu.memref_slice %arg3[%add3A_66, %dma_wait3A_106] : memref<2560x128xi32, #tpu.memory_space<hbm>> -> memref<40x128xi32, #tpu.memory_space<hbm>>
      tpu.wait_dma2 semaphore(%run_scoped3A_100 : memref<!tpu.dma_semaphore, #tpu.memory_space<semaphore_mem>>) src(%dma_wait3A_107 : memref<40x128xi32, #tpu.memory_space<hbm>>) dst(%arg8 : memref<40x128xi32, #tpu.memory_space<vmem>>)
      tpu.yield
    }) : () -> ()
    "tpu.region"() ({
      %run_scoped3A_100 = tpu.sem_alloc : memref<!tpu.dma_semaphore, #tpu.memory_space<semaphore_mem>>
      %dma_start3A_101 = arith.constant 0 : i32
      %dma_start3A_102 = tpu.memref_slice %arg4[%add3A_66, %dma_start3A_101] : memref<2560x128xi32, #tpu.memory_space<hbm>> -> memref<40x128xi32, #tpu.memory_space<hbm>>
      %dma_start3A_103 = arith.constant 0 : i32
      %dma_start3A_104 = tpu.memref_slice %arg4[%add3A_66, %dma_start3A_103] : memref<2560x128xi32, #tpu.memory_space<hbm>> -> memref<40x128xi32, #tpu.memory_space<hbm>>
      tpu.enqueue_dma source(%dma_start3A_104 : memref<40x128xi32, #tpu.memory_space<hbm>>) target(%arg9 : memref<40x128xi32, #tpu.memory_space<vmem>>) target_semaphore(%run_scoped3A_100 : memref<!tpu.dma_semaphore, #tpu.memory_space<semaphore_mem>>)
      %dma_wait3A = arith.constant 0 : i32
      %dma_wait3A_105 = tpu.memref_slice %arg4[%add3A_66, %dma_wait3A] : memref<2560x128xi32, #tpu.memory_space<hbm>> -> memref<40x128xi32, #tpu.memory_space<hbm>>
      %dma_wait3A_106 = arith.constant 0 : i32
      %dma_wait3A_107 = tpu.memref_slice %arg4[%add3A_66, %dma_wait3A_106] : memref<2560x128xi32, #tpu.memory_space<hbm>> -> memref<40x128xi32, #tpu.memory_space<hbm>>
      tpu.wait_dma2 semaphore(%run_scoped3A_100 : memref<!tpu.dma_semaphore, #tpu.memory_space<semaphore_mem>>) src(%dma_wait3A_107 : memref<40x128xi32, #tpu.memory_space<hbm>>) dst(%arg9 : memref<40x128xi32, #tpu.memory_space<vmem>>)
      tpu.yield
    }) : () -> ()
    %dma_start3A_67 = arith.constant 0 : i32
    %dma_start3A_68 = arith.constant 0 : i32
    %dma_start3A_69 = tpu.memref_slice %arg8[%dma_start3A_67, %dma_start3A_68] : memref<40x128xi32, #tpu.memory_space<vmem>> -> memref<1x128xi32, #tpu.memory_space<vmem>>
    %dma_start3A_70 = tpu.memref_squeeze %dma_start3A_69 : memref<1x128xi32, #tpu.memory_space<vmem>> -> memref<128xi32, #tpu.memory_space<vmem>>
    %dma_start3A_71 = arith.constant 0 : i32
    %dma_start3A_72 = arith.constant 0 : i32
    %dma_start3A_73 = tpu.memref_slice %arg6[%dma_start3A_71, %dma_start3A_72] : memref<10240x64xf32, #tpu.memory_space<vmem_shared>> -> memref<10240x64xf32, #tpu.memory_space<vmem_shared>>
    tpu.enqueue_indirect_dma source(%dma_start3A_73 : memref<10240x64xf32, #tpu.memory_space<vmem_shared>>) target(%arg10 : memref<128x64xf32, #tpu.memory_space<vmem>>) offsets(%dma_start3A_70 : memref<128xi32, #tpu.memory_space<vmem>>) semaphore(%arg12 : memref<!tpu.dma_semaphore, #tpu.memory_space<semaphore_mem>>)
    %scan3A_74 = arith.constant 0 : i32
    %scan3A_75 = arith.constant 20 : i32
    %scan3A_76 = arith.addi %scan3A_74, %scan3A_75 : i32
    %scan3A_77 = arith.constant 1 : i32
    scf.for %scan3A_100 = %scan3A_74 to %scan3A_76 step %scan3A_77  : i32 {
      %mul3A_101 = arith.constant 2 : i32
      %mul3A_102 = arith.muli %scan3A_100, %mul3A_101 : i32
      %add3A_103 = arith.constant 0 : i32
      %add3A_104 = arith.addi %add3A_103, %mul3A_102 : i32
      %dma_wait3A = arith.constant 0 : i32
      %dma_wait3A_105 = tpu.memref_slice %arg8[%add3A_104, %dma_wait3A] : memref<40x128xi32, #tpu.memory_space<vmem>> -> memref<1x128xi32, #tpu.memory_space<vmem>>
      %dma_wait3A_106 = tpu.memref_squeeze %dma_wait3A_105 : memref<1x128xi32, #tpu.memory_space<vmem>> -> memref<128xi32, #tpu.memory_space<vmem>>
      %dma_wait3A_107 = arith.constant 0 : i32
      %dma_wait3A_108 = arith.constant 0 : i32
      %dma_wait3A_109 = tpu.memref_slice %arg6[%dma_wait3A_107, %dma_wait3A_108] : memref<10240x64xf32, #tpu.memory_space<vmem_shared>> -> memref<10240x64xf32, #tpu.memory_space<vmem_shared>>
      tpu.wait_indirect_dma semaphore(%arg12 : memref<!tpu.dma_semaphore, #tpu.memory_space<semaphore_mem>>) src(%dma_wait3A_109 : memref<10240x64xf32, #tpu.memory_space<vmem_shared>>) dst(%arg10 : memref<128x64xf32, #tpu.memory_space<vmem>>)
      %add3A_110 = arith.constant 1 : i32
      %add3A_111 = arith.addi %add3A_104, %add3A_110 : i32
      %dma_start3A_112 = arith.constant 0 : i32
      %dma_start3A_113 = tpu.memref_slice %arg8[%add3A_111, %dma_start3A_112] : memref<40x128xi32, #tpu.memory_space<vmem>> -> memref<1x128xi32, #tpu.memory_space<vmem>>
      %dma_start3A_114 = tpu.memref_squeeze %dma_start3A_113 : memref<1x128xi32, #tpu.memory_space<vmem>> -> memref<128xi32, #tpu.memory_space<vmem>>
      %dma_start3A_115 = arith.constant 0 : i32
      %dma_start3A_116 = arith.constant 0 : i32
      %dma_start3A_117 = tpu.memref_slice %arg6[%dma_start3A_115, %dma_start3A_116] : memref<10240x64xf32, #tpu.memory_space<vmem_shared>> -> memref<10240x64xf32, #tpu.memory_space<vmem_shared>>
      tpu.enqueue_indirect_dma source(%dma_start3A_117 : memref<10240x64xf32, #tpu.memory_space<vmem_shared>>) target(%arg11 : memref<128x64xf32, #tpu.memory_space<vmem>>) offsets(%dma_start3A_114 : memref<128xi32, #tpu.memory_space<vmem>>) semaphore(%arg13 : memref<!tpu.dma_semaphore, #tpu.memory_space<semaphore_mem>>)
      "tpu.region"() ({
        %run_scoped3A_132 = tpu.sem_alloc : memref<!tpu.dma_semaphore, #tpu.memory_space<semaphore_mem>>
        %dma_start3A_133 = arith.constant 0 : i32
        %dma_start3A_134 = tpu.memref_slice %arg9[%add3A_104, %dma_start3A_133] : memref<40x128xi32, #tpu.memory_space<vmem>> -> memref<1x128xi32, #tpu.memory_space<vmem>>
        %dma_start3A_135 = tpu.memref_squeeze %dma_start3A_134 : memref<1x128xi32, #tpu.memory_space<vmem>> -> memref<128xi32, #tpu.memory_space<vmem>>
        %dma_start3A_136 = arith.constant 0 : i32
        %dma_start3A_137 = arith.constant 0 : i32
        %dma_start3A_138 = tpu.memref_slice %arg7[%dma_start3A_136, %dma_start3A_137] : memref<10240x64xf32, #tpu.memory_space<vmem_shared>> -> memref<10240x64xf32, #tpu.memory_space<vmem_shared>>
        tpu.enqueue_indirect_dma source(%arg10 : memref<128x64xf32, #tpu.memory_space<vmem>>) target(%dma_start3A_138 : memref<10240x64xf32, #tpu.memory_space<vmem_shared>>) offsets(%dma_start3A_135 : memref<128xi32, #tpu.memory_space<vmem>>) semaphore(%run_scoped3A_132 : memref<!tpu.dma_semaphore, #tpu.memory_space<semaphore_mem>>) {add = true}
        %dma_wait3A_139 = arith.constant 0 : i32
        %dma_wait3A_140 = tpu.memref_slice %arg9[%add3A_104, %dma_wait3A_139] : memref<40x128xi32, #tpu.memory_space<vmem>> -> memref<1x128xi32, #tpu.memory_space<vmem>>
        %dma_wait3A_141 = tpu.memref_squeeze %dma_wait3A_140 : memref<1x128xi32, #tpu.memory_space<vmem>> -> memref<128xi32, #tpu.memory_space<vmem>>
        %dma_wait3A_142 = arith.constant 0 : i32
        %dma_wait3A_143 = arith.constant 0 : i32
        %dma_wait3A_144 = tpu.memref_slice %arg7[%dma_wait3A_142, %dma_wait3A_143] : memref<10240x64xf32, #tpu.memory_space<vmem_shared>> -> memref<10240x64xf32, #tpu.memory_space<vmem_shared>>
        tpu.wait_indirect_dma semaphore(%run_scoped3A_132 : memref<!tpu.dma_semaphore, #tpu.memory_space<semaphore_mem>>) src(%arg10 : memref<128x64xf32, #tpu.memory_space<vmem>>) dst(%dma_wait3A_144 : memref<10240x64xf32, #tpu.memory_space<vmem_shared>>)
        tpu.yield
      }) : () -> ()
      %add3A_118 = arith.constant 1 : i32
      %add3A_119 = arith.addi %add3A_104, %add3A_118 : i32
      %dma_wait3A_120 = arith.constant 0 : i32
      %dma_wait3A_121 = tpu.memref_slice %arg8[%add3A_119, %dma_wait3A_120] : memref<40x128xi32, #tpu.memory_space<vmem>> -> memref<1x128xi32, #tpu.memory_space<vmem>>
      %dma_wait3A_122 = tpu.memref_squeeze %dma_wait3A_121 : memref<1x128xi32, #tpu.memory_space<vmem>> -> memref<128xi32, #tpu.memory_space<vmem>>
      %dma_wait3A_123 = arith.constant 0 : i32
      %dma_wait3A_124 = arith.constant 0 : i32
      %dma_wait3A_125 = tpu.memref_slice %arg6[%dma_wait3A_123, %dma_wait3A_124] : memref<10240x64xf32, #tpu.memory_space<vmem_shared>> -> memref<10240x64xf32, #tpu.memory_space<vmem_shared>>
      tpu.wait_indirect_dma semaphore(%arg13 : memref<!tpu.dma_semaphore, #tpu.memory_space<semaphore_mem>>) src(%dma_wait3A_125 : memref<10240x64xf32, #tpu.memory_space<vmem_shared>>) dst(%arg11 : memref<128x64xf32, #tpu.memory_space<vmem>>)
      %add3A_126 = arith.constant 2 : i32
      %add3A_127 = arith.addi %add3A_104, %add3A_126 : i32
      %lt3A = arith.constant 40 : i32
      %lt3A_128 = arith.cmpi slt, %add3A_127, %lt3A : i32
      %convert_element_type3A = arith.extui %lt3A_128 : i1 to i32
      %cond3A = arith.constant 0 : i32
      %cond3A_129 = arith.cmpi ne, %convert_element_type3A, %cond3A : i32
      scf.if %cond3A_129 {
        %add3A_132 = arith.constant 2 : i32
        %add3A_133 = arith.addi %add3A_104, %add3A_132 : i32
        %dma_start3A_134 = arith.constant 0 : i32
        %dma_start3A_135 = tpu.memref_slice %arg8[%add3A_133, %dma_start3A_134] : memref<40x128xi32, #tpu.memory_space<vmem>> -> memref<1x128xi32, #tpu.memory_space<vmem>>
        %dma_start3A_136 = tpu.memref_squeeze %dma_start3A_135 : memref<1x128xi32, #tpu.memory_space<vmem>> -> memref<128xi32, #tpu.memory_space<vmem>>
        %dma_start3A_137 = arith.constant 0 : i32
        %dma_start3A_138 = arith.constant 0 : i32
        %dma_start3A_139 = tpu.memref_slice %arg6[%dma_start3A_137, %dma_start3A_138] : memref<10240x64xf32, #tpu.memory_space<vmem_shared>> -> memref<10240x64xf32, #tpu.memory_space<vmem_shared>>
        tpu.enqueue_indirect_dma source(%dma_start3A_139 : memref<10240x64xf32, #tpu.memory_space<vmem_shared>>) target(%arg10 : memref<128x64xf32, #tpu.memory_space<vmem>>) offsets(%dma_start3A_136 : memref<128xi32, #tpu.memory_space<vmem>>) semaphore(%arg12 : memref<!tpu.dma_semaphore, #tpu.memory_space<semaphore_mem>>)
      } else {
      }
      %add3A_130 = arith.constant 1 : i32
      %add3A_131 = arith.addi %add3A_104, %add3A_130 : i32
      "tpu.region"() ({
        %run_scoped3A_132 = tpu.sem_alloc : memref<!tpu.dma_semaphore, #tpu.memory_space<semaphore_mem>>
        %dma_start3A_133 = arith.constant 0 : i32
        %dma_start3A_134 = tpu.memref_slice %arg9[%add3A_131, %dma_start3A_133] : memref<40x128xi32, #tpu.memory_space<vmem>> -> memref<1x128xi32, #tpu.memory_space<vmem>>
        %dma_start3A_135 = tpu.memref_squeeze %dma_start3A_134 : memref<1x128xi32, #tpu.memory_space<vmem>> -> memref<128xi32, #tpu.memory_space<vmem>>
        %dma_start3A_136 = arith.constant 0 : i32
        %dma_start3A_137 = arith.constant 0 : i32
        %dma_start3A_138 = tpu.memref_slice %arg7[%dma_start3A_136, %dma_start3A_137] : memref<10240x64xf32, #tpu.memory_space<vmem_shared>> -> memref<10240x64xf32, #tpu.memory_space<vmem_shared>>
        tpu.enqueue_indirect_dma source(%arg11 : memref<128x64xf32, #tpu.memory_space<vmem>>) target(%dma_start3A_138 : memref<10240x64xf32, #tpu.memory_space<vmem_shared>>) offsets(%dma_start3A_135 : memref<128xi32, #tpu.memory_space<vmem>>) semaphore(%run_scoped3A_132 : memref<!tpu.dma_semaphore, #tpu.memory_space<semaphore_mem>>) {add = true}
        %dma_wait3A_139 = arith.constant 0 : i32
        %dma_wait3A_140 = tpu.memref_slice %arg9[%add3A_131, %dma_wait3A_139] : memref<40x128xi32, #tpu.memory_space<vmem>> -> memref<1x128xi32, #tpu.memory_space<vmem>>
        %dma_wait3A_141 = tpu.memref_squeeze %dma_wait3A_140 : memref<1x128xi32, #tpu.memory_space<vmem>> -> memref<128xi32, #tpu.memory_space<vmem>>
        %dma_wait3A_142 = arith.constant 0 : i32
        %dma_wait3A_143 = arith.constant 0 : i32
        %dma_wait3A_144 = tpu.memref_slice %arg7[%dma_wait3A_142, %dma_wait3A_143] : memref<10240x64xf32, #tpu.memory_space<vmem_shared>> -> memref<10240x64xf32, #tpu.memory_space<vmem_shared>>
        tpu.wait_indirect_dma semaphore(%run_scoped3A_132 : memref<!tpu.dma_semaphore, #tpu.memory_space<semaphore_mem>>) src(%arg11 : memref<128x64xf32, #tpu.memory_space<vmem>>) dst(%dma_wait3A_144 : memref<10240x64xf32, #tpu.memory_space<vmem_shared>>)
        tpu.yield
      }) : () -> ()
    }
    %scan3A_78 = arith.constant 20 : i32
    %mul3A_79 = arith.constant 1280 : i32
    %mul3A_80 = arith.muli %arg0, %mul3A_79 : i32
    %mul3A_81 = arith.constant 80 : i32
    %mul3A_82 = arith.muli %arg1, %mul3A_81 : i32
    %add3A_83 = arith.addi %mul3A_80, %mul3A_82 : i32
    %add3A_84 = arith.constant 40 : i32
    %add3A_85 = arith.addi %add3A_83, %add3A_84 : i32
    "tpu.region"() ({
      %run_scoped3A_100 = tpu.sem_alloc : memref<!tpu.dma_semaphore, #tpu.memory_space<semaphore_mem>>
      %dma_start3A_101 = arith.constant 0 : i32
      %dma_start3A_102 = tpu.memref_slice %arg3[%add3A_85, %dma_start3A_101] : memref<2560x128xi32, #tpu.memory_space<hbm>> -> memref<40x128xi32, #tpu.memory_space<hbm>>
      %dma_start3A_103 = arith.constant 0 : i32
      %dma_start3A_104 = tpu.memref_slice %arg3[%add3A_85, %dma_start3A_103] : memref<2560x128xi32, #tpu.memory_space<hbm>> -> memref<40x128xi32, #tpu.memory_space<hbm>>
      tpu.enqueue_dma source(%dma_start3A_104 : memref<40x128xi32, #tpu.memory_space<hbm>>) target(%arg8 : memref<40x128xi32, #tpu.memory_space<vmem>>) target_semaphore(%run_scoped3A_100 : memref<!tpu.dma_semaphore, #tpu.memory_space<semaphore_mem>>)
      %dma_wait3A = arith.constant 0 : i32
      %dma_wait3A_105 = tpu.memref_slice %arg3[%add3A_85, %dma_wait3A] : memref<2560x128xi32, #tpu.memory_space<hbm>> -> memref<40x128xi32, #tpu.memory_space<hbm>>
      %dma_wait3A_106 = arith.constant 0 : i32
      %dma_wait3A_107 = tpu.memref_slice %arg3[%add3A_85, %dma_wait3A_106] : memref<2560x128xi32, #tpu.memory_space<hbm>> -> memref<40x128xi32, #tpu.memory_space<hbm>>
      tpu.wait_dma2 semaphore(%run_scoped3A_100 : memref<!tpu.dma_semaphore, #tpu.memory_space<semaphore_mem>>) src(%dma_wait3A_107 : memref<40x128xi32, #tpu.memory_space<hbm>>) dst(%arg8 : memref<40x128xi32, #tpu.memory_space<vmem>>)
      tpu.yield
    }) : () -> ()
    "tpu.region"() ({
      %run_scoped3A_100 = tpu.sem_alloc : memref<!tpu.dma_semaphore, #tpu.memory_space<semaphore_mem>>
      %dma_start3A_101 = arith.constant 0 : i32
      %dma_start3A_102 = tpu.memref_slice %arg4[%add3A_85, %dma_start3A_101] : memref<2560x128xi32, #tpu.memory_space<hbm>> -> memref<40x128xi32, #tpu.memory_space<hbm>>
      %dma_start3A_103 = arith.constant 0 : i32
      %dma_start3A_104 = tpu.memref_slice %arg4[%add3A_85, %dma_start3A_103] : memref<2560x128xi32, #tpu.memory_space<hbm>> -> memref<40x128xi32, #tpu.memory_space<hbm>>
      tpu.enqueue_dma source(%dma_start3A_104 : memref<40x128xi32, #tpu.memory_space<hbm>>) target(%arg9 : memref<40x128xi32, #tpu.memory_space<vmem>>) target_semaphore(%run_scoped3A_100 : memref<!tpu.dma_semaphore, #tpu.memory_space<semaphore_mem>>)
      %dma_wait3A = arith.constant 0 : i32
      %dma_wait3A_105 = tpu.memref_slice %arg4[%add3A_85, %dma_wait3A] : memref<2560x128xi32, #tpu.memory_space<hbm>> -> memref<40x128xi32, #tpu.memory_space<hbm>>
      %dma_wait3A_106 = arith.constant 0 : i32
      %dma_wait3A_107 = tpu.memref_slice %arg4[%add3A_85, %dma_wait3A_106] : memref<2560x128xi32, #tpu.memory_space<hbm>> -> memref<40x128xi32, #tpu.memory_space<hbm>>
      tpu.wait_dma2 semaphore(%run_scoped3A_100 : memref<!tpu.dma_semaphore, #tpu.memory_space<semaphore_mem>>) src(%dma_wait3A_107 : memref<40x128xi32, #tpu.memory_space<hbm>>) dst(%arg9 : memref<40x128xi32, #tpu.memory_space<vmem>>)
      tpu.yield
    }) : () -> ()
    %dma_start3A_86 = arith.constant 0 : i32
    %dma_start3A_87 = arith.constant 0 : i32
    %dma_start3A_88 = tpu.memref_slice %arg8[%dma_start3A_86, %dma_start3A_87] : memref<40x128xi32, #tpu.memory_space<vmem>> -> memref<1x128xi32, #tpu.memory_space<vmem>>
    %dma_start3A_89 = tpu.memref_squeeze %dma_start3A_88 : memref<1x128xi32, #tpu.memory_space<vmem>> -> memref<128xi32, #tpu.memory_space<vmem>>
    %dma_start3A_90 = arith.constant 0 : i32
    %dma_start3A_91 = arith.constant 0 : i32
    %dma_start3A_92 = tpu.memref_slice %arg6[%dma_start3A_90, %dma_start3A_91] : memref<10240x64xf32, #tpu.memory_space<vmem_shared>> -> memref<10240x64xf32, #tpu.memory_space<vmem_shared>>
    tpu.enqueue_indirect_dma source(%dma_start3A_92 : memref<10240x64xf32, #tpu.memory_space<vmem_shared>>) target(%arg10 : memref<128x64xf32, #tpu.memory_space<vmem>>) offsets(%dma_start3A_89 : memref<128xi32, #tpu.memory_space<vmem>>) semaphore(%arg12 : memref<!tpu.dma_semaphore, #tpu.memory_space<semaphore_mem>>)
    %scan3A_93 = arith.constant 0 : i32
    %scan3A_94 = arith.constant 20 : i32
    %scan3A_95 = arith.addi %scan3A_93, %scan3A_94 : i32
    %scan3A_96 = arith.constant 1 : i32
    scf.for %scan3A_100 = %scan3A_93 to %scan3A_95 step %scan3A_96  : i32 {
      %mul3A_101 = arith.constant 2 : i32
      %mul3A_102 = arith.muli %scan3A_100, %mul3A_101 : i32
      %add3A_103 = arith.constant 0 : i32
      %add3A_104 = arith.addi %add3A_103, %mul3A_102 : i32
      %dma_wait3A = arith.constant 0 : i32
      %dma_wait3A_105 = tpu.memref_slice %arg8[%add3A_104, %dma_wait3A] : memref<40x128xi32, #tpu.memory_space<vmem>> -> memref<1x128xi32, #tpu.memory_space<vmem>>
      %dma_wait3A_106 = tpu.memref_squeeze %dma_wait3A_105 : memref<1x128xi32, #tpu.memory_space<vmem>> -> memref<128xi32, #tpu.memory_space<vmem>>
      %dma_wait3A_107 = arith.constant 0 : i32
      %dma_wait3A_108 = arith.constant 0 : i32
      %dma_wait3A_109 = tpu.memref_slice %arg6[%dma_wait3A_107, %dma_wait3A_108] : memref<10240x64xf32, #tpu.memory_space<vmem_shared>> -> memref<10240x64xf32, #tpu.memory_space<vmem_shared>>
      tpu.wait_indirect_dma semaphore(%arg12 : memref<!tpu.dma_semaphore, #tpu.memory_space<semaphore_mem>>) src(%dma_wait3A_109 : memref<10240x64xf32, #tpu.memory_space<vmem_shared>>) dst(%arg10 : memref<128x64xf32, #tpu.memory_space<vmem>>)
      %add3A_110 = arith.constant 1 : i32
      %add3A_111 = arith.addi %add3A_104, %add3A_110 : i32
      %dma_start3A_112 = arith.constant 0 : i32
      %dma_start3A_113 = tpu.memref_slice %arg8[%add3A_111, %dma_start3A_112] : memref<40x128xi32, #tpu.memory_space<vmem>> -> memref<1x128xi32, #tpu.memory_space<vmem>>
      %dma_start3A_114 = tpu.memref_squeeze %dma_start3A_113 : memref<1x128xi32, #tpu.memory_space<vmem>> -> memref<128xi32, #tpu.memory_space<vmem>>
      %dma_start3A_115 = arith.constant 0 : i32
      %dma_start3A_116 = arith.constant 0 : i32
      %dma_start3A_117 = tpu.memref_slice %arg6[%dma_start3A_115, %dma_start3A_116] : memref<10240x64xf32, #tpu.memory_space<vmem_shared>> -> memref<10240x64xf32, #tpu.memory_space<vmem_shared>>
      tpu.enqueue_indirect_dma source(%dma_start3A_117 : memref<10240x64xf32, #tpu.memory_space<vmem_shared>>) target(%arg11 : memref<128x64xf32, #tpu.memory_space<vmem>>) offsets(%dma_start3A_114 : memref<128xi32, #tpu.memory_space<vmem>>) semaphore(%arg13 : memref<!tpu.dma_semaphore, #tpu.memory_space<semaphore_mem>>)
      "tpu.region"() ({
        %run_scoped3A_132 = tpu.sem_alloc : memref<!tpu.dma_semaphore, #tpu.memory_space<semaphore_mem>>
        %dma_start3A_133 = arith.constant 0 : i32
        %dma_start3A_134 = tpu.memref_slice %arg9[%add3A_104, %dma_start3A_133] : memref<40x128xi32, #tpu.memory_space<vmem>> -> memref<1x128xi32, #tpu.memory_space<vmem>>
        %dma_start3A_135 = tpu.memref_squeeze %dma_start3A_134 : memref<1x128xi32, #tpu.memory_space<vmem>> -> memref<128xi32, #tpu.memory_space<vmem>>
        %dma_start3A_136 = arith.constant 0 : i32
        %dma_start3A_137 = arith.constant 0 : i32
        %dma_start3A_138 = tpu.memref_slice %arg7[%dma_start3A_136, %dma_start3A_137] : memref<10240x64xf32, #tpu.memory_space<vmem_shared>> -> memref<10240x64xf32, #tpu.memory_space<vmem_shared>>
        tpu.enqueue_indirect_dma source(%arg10 : memref<128x64xf32, #tpu.memory_space<vmem>>) target(%dma_start3A_138 : memref<10240x64xf32, #tpu.memory_space<vmem_shared>>) offsets(%dma_start3A_135 : memref<128xi32, #tpu.memory_space<vmem>>) semaphore(%run_scoped3A_132 : memref<!tpu.dma_semaphore, #tpu.memory_space<semaphore_mem>>) {add = true}
        %dma_wait3A_139 = arith.constant 0 : i32
        %dma_wait3A_140 = tpu.memref_slice %arg9[%add3A_104, %dma_wait3A_139] : memref<40x128xi32, #tpu.memory_space<vmem>> -> memref<1x128xi32, #tpu.memory_space<vmem>>
        %dma_wait3A_141 = tpu.memref_squeeze %dma_wait3A_140 : memref<1x128xi32, #tpu.memory_space<vmem>> -> memref<128xi32, #tpu.memory_space<vmem>>
        %dma_wait3A_142 = arith.constant 0 : i32
        %dma_wait3A_143 = arith.constant 0 : i32
        %dma_wait3A_144 = tpu.memref_slice %arg7[%dma_wait3A_142, %dma_wait3A_143] : memref<10240x64xf32, #tpu.memory_space<vmem_shared>> -> memref<10240x64xf32, #tpu.memory_space<vmem_shared>>
        tpu.wait_indirect_dma semaphore(%run_scoped3A_132 : memref<!tpu.dma_semaphore, #tpu.memory_space<semaphore_mem>>) src(%arg10 : memref<128x64xf32, #tpu.memory_space<vmem>>) dst(%dma_wait3A_144 : memref<10240x64xf32, #tpu.memory_space<vmem_shared>>)
        tpu.yield
      }) : () -> ()
      %add3A_118 = arith.constant 1 : i32
      %add3A_119 = arith.addi %add3A_104, %add3A_118 : i32
      %dma_wait3A_120 = arith.constant 0 : i32
      %dma_wait3A_121 = tpu.memref_slice %arg8[%add3A_119, %dma_wait3A_120] : memref<40x128xi32, #tpu.memory_space<vmem>> -> memref<1x128xi32, #tpu.memory_space<vmem>>
      %dma_wait3A_122 = tpu.memref_squeeze %dma_wait3A_121 : memref<1x128xi32, #tpu.memory_space<vmem>> -> memref<128xi32, #tpu.memory_space<vmem>>
      %dma_wait3A_123 = arith.constant 0 : i32
      %dma_wait3A_124 = arith.constant 0 : i32
      %dma_wait3A_125 = tpu.memref_slice %arg6[%dma_wait3A_123, %dma_wait3A_124] : memref<10240x64xf32, #tpu.memory_space<vmem_shared>> -> memref<10240x64xf32, #tpu.memory_space<vmem_shared>>
      tpu.wait_indirect_dma semaphore(%arg13 : memref<!tpu.dma_semaphore, #tpu.memory_space<semaphore_mem>>) src(%dma_wait3A_125 : memref<10240x64xf32, #tpu.memory_space<vmem_shared>>) dst(%arg11 : memref<128x64xf32, #tpu.memory_space<vmem>>)
      %add3A_126 = arith.constant 2 : i32
      %add3A_127 = arith.addi %add3A_104, %add3A_126 : i32
      %lt3A = arith.constant 40 : i32
      %lt3A_128 = arith.cmpi slt, %add3A_127, %lt3A : i32
      %convert_element_type3A = arith.extui %lt3A_128 : i1 to i32
      %cond3A = arith.constant 0 : i32
      %cond3A_129 = arith.cmpi ne, %convert_element_type3A, %cond3A : i32
      scf.if %cond3A_129 {
        %add3A_132 = arith.constant 2 : i32
        %add3A_133 = arith.addi %add3A_104, %add3A_132 : i32
        %dma_start3A_134 = arith.constant 0 : i32
        %dma_start3A_135 = tpu.memref_slice %arg8[%add3A_133, %dma_start3A_134] : memref<40x128xi32, #tpu.memory_space<vmem>> -> memref<1x128xi32, #tpu.memory_space<vmem>>
        %dma_start3A_136 = tpu.memref_squeeze %dma_start3A_135 : memref<1x128xi32, #tpu.memory_space<vmem>> -> memref<128xi32, #tpu.memory_space<vmem>>
        %dma_start3A_137 = arith.constant 0 : i32
        %dma_start3A_138 = arith.constant 0 : i32
        %dma_start3A_139 = tpu.memref_slice %arg6[%dma_start3A_137, %dma_start3A_138] : memref<10240x64xf32, #tpu.memory_space<vmem_shared>> -> memref<10240x64xf32, #tpu.memory_space<vmem_shared>>
        tpu.enqueue_indirect_dma source(%dma_start3A_139 : memref<10240x64xf32, #tpu.memory_space<vmem_shared>>) target(%arg10 : memref<128x64xf32, #tpu.memory_space<vmem>>) offsets(%dma_start3A_136 : memref<128xi32, #tpu.memory_space<vmem>>) semaphore(%arg12 : memref<!tpu.dma_semaphore, #tpu.memory_space<semaphore_mem>>)
      } else {
      }
      %add3A_130 = arith.constant 1 : i32
      %add3A_131 = arith.addi %add3A_104, %add3A_130 : i32
      "tpu.region"() ({
        %run_scoped3A_132 = tpu.sem_alloc : memref<!tpu.dma_semaphore, #tpu.memory_space<semaphore_mem>>
        %dma_start3A_133 = arith.constant 0 : i32
        %dma_start3A_134 = tpu.memref_slice %arg9[%add3A_131, %dma_start3A_133] : memref<40x128xi32, #tpu.memory_space<vmem>> -> memref<1x128xi32, #tpu.memory_space<vmem>>
        %dma_start3A_135 = tpu.memref_squeeze %dma_start3A_134 : memref<1x128xi32, #tpu.memory_space<vmem>> -> memref<128xi32, #tpu.memory_space<vmem>>
        %dma_start3A_136 = arith.constant 0 : i32
        %dma_start3A_137 = arith.constant 0 : i32
        %dma_start3A_138 = tpu.memref_slice %arg7[%dma_start3A_136, %dma_start3A_137] : memref<10240x64xf32, #tpu.memory_space<vmem_shared>> -> memref<10240x64xf32, #tpu.memory_space<vmem_shared>>
        tpu.enqueue_indirect_dma source(%arg11 : memref<128x64xf32, #tpu.memory_space<vmem>>) target(%dma_start3A_138 : memref<10240x64xf32, #tpu.memory_space<vmem_shared>>) offsets(%dma_start3A_135 : memref<128xi32, #tpu.memory_space<vmem>>) semaphore(%run_scoped3A_132 : memref<!tpu.dma_semaphore, #tpu.memory_space<semaphore_mem>>) {add = true}
        %dma_wait3A_139 = arith.constant 0 : i32
        %dma_wait3A_140 = tpu.memref_slice %arg9[%add3A_131, %dma_wait3A_139] : memref<40x128xi32, #tpu.memory_space<vmem>> -> memref<1x128xi32, #tpu.memory_space<vmem>>
        %dma_wait3A_141 = tpu.memref_squeeze %dma_wait3A_140 : memref<1x128xi32, #tpu.memory_space<vmem>> -> memref<128xi32, #tpu.memory_space<vmem>>
        %dma_wait3A_142 = arith.constant 0 : i32
        %dma_wait3A_143 = arith.constant 0 : i32
        %dma_wait3A_144 = tpu.memref_slice %arg7[%dma_wait3A_142, %dma_wait3A_143] : memref<10240x64xf32, #tpu.memory_space<vmem_shared>> -> memref<10240x64xf32, #tpu.memory_space<vmem_shared>>
        tpu.wait_indirect_dma semaphore(%run_scoped3A_132 : memref<!tpu.dma_semaphore, #tpu.memory_space<semaphore_mem>>) src(%arg11 : memref<128x64xf32, #tpu.memory_space<vmem>>) dst(%dma_wait3A_144 : memref<10240x64xf32, #tpu.memory_space<vmem_shared>>)
        tpu.yield
      }) : () -> ()
    }
    %scan3A_97 = arith.constant 20 : i32
    %barrier3A_98 = arith.constant 0 : index
    tpu.barrier barrier_id(%barrier3A_98)
    %run_scoped3A_99 = arith.constant 1 : i32
    "tpu.region"() ({
      %run_scoped3A_100 = tpu.sem_alloc : memref<!tpu.dma_semaphore, #tpu.memory_space<semaphore_mem>>
      %dma_start3A_101 = arith.constant 0 : i32
      %dma_start3A_102 = tpu.memref_slice %arg5[%arg0, %run_scoped3A_99, %mul3A_0, %dma_start3A_101] : memref<2x2x10240x64xf32, #tpu.memory_space<hbm>> -> memref<1x1x640x64xf32, #tpu.memory_space<hbm>>
      %dma_start3A_103 = tpu.memref_squeeze %dma_start3A_102 : memref<1x1x640x64xf32, #tpu.memory_space<hbm>> -> memref<640x64xf32, #tpu.memory_space<hbm>>
      %dma_start3A_104 = arith.constant 0 : i32
      %dma_start3A_105 = tpu.memref_slice %arg7[%mul3A_0, %dma_start3A_104] : memref<10240x64xf32, #tpu.memory_space<vmem_shared>> -> memref<640x64xf32, #tpu.memory_space<vmem_shared>>
      tpu.enqueue_dma source(%dma_start3A_105 : memref<640x64xf32, #tpu.memory_space<vmem_shared>>) target(%dma_start3A_103 : memref<640x64xf32, #tpu.memory_space<hbm>>) target_semaphore(%run_scoped3A_100 : memref<!tpu.dma_semaphore, #tpu.memory_space<semaphore_mem>>)
      %dma_wait3A = arith.constant 0 : i32
      %dma_wait3A_106 = tpu.memref_slice %arg5[%arg0, %run_scoped3A_99, %mul3A_0, %dma_wait3A] : memref<2x2x10240x64xf32, #tpu.memory_space<hbm>> -> memref<1x1x640x64xf32, #tpu.memory_space<hbm>>
      %dma_wait3A_107 = tpu.memref_squeeze %dma_wait3A_106 : memref<1x1x640x64xf32, #tpu.memory_space<hbm>> -> memref<640x64xf32, #tpu.memory_space<hbm>>
      %dma_wait3A_108 = arith.constant 0 : i32
      %dma_wait3A_109 = tpu.memref_slice %arg7[%mul3A_0, %dma_wait3A_108] : memref<10240x64xf32, #tpu.memory_space<vmem_shared>> -> memref<640x64xf32, #tpu.memory_space<vmem_shared>>
      tpu.wait_dma2 semaphore(%run_scoped3A_100 : memref<!tpu.dma_semaphore, #tpu.memory_space<semaphore_mem>>) src(%dma_wait3A_109 : memref<640x64xf32, #tpu.memory_space<vmem_shared>>) dst(%dma_wait3A_107 : memref<640x64xf32, #tpu.memory_space<hbm>>)
      tpu.yield
    }) : () -> ()
    return
  }
}

module attributes {stable_mosaic.version = 14 : i64} {
  func.func @_tc_prep_body(%arg0: i32, %arg1: memref<2x1024x16xf32, #tpu.memory_space<vmem>>, %arg2: memref<1024x128xf32, #tpu.memory_space<vmem>>, %arg3: memref<2x1024x64xf32, #tpu.memory_space<vmem>>, %arg4: memref<1024x64xf32, #tpu.memory_space<vmem>>) attributes {dimension_semantics = [#tpu.dimension_semantics<arbitrary>], iteration_bounds = array<i64: 10>, scalar_prefetch = 0 : i64, scratch_operands = 0 : i64, tpu.core_type = #tpu.core_type<tc>, window_params = [{transform_indices = @transform_0, window_bounds = array<i64: 2, 1024, 16>}, {transform_indices = @transform_1, window_bounds = array<i64: 1024, 128>}, {transform_indices = @transform_2, window_bounds = array<i64: 2, 1024, 64>}, {transform_indices = @transform_3, window_bounds = array<i64: 1024, 64>}]} {
    %get3A = arith.constant 0 : index
    %get3A_0 = arith.constant 0 : index
    %get3A_1 = arith.constant 0 : index
    %get3A_2 = vector.load %arg1[%get3A, %get3A_0, %get3A_1] : memref<2x1024x16xf32, #tpu.memory_space<vmem>>, vector<1x1024x1xf32>
    %get3A_3 = vector.shape_cast %get3A_2 : vector<1x1024x1xf32> to vector<1024x1xf32>
    %get3A_4 = arith.constant 1 : index
    %get3A_5 = arith.constant 0 : index
    %get3A_6 = arith.constant 0 : index
    %get3A_7 = vector.load %arg1[%get3A_4, %get3A_5, %get3A_6] : memref<2x1024x16xf32, #tpu.memory_space<vmem>>, vector<1x1024x1xf32>
    %get3A_8 = vector.shape_cast %get3A_7 : vector<1x1024x1xf32> to vector<1024x1xf32>
    %add3A = arith.addf %get3A_3, %get3A_8 : vector<1024x1xf32>
    %add3A_9 = arith.constant 1.000000e+00 : f32
    %add3A_10 = vector.broadcast %add3A_9 : f32 to vector<1024x1xf32>
    %add3A_11 = arith.addf %add3A, %add3A_10 : vector<1024x1xf32>
    %rsqrt3A = math.rsqrt %add3A_11 : vector<1024x1xf32>
    %broadcast_in_dim3A = vector.shape_cast %rsqrt3A : vector<1024x1xf32> to vector<1024x1xf32>
    %broadcast_in_dim3A_12 = vector.broadcast %broadcast_in_dim3A : vector<1024x1xf32> to vector<1024x128xf32>
    %get3A_13 = arith.constant 0 : index
    %get3A_14 = arith.constant 0 : index
    %get3A_15 = vector.load %arg2[%get3A_13, %get3A_14] : memref<1024x128xf32, #tpu.memory_space<vmem>>, vector<1024x128xf32>
    %mul3A = arith.mulf %broadcast_in_dim3A_12, %get3A_15 : vector<1024x128xf32>
    %slice3A = vector.extract_strided_slice %mul3A {offsets = [0, 0], sizes = [1024, 64], strides = [1, 1]} : vector<1024x128xf32> to vector<1024x64xf32>
    %swap3A = arith.constant 0 : index
    %swap3A_16 = arith.constant 0 : index
    %swap3A_17 = arith.constant 0 : index
    %swap3A_18 = vector.load %arg3[%swap3A, %swap3A_16, %swap3A_17] : memref<2x1024x64xf32, #tpu.memory_space<vmem>>, vector<1x1024x64xf32>
    %swap3A_19 = vector.shape_cast %swap3A_18 : vector<1x1024x64xf32> to vector<1024x64xf32>
    %swap3A_20 = vector.shape_cast %slice3A : vector<1024x64xf32> to vector<1x1024x64xf32>
    tpu.vector_store %arg3[%swap3A, %swap3A_16, %swap3A_17], %swap3A_20 {strides = array<i32>} : memref<2x1024x64xf32, #tpu.memory_space<vmem>>, vector<1x1024x64xf32>,
    %slice3A_21 = vector.extract_strided_slice %mul3A {offsets = [0, 64], sizes = [1024, 64], strides = [1, 1]} : vector<1024x128xf32> to vector<1024x64xf32>
    %swap3A_22 = arith.constant 1 : index
    %swap3A_23 = arith.constant 0 : index
    %swap3A_24 = arith.constant 0 : index
    %swap3A_25 = vector.load %arg3[%swap3A_22, %swap3A_23, %swap3A_24] : memref<2x1024x64xf32, #tpu.memory_space<vmem>>, vector<1x1024x64xf32>
    %swap3A_26 = vector.shape_cast %swap3A_25 : vector<1x1024x64xf32> to vector<1024x64xf32>
    %swap3A_27 = vector.shape_cast %slice3A_21 : vector<1024x64xf32> to vector<1x1024x64xf32>
    tpu.vector_store %arg3[%swap3A_22, %swap3A_23, %swap3A_24], %swap3A_27 {strides = array<i32>} : memref<2x1024x64xf32, #tpu.memory_space<vmem>>, vector<1x1024x64xf32>,
    %broadcast_in_dim3A_28 = vector.shape_cast %rsqrt3A : vector<1024x1xf32> to vector<1024x1xf32>
    %broadcast_in_dim3A_29 = vector.broadcast %broadcast_in_dim3A_28 : vector<1024x1xf32> to vector<1024x64xf32>
    %swap3A_30 = arith.constant 0 : index
    %swap3A_31 = arith.constant 0 : index
    %swap3A_32 = vector.load %arg4[%swap3A_30, %swap3A_31] : memref<1024x64xf32, #tpu.memory_space<vmem>>, vector<1024x64xf32>
    tpu.vector_store %arg4[%swap3A_30, %swap3A_31], %broadcast_in_dim3A_29 {strides = array<i32>} : memref<1024x64xf32, #tpu.memory_space<vmem>>, vector<1024x64xf32>,
    return
  }
  func.func @transform_0(%arg0: i32) -> (i32, i32, i32) {
    %c0_i32 = arith.constant 0 : i32
    %c0_i32_0 = arith.constant 0 : i32
    %c0_i32_1 = arith.constant 0 : i32
    return %c0_i32, %arg0, %c0_i32_0 : i32, i32, i32
  }
  func.func @transform_1(%arg0: i32) -> (i32, i32) {
    %c0_i32 = arith.constant 0 : i32
    %c0_i32_0 = arith.constant 0 : i32
    return %arg0, %c0_i32 : i32, i32
  }
  func.func @transform_2(%arg0: i32) -> (i32, i32, i32) {
    %c0_i32 = arith.constant 0 : i32
    %c0_i32_0 = arith.constant 0 : i32
    %c0_i32_1 = arith.constant 0 : i32
    return %c0_i32, %arg0, %c0_i32_0 : i32, i32, i32
  }
  func.func @transform_3(%arg0: i32) -> (i32, i32) {
    %c0_i32 = arith.constant 0 : i32
    %c0_i32_0 = arith.constant 0 : i32
    return %arg0, %c0_i32 : i32, i32
  }
}

module attributes {stable_mosaic.version = 14 : i64} {
  func.func @_tc_final_body(%arg0: i32, %arg1: memref<2x2x1000x64xf32, #tpu.memory_space<vmem>>, %arg2: memref<2x1000x64xf32, #tpu.memory_space<vmem>>, %arg3: memref<1000x64xf32, #tpu.memory_space<vmem>>, %arg4: memref<128x128xf32, #tpu.memory_space<vmem>>, %arg5: memref<1x128xf32, #tpu.memory_space<vmem>>, %arg6: memref<1000x128xf32, #tpu.memory_space<vmem>>) attributes {dimension_semantics = [#tpu.dimension_semantics<arbitrary>], iteration_bounds = array<i64: 10>, scalar_prefetch = 0 : i64, scratch_operands = 0 : i64, tpu.core_type = #tpu.core_type<tc>, window_params = [{transform_indices = @transform_0, window_bounds = array<i64: 2, 2, 1000, 64>}, {transform_indices = @transform_1, window_bounds = array<i64: 2, 1000, 64>}, {transform_indices = @transform_2, window_bounds = array<i64: 1000, 64>}, {pipeline_mode = #tpu.pipeline_mode<synchronous>, transform_indices = @transform_3, window_bounds = array<i64: 128, 128>}, {pipeline_mode = #tpu.pipeline_mode<synchronous>, transform_indices = @transform_4, window_bounds = array<i64: 1, 128>}, {transform_indices = @transform_5, window_bounds = array<i64: 1000, 128>}]} {
    %get3A = arith.constant 0 : index
    %get3A_0 = arith.constant 0 : index
    %get3A_1 = vector.load %arg3[%get3A, %get3A_0] : memref<1000x64xf32, #tpu.memory_space<vmem>>, vector<1000x64xf32>
    %get3A_2 = arith.constant 0 : index
    %get3A_3 = arith.constant 0 : index
    %get3A_4 = arith.constant 0 : index
    %get3A_5 = arith.constant 0 : index
    %get3A_6 = vector.load %arg1[%get3A_2, %get3A_3, %get3A_4, %get3A_5] : memref<2x2x1000x64xf32, #tpu.memory_space<vmem>>, vector<1x1x1000x64xf32>
    %get3A_7 = vector.shape_cast %get3A_6 : vector<1x1x1000x64xf32> to vector<1000x64xf32>
    %get3A_8 = arith.constant 1 : index
    %get3A_9 = arith.constant 0 : index
    %get3A_10 = arith.constant 0 : index
    %get3A_11 = arith.constant 0 : index
    %get3A_12 = vector.load %arg1[%get3A_8, %get3A_9, %get3A_10, %get3A_11] : memref<2x2x1000x64xf32, #tpu.memory_space<vmem>>, vector<1x1x1000x64xf32>
    %get3A_13 = vector.shape_cast %get3A_12 : vector<1x1x1000x64xf32> to vector<1000x64xf32>
    %add3A = arith.addf %get3A_7, %get3A_13 : vector<1000x64xf32>
    %get3A_14 = arith.constant 0 : index
    %get3A_15 = arith.constant 0 : index
    %get3A_16 = arith.constant 0 : index
    %get3A_17 = vector.load %arg2[%get3A_14, %get3A_15, %get3A_16] : memref<2x1000x64xf32, #tpu.memory_space<vmem>>, vector<1x1000x64xf32>
    %get3A_18 = vector.shape_cast %get3A_17 : vector<1x1000x64xf32> to vector<1000x64xf32>
    %add3A_19 = arith.addf %add3A, %get3A_18 : vector<1000x64xf32>
    %mul3A = arith.mulf %get3A_1, %add3A_19 : vector<1000x64xf32>
    %get3A_20 = arith.constant 0 : index
    %get3A_21 = arith.constant 1 : index
    %get3A_22 = arith.constant 0 : index
    %get3A_23 = arith.constant 0 : index
    %get3A_24 = vector.load %arg1[%get3A_20, %get3A_21, %get3A_22, %get3A_23] : memref<2x2x1000x64xf32, #tpu.memory_space<vmem>>, vector<1x1x1000x64xf32>
    %get3A_25 = vector.shape_cast %get3A_24 : vector<1x1x1000x64xf32> to vector<1000x64xf32>
    %get3A_26 = arith.constant 1 : index
    %get3A_27 = arith.constant 1 : index
    %get3A_28 = arith.constant 0 : index
    %get3A_29 = arith.constant 0 : index
    %get3A_30 = vector.load %arg1[%get3A_26, %get3A_27, %get3A_28, %get3A_29] : memref<2x2x1000x64xf32, #tpu.memory_space<vmem>>, vector<1x1x1000x64xf32>
    %get3A_31 = vector.shape_cast %get3A_30 : vector<1x1x1000x64xf32> to vector<1000x64xf32>
    %add3A_32 = arith.addf %get3A_25, %get3A_31 : vector<1000x64xf32>
    %get3A_33 = arith.constant 1 : index
    %get3A_34 = arith.constant 0 : index
    %get3A_35 = arith.constant 0 : index
    %get3A_36 = vector.load %arg2[%get3A_33, %get3A_34, %get3A_35] : memref<2x1000x64xf32, #tpu.memory_space<vmem>>, vector<1x1000x64xf32>
    %get3A_37 = vector.shape_cast %get3A_36 : vector<1x1000x64xf32> to vector<1000x64xf32>
    %add3A_38 = arith.addf %add3A_32, %get3A_37 : vector<1000x64xf32>
    %mul3A_39 = arith.mulf %get3A_1, %add3A_38 : vector<1000x64xf32>
    %concatenate3A = tpu.concatenate %mul3A, %mul3A_39 in 1 : vector<1000x64xf32>, vector<1000x64xf32> -> vector<1000x128xf32>
    %get3A_40 = arith.constant 0 : index
    %get3A_41 = arith.constant 0 : index
    %get3A_42 = vector.load %arg4[%get3A_40, %get3A_41] : memref<128x128xf32, #tpu.memory_space<vmem>>, vector<128x128xf32>
    %dot_general3A = arith.constant dense<0.000000e+00> : vector<1000x128xf32>
    %dot_general3A_43 = tpu.matmul %concatenate3A, %get3A_42, %dot_general3A {dimension_numbers = #tpu.dot_dimension_numbers<[1], [0], [0], [1], [0, 0, 1, 1], [], []>, transpose_lhs_hint = false} : vector<1000x128xf32>, vector<128x128xf32>, vector<1000x128xf32> -> vector<1000x128xf32>
    %get3A_44 = arith.constant 0 : index
    %get3A_45 = arith.constant 0 : index
    %get3A_46 = vector.load %arg5[%get3A_44, %get3A_45] : memref<1x128xf32, #tpu.memory_space<vmem>>, vector<1x128xf32>
    %add3A_47 = vector.broadcast %get3A_46 : vector<1x128xf32> to vector<1000x128xf32>
    %add3A_48 = arith.addf %dot_general3A_43, %add3A_47 : vector<1000x128xf32>
    %reduce_max3A = arith.constant dense<0xFF800000> : vector<1000xf32>
    %reduce_max3A_49 = vector.multi_reduction <maximumf>, %add3A_48, %reduce_max3A [1] : vector<1000x128xf32> to vector<1000xf32>
    %broadcast_in_dim3A = vector.shape_cast %reduce_max3A_49 : vector<1000xf32> to vector<1000x1xf32>
    %sub3A = vector.broadcast %broadcast_in_dim3A : vector<1000x1xf32> to vector<1000x128xf32>
    %sub3A_50 = arith.subf %add3A_48, %sub3A : vector<1000x128xf32>
    %exp3A = math.exp %sub3A_50 : vector<1000x128xf32>
    %sub3A_51 = vector.broadcast %broadcast_in_dim3A : vector<1000x1xf32> to vector<1000x128xf32>
    %sub3A_52 = arith.subf %add3A_48, %sub3A_51 : vector<1000x128xf32>
    %reduce_sum3A = arith.constant dense<0.000000e+00> : vector<1000xf32>
    %reduce_sum3A_53 = vector.multi_reduction <add>, %exp3A, %reduce_sum3A [1] : vector<1000x128xf32> to vector<1000xf32>
    %broadcast_in_dim3A_54 = vector.shape_cast %reduce_sum3A_53 : vector<1000xf32> to vector<1000x1xf32>
    %log3A = math.log %broadcast_in_dim3A_54 : vector<1000x1xf32>
    %sub3A_55 = vector.broadcast %log3A : vector<1000x1xf32> to vector<1000x128xf32>
    %sub3A_56 = arith.subf %sub3A_52, %sub3A_55 : vector<1000x128xf32>
    %swap3A = arith.constant 0 : index
    %swap3A_57 = arith.constant 0 : index
    %swap3A_58 = vector.load %arg6[%swap3A, %swap3A_57] : memref<1000x128xf32, #tpu.memory_space<vmem>>, vector<1000x128xf32>
    tpu.vector_store %arg6[%swap3A, %swap3A_57], %sub3A_56 {strides = array<i32>} : memref<1000x128xf32, #tpu.memory_space<vmem>>, vector<1000x128xf32>,
    return
  }
  func.func @transform_0(%arg0: i32) -> (i32, i32, i32, i32) {
    %c0_i32 = arith.constant 0 : i32
    %c0_i32_0 = arith.constant 0 : i32
    %c0_i32_1 = arith.constant 0 : i32
    %c0_i32_2 = arith.constant 0 : i32
    return %c0_i32, %c0_i32_0, %arg0, %c0_i32_1 : i32, i32, i32, i32
  }
  func.func @transform_1(%arg0: i32) -> (i32, i32, i32) {
    %c0_i32 = arith.constant 0 : i32
    %c0_i32_0 = arith.constant 0 : i32
    %c0_i32_1 = arith.constant 0 : i32
    return %c0_i32, %arg0, %c0_i32_0 : i32, i32, i32
  }
  func.func @transform_2(%arg0: i32) -> (i32, i32) {
    %c0_i32 = arith.constant 0 : i32
    %c0_i32_0 = arith.constant 0 : i32
    return %arg0, %c0_i32 : i32, i32
  }
  func.func @transform_3(%arg0: i32) -> (i32, i32) {
    %c0_i32 = arith.constant 0 : i32
    %c0_i32_0 = arith.constant 0 : i32
    %c0_i32_1 = arith.constant 0 : i32
    return %c0_i32, %c0_i32_0 : i32, i32
  }
  func.func @transform_4(%arg0: i32) -> (i32, i32) {
    %c0_i32 = arith.constant 0 : i32
    %c0_i32_0 = arith.constant 0 : i32
    %c0_i32_1 = arith.constant 0 : i32
    return %c0_i32, %c0_i32_0 : i32, i32
  }
  func.func @transform_5(%arg0: i32) -> (i32, i32) {
    %c0_i32 = arith.constant 0 : i32
    %c0_i32_0 = arith.constant 0 : i32
    return %arg0, %c0_i32 : i32, i32
  }
}

module attributes {stable_mosaic.version = 14 : i64} {
  func.func @_tc_mid_body(%arg0: i32, %arg1: memref<2x2x1024x64xf32, #tpu.memory_space<vmem>>, %arg2: memref<2x1024x64xf32, #tpu.memory_space<vmem>>, %arg3: memref<1024x64xf32, #tpu.memory_space<vmem>>, %arg4: memref<2x1024x64xf32, #tpu.memory_space<vmem>>) attributes {dimension_semantics = [#tpu.dimension_semantics<arbitrary>], iteration_bounds = array<i64: 10>, scalar_prefetch = 0 : i64, scratch_operands = 0 : i64, tpu.core_type = #tpu.core_type<tc>, window_params = [{transform_indices = @transform_0, window_bounds = array<i64: 2, 2, 1024, 64>}, {transform_indices = @transform_1, window_bounds = array<i64: 2, 1024, 64>}, {transform_indices = @transform_2, window_bounds = array<i64: 1024, 64>}, {transform_indices = @transform_3, window_bounds = array<i64: 2, 1024, 64>}]} {
    %get3A = arith.constant 0 : index
    %get3A_0 = arith.constant 0 : index
    %get3A_1 = vector.load %arg3[%get3A, %get3A_0] : memref<1024x64xf32, #tpu.memory_space<vmem>>, vector<1024x64xf32>
    %get3A_2 = arith.constant 0 : index
    %get3A_3 = arith.constant 0 : index
    %get3A_4 = vector.load %arg3[%get3A_2, %get3A_3] : memref<1024x64xf32, #tpu.memory_space<vmem>>, vector<1024x64xf32>
    %mul3A = arith.mulf %get3A_1, %get3A_4 : vector<1024x64xf32>
    %iota3A = tpu.iota {dimensions = array<i32: 0>} : vector<1024x64xi32>
    %mul3A_5 = arith.constant 1024 : i32
    %mul3A_6 = arith.muli %arg0, %mul3A_5 : i32
    %add3A = vector.broadcast %mul3A_6 : i32 to vector<1024x64xi32>
    %add3A_7 = arith.addi %iota3A, %add3A : vector<1024x64xi32>
    %get3A_8 = arith.constant 0 : index
    %get3A_9 = arith.constant 0 : index
    %get3A_10 = arith.constant 0 : index
    %get3A_11 = arith.constant 0 : index
    %get3A_12 = vector.load %arg1[%get3A_8, %get3A_9, %get3A_10, %get3A_11] : memref<2x2x1024x64xf32, #tpu.memory_space<vmem>>, vector<1x1x1024x64xf32>
    %get3A_13 = vector.shape_cast %get3A_12 : vector<1x1x1024x64xf32> to vector<1024x64xf32>
    %get3A_14 = arith.constant 1 : index
    %get3A_15 = arith.constant 0 : index
    %get3A_16 = arith.constant 0 : index
    %get3A_17 = arith.constant 0 : index
    %get3A_18 = vector.load %arg1[%get3A_14, %get3A_15, %get3A_16, %get3A_17] : memref<2x2x1024x64xf32, #tpu.memory_space<vmem>>, vector<1x1x1024x64xf32>
    %get3A_19 = vector.shape_cast %get3A_18 : vector<1x1x1024x64xf32> to vector<1024x64xf32>
    %add3A_20 = arith.addf %get3A_13, %get3A_19 : vector<1024x64xf32>
    %get3A_21 = arith.constant 0 : index
    %get3A_22 = arith.constant 0 : index
    %get3A_23 = arith.constant 0 : index
    %get3A_24 = vector.load %arg2[%get3A_21, %get3A_22, %get3A_23] : memref<2x1024x64xf32, #tpu.memory_space<vmem>>, vector<1x1024x64xf32>
    %get3A_25 = vector.shape_cast %get3A_24 : vector<1x1024x64xf32> to vector<1024x64xf32>
    %add3A_26 = arith.addf %add3A_20, %get3A_25 : vector<1024x64xf32>
    %lt3A = arith.constant 10000 : i32
    %lt3A_27 = vector.broadcast %lt3A : i32 to vector<1024x64xi32>
    %lt3A_28 = arith.cmpi slt, %add3A_7, %lt3A_27 : vector<1024x64xi32>
    %mul3A_29 = arith.mulf %mul3A, %add3A_26 : vector<1024x64xf32>
    %jit3A = arith.constant 0.000000e+00 : f32
    %broadcast_in_dim3A = vector.broadcast %jit3A : f32 to vector<1024x64xf32>
    %select_n3A = arith.select %lt3A_28, %mul3A_29, %broadcast_in_dim3A : vector<1024x64xi1>, vector<1024x64xf32>
    %swap3A = arith.constant 0 : index
    %swap3A_30 = arith.constant 0 : index
    %swap3A_31 = arith.constant 0 : index
    %swap3A_32 = vector.load %arg4[%swap3A, %swap3A_30, %swap3A_31] : memref<2x1024x64xf32, #tpu.memory_space<vmem>>, vector<1x1024x64xf32>
    %swap3A_33 = vector.shape_cast %swap3A_32 : vector<1x1024x64xf32> to vector<1024x64xf32>
    %swap3A_34 = vector.shape_cast %select_n3A : vector<1024x64xf32> to vector<1x1024x64xf32>
    tpu.vector_store %arg4[%swap3A, %swap3A_30, %swap3A_31], %swap3A_34 {strides = array<i32>} : memref<2x1024x64xf32, #tpu.memory_space<vmem>>, vector<1x1024x64xf32>,
    %get3A_35 = arith.constant 0 : index
    %get3A_36 = arith.constant 1 : index
    %get3A_37 = arith.constant 0 : index
    %get3A_38 = arith.constant 0 : index
    %get3A_39 = vector.load %arg1[%get3A_35, %get3A_36, %get3A_37, %get3A_38] : memref<2x2x1024x64xf32, #tpu.memory_space<vmem>>, vector<1x1x1024x64xf32>
    %get3A_40 = vector.shape_cast %get3A_39 : vector<1x1x1024x64xf32> to vector<1024x64xf32>
    %get3A_41 = arith.constant 1 : index
    %get3A_42 = arith.constant 1 : index
    %get3A_43 = arith.constant 0 : index
    %get3A_44 = arith.constant 0 : index
    %get3A_45 = vector.load %arg1[%get3A_41, %get3A_42, %get3A_43, %get3A_44] : memref<2x2x1024x64xf32, #tpu.memory_space<vmem>>, vector<1x1x1024x64xf32>
    %get3A_46 = vector.shape_cast %get3A_45 : vector<1x1x1024x64xf32> to vector<1024x64xf32>
    %add3A_47 = arith.addf %get3A_40, %get3A_46 : vector<1024x64xf32>
    %get3A_48 = arith.constant 1 : index
    %get3A_49 = arith.constant 0 : index
    %get3A_50 = arith.constant 0 : index
    %get3A_51 = vector.load %arg2[%get3A_48, %get3A_49, %get3A_50] : memref<2x1024x64xf32, #tpu.memory_space<vmem>>, vector<1x1024x64xf32>
    %get3A_52 = vector.shape_cast %get3A_51 : vector<1x1024x64xf32> to vector<1024x64xf32>
    %add3A_53 = arith.addf %add3A_47, %get3A_52 : vector<1024x64xf32>
    %lt3A_54 = arith.constant 10000 : i32
    %lt3A_55 = vector.broadcast %lt3A_54 : i32 to vector<1024x64xi32>
    %lt3A_56 = arith.cmpi slt, %add3A_7, %lt3A_55 : vector<1024x64xi32>
    %mul3A_57 = arith.mulf %mul3A, %add3A_53 : vector<1024x64xf32>
    %jit3A_58 = arith.constant 0.000000e+00 : f32
    %broadcast_in_dim3A_59 = vector.broadcast %jit3A_58 : f32 to vector<1024x64xf32>
    %select_n3A_60 = arith.select %lt3A_56, %mul3A_57, %broadcast_in_dim3A_59 : vector<1024x64xi1>, vector<1024x64xf32>
    %swap3A_61 = arith.constant 1 : index
    %swap3A_62 = arith.constant 0 : index
    %swap3A_63 = arith.constant 0 : index
    %swap3A_64 = vector.load %arg4[%swap3A_61, %swap3A_62, %swap3A_63] : memref<2x1024x64xf32, #tpu.memory_space<vmem>>, vector<1x1024x64xf32>
    %swap3A_65 = vector.shape_cast %swap3A_64 : vector<1x1024x64xf32> to vector<1024x64xf32>
    %swap3A_66 = vector.shape_cast %select_n3A_60 : vector<1024x64xf32> to vector<1x1024x64xf32>
    tpu.vector_store %arg4[%swap3A_61, %swap3A_62, %swap3A_63], %swap3A_66 {strides = array<i32>} : memref<2x1024x64xf32, #tpu.memory_space<vmem>>, vector<1x1024x64xf32>,
    return
  }
  func.func @transform_0(%arg0: i32) -> (i32, i32, i32, i32) {
    %c0_i32 = arith.constant 0 : i32
    %c0_i32_0 = arith.constant 0 : i32
    %c0_i32_1 = arith.constant 0 : i32
    %c0_i32_2 = arith.constant 0 : i32
    return %c0_i32, %c0_i32_0, %arg0, %c0_i32_1 : i32, i32, i32, i32
  }
  func.func @transform_1(%arg0: i32) -> (i32, i32, i32) {
    %c0_i32 = arith.constant 0 : i32
    %c0_i32_0 = arith.constant 0 : i32
    %c0_i32_1 = arith.constant 0 : i32
    return %c0_i32, %arg0, %c0_i32_0 : i32, i32, i32
  }
  func.func @transform_2(%arg0: i32) -> (i32, i32) {
    %c0_i32 = arith.constant 0 : i32
    %c0_i32_0 = arith.constant 0 : i32
    return %arg0, %c0_i32 : i32, i32
  }
  func.func @transform_3(%arg0: i32) -> (i32, i32, i32) {
    %c0_i32 = arith.constant 0 : i32
    %c0_i32_0 = arith.constant 0 : i32
    %c0_i32_1 = arith.constant 0 : i32
    return %c0_i32, %arg0, %c0_i32_0 : i32, i32, i32
  }
}

</mosaic_0001>

<sc_bundles>
// kernel: kernel.11.cloned.1.call-start
scs
__scs_entry_jumppad:
0x0: {  	(pc) =	sbr.rel $0x88, $3  }
0x1: {  	(tag) =	ssettag $0x0;
	lr =	simm.s32 $0x1  }
0x2: {  	[smem:$0x3F9D] =	sst lr;
	_ =	strace $0xD0000000  }
0x3: {  	_ = 	snop  }
0x4: {  	_ = 	snop  }
0x5: {  	_ = 	snop  }
0x6: {  	_ = 	snop  }
0x7: {  	_ = 	snop  }
__scs_overlays_trampoline_lowered:
0x8: {  	[smem:$0x3FAC] =	sst s0  }
0x9: {  	[smem:$0x3FAD] =	sst s1  }
0xa: {  	[smem:$0x3FAE] =	sst s2  }
0xb: {  	[smem:$0x3FAF] =	sst s3  }
0xc: {  	[smem:$0x3FB0] =	sst s4  }
0xd: {  	[smem:$0x3FB1] =	sst s5  }
0xe: {  	[smem:$0x3FB2] =	sst s6  }
0xf: {  	[smem:$0x3FB3] =	sst s7  }
0x10: {  	[smem:$0x3FB4] =	sst s8  }
0x11: {  	[smem:$0x3FB5] =	sst s9;
	s0 =	simm.s32 @!p0 $0x0  }
0x12: {  	s1 =	sld [smem:$0x3F9B];
	s0 =	simm.s32 @p0 $0x1  }
0x13: {  	[smem:$0x3FB6] =	sst s0;
	s0 =	simm.s32 @!p1 $0x0  }
0x14: {  	s2 =	sld [smem:$0x3F9A];
	s0 =	simm.s32 @p1 $0x1  }
0x15: {  	[smem:$0x3FB7] =	sst s0;
	s0 =	simm.s32 @!p2 $0x0  }
0x16: {  	s3 =	sld [smem:$0x3FDB];
	s0 =	simm.s32 @p2 $0x1  }
0x17: {  	s4 =	simm.s32 $0x1BF5;
	[smem:$0x3FB9] =	sst s0  }
0x18: {  	s0 =	sld [smem:$0x3F9C];
	_ =	swait.ge [sflag:s4], $0x0  }
0x19: {  	s7 =	sld [smem:$0x3F9D]  }
0x1a: {  	s8 =	sadd.s32 $0xFFFFE003, lr  }
0x1b: {  	s9 =	sadd.s32 $0xFFFFFEF7, lr;
	s5 =	simm.s32 $0xFFFFFFFF;
	p2 =	slt.u32 s8, $0xFFFFF086  }
0x1c: {  	p1 =	slt.u32 s9, $0xF7A;
	s5 =	simm.s32 @!p2 $0x0  }
0x1d: {  	s5 =	simm.s32 @p1 $0x1;
	p0 =	seq.s32 s7, s2  }
0x1e: {  	s7 =	smul.u32 @!p0 $0xF7A, s2;
	p2 =	seq.s32 @!p0 s5, $0x0  }
0x1f: {  	s9 =	smul.u32 $0xF7A, s1;
	s8 =	simm.s32 @!p0 $0x1BF5;
	p2 =	por !p2, p0  }
0x20: {  	[sflag:s8] =	ssyncset.s32 @!p0 $0xFFFFF086;
	s6 =	sadd.s32 @!p0 s3, s7;
	s7 =	simm.s32 @!p0 $0x108  }
0x21: {  	s3 =	sadd.s32 s3, s9;
	s6 =	sadd.s32 @!p0 $0x88, s6;
	s7 =	simm.s32 @p2 $0x1082  }
0x22: {  	[simem:s7], [sflag:s8] =	dma.local @!p0 [hbm:s6], $0xF7A  }
0x23: {  	s9 =	sor.u32 $0xD0000000, s2;
	s6 =	simm.s32 $0x108;
	_ =	swait.ge @!p0 [sflag:s8], $0x0  }
0x24: {  	s3 =	sadd.s32 $0x88, s3;
	s6 =	simm.s32 @!p1 $0x1082;
	[sflag:s4] =	ssyncset.s32 $0xFFFFF086  }
0x25: {  	[simem:s6], [sflag:s4] =	dma.local [hbm:s3], $0xF7A  }
0x26: {  	[smem:$0x3F9D] =	sst s1;
	(tag) =	ssettag s2;
	_ =	strace s9  }
0x27: {  	s1 =	sld [smem:$0x3FAD]  }
0x28: {  	s2 =	sld [smem:$0x3FAE]  }
0x29: {  	s4 =	sld [smem:$0x3FB0]  }
0x2a: {  	p0 =	seq.s32 s5, $0x0;
	s5 =	sld [smem:$0x3FB1]  }
0x2b: {  	s6 =	sld [smem:$0x3FB2]  }
0x2c: {  	s7 =	sld [smem:$0x3FB3]  }
0x2d: {  	s3 =	simm.s32 $0x108;
	s8 =	sld [smem:$0x3FB4]  }
0x2e: {  	s3 =	simm.s32 @!p0 $0x1082;
	s9 =	sld [smem:$0x3FB5]  }
0x2f: {  	lr =	sadd.s32 s0, s3;
	s0 =	sld [smem:$0x3FAC]  }
0x30: {  	s3 =	sld [smem:$0x3FAF]  }
0x31: {  	[smem:$0x3FB8] =	sst s10  }
0x32: {  	s10 =	sld [smem:$0x3FB6];
	_ =	sdelay $0x3  }
0x33: {  	p0 =	seq.s32 s10, $0x1;
	s10 =	sld [smem:$0x3FB8];
	_ =	sdelay $0x3  }
0x34: {  	[smem:$0x3FB8] =	sst s10  }
0x35: {  	s10 =	sld [smem:$0x3FB7];
	_ =	sdelay $0x3  }
0x36: {  	p1 =	seq.s32 s10, $0x1;
	s10 =	sld [smem:$0x3FB8];
	_ =	sdelay $0x3  }
0x37: {  	[smem:$0x3FB8] =	sst s10  }
0x38: {  	s10 =	sld [smem:$0x3FB9]  }
0x39: {  	_ = 	snop;
	(pc) =	sbr.ind lr, $3  }
0x3a: {  	_ = 	snop  }
0x3b: {  	_ = 	snop  }
0x3c: {  	p2 =	seq.s32 s10, $0x1;
	s10 =	sld [smem:$0x3FB8]  }
0x3d: {  	_ =	shalt  }
0x3e: {  	_ =	shalt  }
0x3f: {  	_ =	shalt  }
0x40: {  	_ =	shalt  }
0x41: {  	_ =	shalt  }
0x42: {  	_ =	shalt  }
0x43: {  	_ =	shalt  }
0x44: {  	_ =	shalt  }
0x45: {  	_ =	shalt  }
0x46: {  	_ =	shalt  }
0x47: {  	_ =	shalt  }
0x48: {  	_ =	shalt  }
0x49: {  	_ =	shalt  }
0x4a: {  	_ =	shalt  }
0x4b: {  	_ =	shalt  }
0x4c: {  	_ =	shalt  }
0x4d: {  	_ =	shalt  }
0x4e: {  	_ =	shalt  }
0x4f: {  	_ =	shalt  }
0x50: {  	_ =	shalt  }
0x51: {  	_ =	shalt  }
0x52: {  	_ =	shalt  }
0x53: {  	_ =	shalt  }
0x54: {  	_ =	shalt  }
0x55: {  	_ =	shalt  }
0x56: {  	_ =	shalt  }
0x57: {  	_ =	shalt  }
0x58: {  	_ =	shalt  }
0x59: {  	_ =	shalt  }
0x5a: {  	_ =	shalt  }
0x5b: {  	_ =	shalt  }
0x5c: {  	_ =	shalt  }
0x5d: {  	_ =	shalt  }
0x5e: {  	_ =	shalt  }
0x5f: {  	_ =	shalt  }
0x60: {  	_ =	shalt  }
0x61: {  	_ =	shalt  }
0x62: {  	_ =	shalt  }
0x63: {  	_ =	shalt  }
0x64: {  	_ =	shalt  }
0x65: {  	_ =	shalt  }
0x66: {  	_ =	shalt  }
0x67: {  	_ =	shalt  }
0x68: {  	_ =	shalt  }
0x69: {  	_ =	shalt  }
0x6a: {  	_ =	shalt  }
0x6b: {  	_ =	shalt  }
0x6c: {  	_ =	shalt  }
0x6d: {  	_ =	shalt  }
0x6e: {  	_ =	shalt  }
0x6f: {  	_ =	shalt  }
0x70: {  	_ =	shalt  }
0x71: {  	_ =	shalt  }
0x72: {  	_ =	shalt  }
0x73: {  	_ =	shalt  }
0x74: {  	_ =	shalt  }
0x75: {  	_ =	shalt  }
0x76: {  	_ =	shalt  }
0x77: {  	_ =	shalt  }
0x78: {  	_ =	shalt  }
0x79: {  	_ =	shalt  }
0x7a: {  	_ =	shalt  }
0x7b: {  	_ =	shalt  }
0x7c: {  	_ =	shalt  }
0x7d: {  	_ =	shalt  }
0x7e: {  	_ =	shalt  }
0x7f: {  	_ =	shalt  }
0x80: {  	_ =	shalt  }
0x81: {  	_ =	shalt  }
0x82: {  	_ =	shalt  }
0x83: {  	_ =	shalt  }
0x84: {  	_ =	shalt  }
0x85: {  	_ =	shalt  }
0x86: {  	_ =	shalt  }
0x87: {  	_ =	shalt  }
.Lfunc_end0:
.L_simem_size_0:
called_computation.1_lowered:
.L_overlay_start_0:
0x88: {  	s2 =	sld [smem:$0x3FD9]  }
0x89: {  	s3 =	sld [smem:$0x3FFE];
	_ =	sdelay $0x1  }
0x8a: {  	s1 =	srdreg.scid  }
0x8b: {  	s0 =	sand.u32 $0x1, s1  }
0x8c: {  	s17 =	sshll.u32 s0, $0xA;
	s2 =	sadd.s32 s3, s2  }
0x8d: {  	s2 =	sadd.s32 s2, s17  }
0x8e: {  	[smem:$0x3FC4] =	sst s2  }
0x8f: {  	_ = 	snop  }
0x90: {  	s2 =	sld [smem:$0x3FD0];
	(tm) =	ssettm $0x1  }
0x91: {  	s18 =	sld [smem:$0x3FFB];
	_ =	sdelay $0x3  }
0x92: {  	_ =	strace s18  }
0x93: {  	s3 =	sld [smem:$0x3FFC];
	_ =	sdelay $0x3  }
0x94: {  	_ =	strace s3  }
0x95: {  	s3 =	sld [smem:$0x3FFD];
	_ =	sdelay $0x3  }
0x96: {  	_ =	strace s3  }
0x97: {  	_ =	strace $0x8FFFFFFF  }
0x98: {  	s19 =	sld [smem:$0x3FDB];
	_ =	sdelay $0x1  }
0x99: {  	s4 =	simm.s32 $_scs_section_size  }
0x9a: {  	s5 =	simm.s32 $_size__tile_overlayer_lowered;
	s6 =	simm.s32 $_tile_overlayer_lowered  }
0x9b: {  	s22 =	simm.s32 $0x1BFF;
	s21 =	sshll.u32 s6, $0x1;
	s3 =	sadd.s32 s4, s19  }
0x9c: {  	s7 =	simm.s32 $0x0;
	s20 =	sshll.u32 s5, $0x1;
	s5 =	sadd.s32 s21, s3  }
0x9d: {  	[timem:s7], [sflag:s22] =	dma.local [hbm:s5], s20  }
0x9e: {  	_ =	swait.ge [sflag:s22], s20  }
0x9f: {  	s4 =	ssub.s32 $0x0, s20;
	[sflag:s22] =	ssyncset.done $0x0  }
0xa0: {  	[sflag:s22] =	ssyncadd.s32 s4;
	_ =	sdelay $0x1  }
0xa1: {  	s23 =	simm.s32 $0x1B8B  }
0xa2: {  	_ =	swait.ge [sflag:s23], $0x1  }
0xa3: {  	[sflag:s23] =	ssyncset.done $0x0  }
0xa4: {  	s25 =	simm.s32 $0x1B8E;
	s24 =	sld [smem:$0x3FFE];
	[sflag:s23] =	ssyncadd.s32 $0xFFFFFFFF  }
0xa5: {  	s26 =	simm.s32 $execute0_lowered;
	[smem:$0x3FD2] =	sst s25  }
0xa6: {  	s5 =	sshll.u32 s26, $0x1;
	_ =	strace $0x80000049;
	[dreg:$0x1] =	wrdreg $0xFFFFFFFF  }
0xa7: {  	s28 =	simm.s32 $_size_execute0_lowered;
	s3 =	sadd.s32 s3, s5;
	[dreg:$0x0] =	wrdreg $0x0  }
0xa8: {  	s5 =	sshll.u32 s28, $0x1;
	[dreg:$0x2] =	wrdreg s3  }
0xa9: {  	[dreg:$0x3] =	wrdreg s5  }
0xaa: {  	[dreg:$0x4] =	wrdreg $0xC0  }
0xab: {  	_ =	task [dreg:s7], $0x5FFFF  }
0xac: {  	[dreg:$0x1] =	wrdreg $0xFFFFFFFF  }
0xad: {  	[dreg:$0x0] =	wrdreg $0x60  }
0xae: {  	[dreg:$0x2] =	wrdreg s24  }
0xaf: {  	[dreg:$0x3] =	wrdreg s2  }
0xb0: {  	[dreg:$0x4] =	wrdreg $0x0  }
0xb1: {  	[dreg:$0x5] =	wrdreg $0xA0000  }
0xb2: {  	[dreg:$0x6] =	wrdreg $0x9  }
0xb3: {  	_ =	task.clear_ibuf [dreg:s7], $0x7FFFF;
	_ =	strace $0x90000049  }
0xb4: {  	s29 =	simm.s32 $0x9;
	_ =	strace $0x8000004B  }
0xb5: {  	_ =	swait.ge [sflag:s29], $0x1  }
0xb6: {  	[sflag:s29] =	ssyncadd.s32 $0xFFFFFFFF  }
0xb7: {  	_ =	strace $0x9000004B  }
0xb8: {  	_ =	sfence  }
0xb9: {  	s30 =	sld [smem:$0x0];
	_ =	sdelay $0x2  }
0xba: {  	s31 =	sshll.u32 s1, $0xD;
	s1 =	sshrl.u32 s1, $0x2  }
0xbb: {  	s3 =	sand.u32 $0x4000, s31;
	s1 =	sadd.s32 s1, s30  }
0xbc: {  	s0 =	sor.u32 s3, s0;
	s1 =	sshll.u32 s1, $0x11  }
0xbd: {  	s0 =	sor.u32 s1, s0  }
0xbe: {  	s0 =	sadd.s32 $0x8F2B, s0  }
0xbf: {  	[sflag:s0] =	ssyncadd.remote.s32 $0x1  }
0xc0: {  	_ =	sfence.sel $0xFFFF  }
0xc1: {  	[dreg:$0x0] =	wrdreg $0xFFFFFFFF;
	(pc) =	sbr.abs _section_cstart, $3  }
0xc2: {  	[dreg:$0x1] =	wrdreg $0xFFFFFFFF  }
0xc3: {  	_ =	task.clear_ibuf [dreg:s7], $0x2FFFF;
	_ =	strace $0x9FFFFFFF  }
0xc4: {  	(tm) =	ssettm $0x7FFFFFFF  }
0xc5: {  	_ =	shalt  }
tec
execute0_lowered:
.L_overlay_start_1:
0x0: {  	(tag) =	ssettag $0x1  }
0x1: {  	s0 =	rddreg [dreg:$0x0]  }
0x2: {  	s1 =	rddreg [dreg:$0x1]  }
0x3: {  	s2 =	rddreg [dreg:$0x2]  }
0x4: {  	s3 =	rddreg [dreg:$0x3];
	s11 =	stileid.u32  }
0x5: {  	s6 =	srdreg.scid;
	s4 =	simm.s32 $0x0;
	s28 =	simm.s32 $0x1  }
0x6: {  	s29 =	simm.s32 $0x1A800;
	s30 =	simm.s32 $0x2;
	s5 =	smul.u32 $0x14000, s11  }
0x7: {  	s31 =	simm.s32 $0x15380;
	s6 =	sand.u32 $0x1, s6;
	s10 =	smul.u32 $0x50, s11  }
0x8: {  	[smem:$0x7FF] =	sst s4;
	s12 =	sadd.s32 $0x1A00, s0;
	s19 =	smul.u32 $0x50000, s11  }
0x9: {  	s22 =	sshll.u32 s11, $0x6;
	s8 =	smul.u32 $0x280000, s6;
	_ =	strace $0x8000004A  }
0xa: {  	s18 =	ssub.s32 $0x2, s6;
	s6 =	smul.u32 $0x500, s6;
	s7 =	sshrl.u32 s5, $0x3  }
0xb: {  	s9 =	sshrl.u32 s18, $0x1;
	s20 =	sadd.s32 s5, s2;
	s23 =	sshrl.u32 s19, $0x2  }
0xc: {  	s25 =	sadd.s32 s5, s3;
	s13 =	sadd.s32 s7, s0;
	s17 =	sadd.s32 s5, s8  }
0xd: {  	s14 =	ssub.s32 s18, s9;
	[dreg:$0x5] =	wrdreg s20;
	s6 =	sadd.s32 s10, s6  }
0xe: {  	s8 =	sadd.s32 s23, s3;
	[dreg:$0x8] =	wrdreg s25;
	s23 =	simm.s32 $0x16800  }
0xf: {  	s25 =	simm.s32 $0x15400;
	s7 =	sshrl.u32 s17, $0x3;
	s21 =	sadd.s32 $0xBA00, s13  }
0x10: {  	s6 =	sshll.u32 s6, $0x4;
	s26 =	sadd.s32 $0x33A00, s13;
	s17 =	smax.u32 s14, $0x1  }
0x11: {  	s18 =	sadd.s32 $0x4000, s8;
	s19 =	sadd.s32 $0x8000, s8;
	s20 =	sadd.s32 $0xC000, s8  }
0x12: {  	s0 =	sadd.s32 s7, s0;
	[dreg:$0x6] =	wrdreg s21;
	s7 =	sor.u32 $0x1C03, s22  }
0x13: {  	s15 =	sadd.s32 $0x280, s6;
	s9 =	sadd.s32 s1, s6;
	s10 =	sadd.s32 s12, s6  }
0x14: {  	[dreg:$0x9] =	wrdreg s26;
	s21 =	sadd.s32 $0x10000, s8;
	s22 =	simm.s32 $0x3  }
0x15: {  	s26 =	simm.s32 $0x80;
	s11 =	sadd.s32 s1, s15;
	s12 =	sadd.s32 s12, s15  }
0x16: {  	s24 =	sadd.s32 $0x5BA00, s0;
	s16 =	sadd.s32 $0x83A00, s0;
	s1 =	simm.s32 $0x16700  }
0x17: {  	v0 =	vimm.f32 $0.0e+00;
	s0 =	simm.s32 $0x16780;
	[dreg:$0x7] =	wrdreg s24;
	s24 =	simm.s32 $0x14000  }
.LBB2_1:
0x18: {  	s6 =	simm.s32 $0x200;
	s5 =	simm.s32 $0x0  }
.LBB2_2:
0x19: {  	p0 =	sne.s32 s6, $0xFE00;
	[tilespmem:s5+$0x16830] =	vst v0;
	s13 =	smov.u32 s6;
	s6 =	sadd.s32 $0x200, s6  }
.Ltmp0:
0x1a: {  	[tilespmem:s5+$0x16820] =	vst v0;
	(pc) =	sbr.rel @p0 .LBB2_2-.Ltmp0, $3  }
0x1b: {  	[tilespmem:s5+$0x16800] =	vst v0  }
0x1c: {  	[tilespmem:s5+$0x16810] =	vst v0;
	_ =	sdelay $0x1  }
0x1d: {  	s5 =	sshra.s32 s13, $0x2  }
0x1e: {  	[tilespmem:s5+$0x16830] =	vst v0  }
0x1f: {  	[tilespmem:s5+$0x16820] =	vst v0  }
0x20: {  	[tilespmem:s5+$0x16800] =	vst v0;
	s13 =	rddreg [dreg:$0x5]  }
0x21: {  	[tilespmem:s5+$0x16810] =	vst v0;
	s6 =	rddreg [dreg:$0x6];
	s5 =	sshrl.u32 s13, $0x3  }
0x22: {  	[spmem:s5], [sflag:s7] =	dma.local [hbm:s6], $0x2800  }
0x23: {  	_ =	swait.ge [sflag:s22], $0x2800  }
0x24: {  	[sflag:s22] =	ssyncset.done $0x0  }
0x25: {  	[sflag:s22] =	ssyncadd.s32 $0xFFFFD800  }
0x26: {  	[spmem:s8] =	stream.linear.scatter [tilespmem:s23], [sflag:$0x3], $0x4000, $0x38;
	[tilespmem:$0x1E800] =	vst v63  }
0x27: {  	_ =	swait.ge [sflag:s22], $0x4000  }
0x28: {  	[sflag:s22] =	ssyncset.done $0x0  }
0x29: {  	[sflag:s22] =	ssyncadd.s32 $0xFFFFC000  }
0x2a: {  	[spmem:s18] =	stream.linear.scatter [tilespmem:s23], [sflag:$0x3], $0x4000, $0x38;
	[tilespmem:$0x1E800] =	vst v63  }
0x2b: {  	_ =	swait.ge [sflag:s22], $0x4000  }
0x2c: {  	[sflag:s22] =	ssyncset.done $0x0  }
0x2d: {  	[sflag:s22] =	ssyncadd.s32 $0xFFFFC000  }
0x2e: {  	[spmem:s19] =	stream.linear.scatter [tilespmem:s23], [sflag:$0x3], $0x4000, $0x38;
	[tilespmem:$0x1E800] =	vst v63  }
0x2f: {  	_ =	swait.ge [sflag:s22], $0x4000  }
0x30: {  	[sflag:s22] =	ssyncset.done $0x0  }
0x31: {  	[sflag:s22] =	ssyncadd.s32 $0xFFFFC000  }
0x32: {  	[spmem:s20] =	stream.linear.scatter [tilespmem:s23], [sflag:$0x3], $0x4000, $0x38;
	[tilespmem:$0x1E800] =	vst v63  }
0x33: {  	_ =	swait.ge [sflag:s22], $0x4000  }
0x34: {  	[sflag:s22] =	ssyncset.done $0x0  }
0x35: {  	[sflag:s22] =	ssyncadd.s32 $0xFFFFC000  }
0x36: {  	[spmem:s21] =	stream.linear.scatter [tilespmem:s23], [sflag:$0x3], $0x4000, $0x38;
	[tilespmem:$0x1E800] =	vst v63  }
0x37: {  	_ =	swait.ge [sflag:s22], $0x4000  }
0x38: {  	[sflag:s22] =	ssyncset.done $0x0  }
0x39: {  	[sflag:s22] =	ssyncadd.s32 $0xFFFFC000  }
0x3a: {  	s14 =	simm.s32 $0x0;
	[bflag:$0x0] =	sbarrier.arrive $0xFFFF  }
0x3b: {  	[tilespmem:s24], [sflag:$0x3] =	stream.linear.gather [hbm4b:s9+s14], $0x1400, $0x38;
	[tilespmem:$0x1E800] =	vst v63  }
0x3c: {  	_ =	swait.ge [sflag:s22], $0x1400  }
0x3d: {  	[sflag:s22] =	ssyncset.done $0x0  }
0x3e: {  	[sflag:s22] =	ssyncadd.s32 $0xFFFFEC00  }
0x3f: {  	[tilespmem:s25], [sflag:$0x3] =	stream.linear.gather [hbm4b:s10+s14], $0x1400, $0x38;
	[tilespmem:$0x1E800] =	vst v63  }
0x40: {  	_ =	swait.ge [sflag:s22], $0x1400  }
0x41: {  	[sflag:s22] =	ssyncset.done $0x0  }
0x42: {  	[sflag:s22] =	ssyncadd.s32 $0xFFFFEC00  }
0x43: {  	[tilespmem:s23], [sflag:$0x1] =	stream.indirect.gather [spmem:s2], $0x40, s24, s26, $0xb8;
	[tilespmem:$0x1E800] =	vst v63  }
0x44: {  	_ =	swait.ge [sflag:s28], $0x2000  }
0x45: {  	[sflag:s28] =	ssyncset.done $0x0  }
0x46: {  	s15 =	simm.s32 $0x14080;
	[sflag:s28] =	ssyncadd.s32 $0xFFFFE000  }
0x47: {  	[tilespmem:s29], [sflag:$0x2] =	stream.indirect.gather [spmem:s2], $0x40, s15, s26, $0xb8;
	[tilespmem:$0x1E800] =	vst v63  }
0x48: {  	s13 =	simm.s32 $0x15400  }
0x49: {  	[spmem:s3] =	stream.indirect.scatter.add.f32 [tilespmem:s23], [sflag:$0x3], $0x40, s13, s26, $0xb8;
	[tilespmem:$0x1E800] =	vst v63  }
0x4a: {  	_ =	swait.ge [sflag:s22], $0x2000  }
0x4b: {  	[sflag:s22] =	ssyncset.done $0x0  }
0x4c: {  	[sflag:s22] =	ssyncadd.s32 $0xFFFFE000  }
0x4d: {  	_ =	swait.ge [sflag:s30], $0x2000  }
0x4e: {  	[sflag:s30] =	ssyncset.done $0x0  }
0x4f: {  	s14 =	simm.s32 $0x14100;
	[sflag:s30] =	ssyncadd.s32 $0xFFFFE000  }
0x50: {  	[tilespmem:s23], [sflag:$0x1] =	stream.indirect.gather [spmem:s2], $0x40, s14, s26, $0xb8;
	[tilespmem:$0x1E800] =	vst v63  }
0x51: {  	s15 =	simm.s32 $0x15480  }
0x52: {  	[spmem:s3] =	stream.indirect.scatter.add.f32 [tilespmem:s29], [sflag:$0x3], $0x40, s15, s26, $0xb8;
	[tilespmem:$0x1E800] =	vst v63  }
0x53: {  	_ =	swait.ge [sflag:s22], $0x2000  }
0x54: {  	s6 =	simm.s32 $0x400;
	[sflag:s22] =	ssyncset.done $0x0  }
.LBB2_4:
0x55: {  	p0 =	sne.s32 s6, $0x4800  }
0x56: {  	[sflag:s22] =	ssyncadd.s32 $0xFFFFE000;
	s13 =	smov.u32 s6;
	s6 =	sadd.s32 $0x400, s6  }
0x57: {  	_ = 	snop  }
0x58: {  	_ =	swait.ge [sflag:s28], $0x2000  }
0x59: {  	s13 =	sshra.s32 s13, $0x2;
	[sflag:s28] =	ssyncset.done $0x0  }
0x5a: {  	s14 =	sadd.s32 $0x14080, s13;
	[sflag:s28] =	ssyncadd.s32 $0xFFFFE000  }
0x5b: {  	[tilespmem:s29], [sflag:$0x2] =	stream.indirect.gather [spmem:s2], $0x40, s14, s26, $0xb8;
	[tilespmem:$0x1E800] =	vst v63  }
0x5c: {  	s14 =	sadd.s32 $0x15400, s13  }
0x5d: {  	[spmem:s3] =	stream.indirect.scatter.add.f32 [tilespmem:s23], [sflag:$0x3], $0x40, s14, s26, $0xb8;
	[tilespmem:$0x1E800] =	vst v63  }
0x5e: {  	_ =	swait.ge [sflag:s22], $0x2000  }
0x5f: {  	[sflag:s22] =	ssyncset.done $0x0  }
0x60: {  	[sflag:s22] =	ssyncadd.s32 $0xFFFFE000  }
0x61: {  	_ =	swait.ge [sflag:s30], $0x2000  }
0x62: {  	[sflag:s30] =	ssyncset.done $0x0  }
0x63: {  	s14 =	sadd.s32 $0x14100, s13;
	[sflag:s30] =	ssyncadd.s32 $0xFFFFE000  }
0x64: {  	[tilespmem:s23], [sflag:$0x1] =	stream.indirect.gather [spmem:s2], $0x40, s14, s26, $0xb8;
	[tilespmem:$0x1E800] =	vst v63  }
.Ltmp1:
0x65: {  	_ = 	snop;
	(pc) =	sbr.rel @p0 .LBB2_4-.Ltmp1, $4  }
0x66: {  	s13 =	sadd.s32 $0x15480, s13  }
0x67: {  	[spmem:s3] =	stream.indirect.scatter.add.f32 [tilespmem:s29], [sflag:$0x3], $0x40, s13, s26, $0xb8;
	[tilespmem:$0x1E800] =	vst v63  }
0x68: {  	_ =	swait.ge [sflag:s22], $0x2000  }
0x69: {  	[sflag:s22] =	ssyncset.done $0x0  }
0x6a: {  	[sflag:s22] =	ssyncadd.s32 $0xFFFFE000  }
0x6b: {  	_ =	swait.ge [sflag:s28], $0x2000  }
0x6c: {  	[sflag:s28] =	ssyncset.done $0x0  }
0x6d: {  	[sflag:s28] =	ssyncadd.s32 $0xFFFFE000  }
0x6e: {  	[tilespmem:s29], [sflag:$0x2] =	stream.indirect.gather [spmem:s2], $0x40, s31, s26, $0xb8;
	[tilespmem:$0x1E800] =	vst v63  }
0x6f: {  	_ = 	snop  }
0x70: {  	[spmem:s3] =	stream.indirect.scatter.add.f32 [tilespmem:s23], [sflag:$0x3], $0x40, s1, s26, $0xb8;
	[tilespmem:$0x1E800] =	vst v63  }
0x71: {  	_ =	swait.ge [sflag:s22], $0x2000  }
0x72: {  	[sflag:s22] =	ssyncset.done $0x0  }
0x73: {  	[sflag:s22] =	ssyncadd.s32 $0xFFFFE000  }
0x74: {  	_ =	swait.ge [sflag:s30], $0x2000  }
0x75: {  	[sflag:s30] =	ssyncset.done $0x0  }
0x76: {  	[sflag:s30] =	ssyncadd.s32 $0xFFFFE000  }
0x77: {  	[spmem:s3] =	stream.indirect.scatter.add.f32 [tilespmem:s29], [sflag:$0x3], $0x40, s0, s26, $0xb8;
	[tilespmem:$0x1E800] =	vst v63  }
0x78: {  	_ =	swait.ge [sflag:s22], $0x2000  }
0x79: {  	[sflag:s22] =	ssyncset.done $0x0  }
0x7a: {  	s6 =	simm.s32 $0x0;
	[sflag:s22] =	ssyncadd.s32 $0xFFFFE000  }
0x7b: {  	[tilespmem:s24], [sflag:$0x3] =	stream.linear.gather [hbm4b:s11+s6], $0x1400, $0x38;
	[tilespmem:$0x1E800] =	vst v63  }
0x7c: {  	_ =	swait.ge [sflag:s22], $0x1400  }
0x7d: {  	[sflag:s22] =	ssyncset.done $0x0  }
0x7e: {  	[sflag:s22] =	ssyncadd.s32 $0xFFFFEC00  }
0x7f: {  	[tilespmem:s25], [sflag:$0x3] =	stream.linear.gather [hbm4b:s12+s6], $0x1400, $0x38;
	[tilespmem:$0x1E800] =	vst v63  }
0x80: {  	_ =	swait.ge [sflag:s22], $0x1400  }
0x81: {  	[sflag:s22] =	ssyncset.done $0x0  }
0x82: {  	[sflag:s22] =	ssyncadd.s32 $0xFFFFEC00  }
0x83: {  	[tilespmem:s23], [sflag:$0x1] =	stream.indirect.gather [spmem:s2], $0x40, s24, s26, $0xb8;
	[tilespmem:$0x1E800] =	vst v63  }
0x84: {  	_ =	swait.ge [sflag:s28], $0x2000  }
0x85: {  	[sflag:s28] =	ssyncset.done $0x0  }
0x86: {  	s15 =	simm.s32 $0x14080;
	[sflag:s28] =	ssyncadd.s32 $0xFFFFE000  }
0x87: {  	[tilespmem:s29], [sflag:$0x2] =	stream.indirect.gather [spmem:s2], $0x40, s15, s26, $0xb8;
	[tilespmem:$0x1E800] =	vst v63  }
0x88: {  	s13 =	simm.s32 $0x15400  }
0x89: {  	[spmem:s3] =	stream.indirect.scatter.add.f32 [tilespmem:s23], [sflag:$0x3], $0x40, s13, s26, $0xb8;
	[tilespmem:$0x1E800] =	vst v63  }
0x8a: {  	_ =	swait.ge [sflag:s22], $0x2000  }
0x8b: {  	[sflag:s22] =	ssyncset.done $0x0  }
0x8c: {  	[sflag:s22] =	ssyncadd.s32 $0xFFFFE000  }
0x8d: {  	_ =	swait.ge [sflag:s30], $0x2000  }
0x8e: {  	[sflag:s30] =	ssyncset.done $0x0  }
0x8f: {  	s14 =	simm.s32 $0x14100;
	[sflag:s30] =	ssyncadd.s32 $0xFFFFE000  }
0x90: {  	[tilespmem:s23], [sflag:$0x1] =	stream.indirect.gather [spmem:s2], $0x40, s14, s26, $0xb8;
	[tilespmem:$0x1E800] =	vst v63  }
0x91: {  	s15 =	simm.s32 $0x15480  }
0x92: {  	[spmem:s3] =	stream.indirect.scatter.add.f32 [tilespmem:s29], [sflag:$0x3], $0x40, s15, s26, $0xb8;
	[tilespmem:$0x1E800] =	vst v63  }
0x93: {  	_ =	swait.ge [sflag:s22], $0x2000  }
0x94: {  	s6 =	simm.s32 $0x400;
	[sflag:s22] =	ssyncset.done $0x0  }
.LBB2_6:
0x95: {  	p0 =	sne.s32 s6, $0x4800  }
0x96: {  	[sflag:s22] =	ssyncadd.s32 $0xFFFFE000;
	s13 =	smov.u32 s6;
	s6 =	sadd.s32 $0x400, s6  }
0x97: {  	_ = 	snop  }
0x98: {  	_ =	swait.ge [sflag:s28], $0x2000  }
0x99: {  	s13 =	sshra.s32 s13, $0x2;
	[sflag:s28] =	ssyncset.done $0x0  }
0x9a: {  	s14 =	sadd.s32 $0x14080, s13;
	[sflag:s28] =	ssyncadd.s32 $0xFFFFE000  }
0x9b: {  	[tilespmem:s29], [sflag:$0x2] =	stream.indirect.gather [spmem:s2], $0x40, s14, s26, $0xb8;
	[tilespmem:$0x1E800] =	vst v63  }
0x9c: {  	s14 =	sadd.s32 $0x15400, s13  }
0x9d: {  	[spmem:s3] =	stream.indirect.scatter.add.f32 [tilespmem:s23], [sflag:$0x3], $0x40, s14, s26, $0xb8;
	[tilespmem:$0x1E800] =	vst v63  }
0x9e: {  	_ =	swait.ge [sflag:s22], $0x2000  }
0x9f: {  	[sflag:s22] =	ssyncset.done $0x0  }
0xa0: {  	[sflag:s22] =	ssyncadd.s32 $0xFFFFE000  }
0xa1: {  	_ =	swait.ge [sflag:s30], $0x2000  }
0xa2: {  	[sflag:s30] =	ssyncset.done $0x0  }
0xa3: {  	s14 =	sadd.s32 $0x14100, s13;
	[sflag:s30] =	ssyncadd.s32 $0xFFFFE000  }
0xa4: {  	[tilespmem:s23], [sflag:$0x1] =	stream.indirect.gather [spmem:s2], $0x40, s14, s26, $0xb8;
	[tilespmem:$0x1E800] =	vst v63  }
.Ltmp2:
0xa5: {  	_ = 	snop;
	(pc) =	sbr.rel @p0 .LBB2_6-.Ltmp2, $4  }
0xa6: {  	s13 =	sadd.s32 $0x15480, s13  }
0xa7: {  	[spmem:s3] =	stream.indirect.scatter.add.f32 [tilespmem:s29], [sflag:$0x3], $0x40, s13, s26, $0xb8;
	[tilespmem:$0x1E800] =	vst v63  }
0xa8: {  	_ =	swait.ge [sflag:s22], $0x2000  }
0xa9: {  	[sflag:s22] =	ssyncset.done $0x0  }
0xaa: {  	[sflag:s22] =	ssyncadd.s32 $0xFFFFE000  }
0xab: {  	_ =	swait.ge [sflag:s28], $0x2000  }
0xac: {  	[sflag:s28] =	ssyncset.done $0x0  }
0xad: {  	[sflag:s28] =	ssyncadd.s32 $0xFFFFE000  }
0xae: {  	[tilespmem:s29], [sflag:$0x2] =	stream.indirect.gather [spmem:s2], $0x40, s31, s26, $0xb8;
	[tilespmem:$0x1E800] =	vst v63  }
0xaf: {  	_ = 	snop  }
0xb0: {  	[spmem:s3] =	stream.indirect.scatter.add.f32 [tilespmem:s23], [sflag:$0x3], $0x40, s1, s26, $0xb8;
	[tilespmem:$0x1E800] =	vst v63  }
0xb1: {  	_ =	swait.ge [sflag:s22], $0x2000  }
0xb2: {  	[sflag:s22] =	ssyncset.done $0x0  }
0xb3: {  	[sflag:s22] =	ssyncadd.s32 $0xFFFFE000  }
0xb4: {  	_ =	swait.ge [sflag:s30], $0x2000  }
0xb5: {  	[sflag:s30] =	ssyncset.done $0x0  }
0xb6: {  	[sflag:s30] =	ssyncadd.s32 $0xFFFFE000  }
0xb7: {  	[spmem:s3] =	stream.indirect.scatter.add.f32 [tilespmem:s29], [sflag:$0x3], $0x40, s0, s26, $0xb8;
	[tilespmem:$0x1E800] =	vst v63  }
0xb8: {  	_ =	swait.ge [sflag:s22], $0x2000  }
0xb9: {  	[sflag:s22] =	ssyncset.done $0x0  }
0xba: {  	[sflag:s22] =	ssyncadd.s32 $0xFFFFE000  }
0xbb: {  	[bflag:$0x0] =	sbarrier.arrive $0xFFFF  }
0xbc: {  	s6 =	rddreg [dreg:$0x8]  }
0xbd: {  	s13 =	rddreg [dreg:$0x7];
	s6 =	sshrl.u32 s6, $0x3  }
0xbe: {  	[hbm:s13], [sflag:s7] =	dma.local [spmem:s6], $0x2800  }
0xbf: {  	_ =	swait.ge [sflag:s22], $0x2800  }
0xc0: {  	[sflag:s22] =	ssyncset.done $0x0  }
0xc1: {  	s14 =	simm.s32 $0x200;
	s13 =	simm.s32 $0x0;
	[sflag:s22] =	ssyncadd.s32 $0xFFFFD800  }
.LBB2_8:
0xc2: {  	p0 =	sne.s32 s14, $0xFE00;
	[tilespmem:s13+$0x16830] =	vst v0;
	s15 =	smov.u32 s14;
	s14 =	sadd.s32 $0x200, s14  }
.Ltmp3:
0xc3: {  	[tilespmem:s13+$0x16820] =	vst v0;
	(pc) =	sbr.rel @p0 .LBB2_8-.Ltmp3, $3  }
0xc4: {  	[tilespmem:s13+$0x16800] =	vst v0  }
0xc5: {  	[tilespmem:s13+$0x16810] =	vst v0;
	_ =	sdelay $0x1  }
0xc6: {  	s13 =	sshra.s32 s15, $0x2  }
0xc7: {  	[tilespmem:s13+$0x16830] =	vst v0  }
0xc8: {  	[tilespmem:s13+$0x16820] =	vst v0  }
0xc9: {  	[tilespmem:s13+$0x16800] =	vst v0  }
0xca: {  	[tilespmem:s13+$0x16810] =	vst v0;
	s15 =	rddreg [dreg:$0x9]  }
0xcb: {  	[spmem:s5], [sflag:s7] =	dma.local [hbm:s15], $0x2800  }
0xcc: {  	_ =	swait.ge [sflag:s22], $0x2800  }
0xcd: {  	[sflag:s22] =	ssyncset.done $0x0  }
0xce: {  	[sflag:s22] =	ssyncadd.s32 $0xFFFFD800  }
0xcf: {  	[spmem:s8] =	stream.linear.scatter [tilespmem:s23], [sflag:$0x3], $0x4000, $0x38;
	[tilespmem:$0x1E800] =	vst v63  }
0xd0: {  	_ =	swait.ge [sflag:s22], $0x4000  }
0xd1: {  	[sflag:s22] =	ssyncset.done $0x0  }
0xd2: {  	[sflag:s22] =	ssyncadd.s32 $0xFFFFC000  }
0xd3: {  	[spmem:s18] =	stream.linear.scatter [tilespmem:s23], [sflag:$0x3], $0x4000, $0x38;
	[tilespmem:$0x1E800] =	vst v63  }
0xd4: {  	_ =	swait.ge [sflag:s22], $0x4000  }
0xd5: {  	[sflag:s22] =	ssyncset.done $0x0  }
0xd6: {  	[sflag:s22] =	ssyncadd.s32 $0xFFFFC000  }
0xd7: {  	[spmem:s19] =	stream.linear.scatter [tilespmem:s23], [sflag:$0x3], $0x4000, $0x38;
	[tilespmem:$0x1E800] =	vst v63  }
0xd8: {  	_ =	swait.ge [sflag:s22], $0x4000  }
0xd9: {  	[sflag:s22] =	ssyncset.done $0x0  }
0xda: {  	[sflag:s22] =	ssyncadd.s32 $0xFFFFC000  }
0xdb: {  	[spmem:s20] =	stream.linear.scatter [tilespmem:s23], [sflag:$0x3], $0x4000, $0x38;
	[tilespmem:$0x1E800] =	vst v63  }
0xdc: {  	_ =	swait.ge [sflag:s22], $0x4000  }
0xdd: {  	[sflag:s22] =	ssyncset.done $0x0  }
0xde: {  	[sflag:s22] =	ssyncadd.s32 $0xFFFFC000  }
0xdf: {  	[spmem:s21] =	stream.linear.scatter [tilespmem:s23], [sflag:$0x3], $0x4000, $0x38;
	[tilespmem:$0x1E800] =	vst v63  }
0xe0: {  	_ =	swait.ge [sflag:s22], $0x4000  }
0xe1: {  	[sflag:s22] =	ssyncset.done $0x0  }
0xe2: {  	[sflag:s22] =	ssyncadd.s32 $0xFFFFC000  }
0xe3: {  	s14 =	simm.s32 $0x0;
	[bflag:$0x0] =	sbarrier.arrive $0xFFFF  }
0xe4: {  	[tilespmem:s24], [sflag:$0x3] =	stream.linear.gather [hbm4b:s9+s14], $0x1400, $0x38;
	[tilespmem:$0x1E800] =	vst v63  }
0xe5: {  	_ =	swait.ge [sflag:s22], $0x1400  }
0xe6: {  	[sflag:s22] =	ssyncset.done $0x0  }
0xe7: {  	[sflag:s22] =	ssyncadd.s32 $0xFFFFEC00  }
0xe8: {  	[tilespmem:s25], [sflag:$0x3] =	stream.linear.gather [hbm4b:s10+s14], $0x1400, $0x38;
	[tilespmem:$0x1E800] =	vst v63  }
0xe9: {  	_ =	swait.ge [sflag:s22], $0x1400  }
0xea: {  	[sflag:s22] =	ssyncset.done $0x0  }
0xeb: {  	[sflag:s22] =	ssyncadd.s32 $0xFFFFEC00  }
0xec: {  	[tilespmem:s23], [sflag:$0x1] =	stream.indirect.gather [spmem:s2], $0x40, s24, s26, $0xb8;
	[tilespmem:$0x1E800] =	vst v63  }
0xed: {  	_ =	swait.ge [sflag:s28], $0x2000  }
0xee: {  	[sflag:s28] =	ssyncset.done $0x0  }
0xef: {  	s15 =	simm.s32 $0x14080;
	[sflag:s28] =	ssyncadd.s32 $0xFFFFE000  }
0xf0: {  	[tilespmem:s29], [sflag:$0x2] =	stream.indirect.gather [spmem:s2], $0x40, s15, s26, $0xb8;
	[tilespmem:$0x1E800] =	vst v63  }
0xf1: {  	s13 =	simm.s32 $0x15400  }
0xf2: {  	[spmem:s3] =	stream.indirect.scatter.add.f32 [tilespmem:s23], [sflag:$0x3], $0x40, s13, s26, $0xb8;
	[tilespmem:$0x1E800] =	vst v63  }
0xf3: {  	_ =	swait.ge [sflag:s22], $0x2000  }
0xf4: {  	[sflag:s22] =	ssyncset.done $0x0  }
0xf5: {  	[sflag:s22] =	ssyncadd.s32 $0xFFFFE000  }
0xf6: {  	_ =	swait.ge [sflag:s30], $0x2000  }
0xf7: {  	[sflag:s30] =	ssyncset.done $0x0  }
0xf8: {  	s14 =	simm.s32 $0x14100;
	[sflag:s30] =	ssyncadd.s32 $0xFFFFE000  }
0xf9: {  	[tilespmem:s23], [sflag:$0x1] =	stream.indirect.gather [spmem:s2], $0x40, s14, s26, $0xb8;
	[tilespmem:$0x1E800] =	vst v63  }
0xfa: {  	s15 =	simm.s32 $0x15480  }
0xfb: {  	[spmem:s3] =	stream.indirect.scatter.add.f32 [tilespmem:s29], [sflag:$0x3], $0x40, s15, s26, $0xb8;
	[tilespmem:$0x1E800] =	vst v63  }
0xfc: {  	_ =	swait.ge [sflag:s22], $0x2000  }
0xfd: {  	s5 =	simm.s32 $0x400;
	[sflag:s22] =	ssyncset.done $0x0  }
.LBB2_10:
0xfe: {  	p0 =	sne.s32 s5, $0x4800  }
0xff: {  	[sflag:s22] =	ssyncadd.s32 $0xFFFFE000;
	s13 =	smov.u32 s5;
	s5 =	sadd.s32 $0x400, s5  }
0x100: {  	_ = 	snop  }
0x101: {  	_ =	swait.ge [sflag:s28], $0x2000  }
0x102: {  	s13 =	sshra.s32 s13, $0x2;
	[sflag:s28] =	ssyncset.done $0x0  }
0x103: {  	s14 =	sadd.s32 $0x14080, s13;
	[sflag:s28] =	ssyncadd.s32 $0xFFFFE000  }
0x104: {  	[tilespmem:s29], [sflag:$0x2] =	stream.indirect.gather [spmem:s2], $0x40, s14, s26, $0xb8;
	[tilespmem:$0x1E800] =	vst v63  }
0x105: {  	s14 =	sadd.s32 $0x15400, s13  }
0x106: {  	[spmem:s3] =	stream.indirect.scatter.add.f32 [tilespmem:s23], [sflag:$0x3], $0x40, s14, s26, $0xb8;
	[tilespmem:$0x1E800] =	vst v63  }
0x107: {  	_ =	swait.ge [sflag:s22], $0x2000  }
0x108: {  	[sflag:s22] =	ssyncset.done $0x0  }
0x109: {  	[sflag:s22] =	ssyncadd.s32 $0xFFFFE000  }
0x10a: {  	_ =	swait.ge [sflag:s30], $0x2000  }
0x10b: {  	[sflag:s30] =	ssyncset.done $0x0  }
0x10c: {  	s14 =	sadd.s32 $0x14100, s13;
	[sflag:s30] =	ssyncadd.s32 $0xFFFFE000  }
0x10d: {  	[tilespmem:s23], [sflag:$0x1] =	stream.indirect.gather [spmem:s2], $0x40, s14, s26, $0xb8;
	[tilespmem:$0x1E800] =	vst v63  }
.Ltmp4:
0x10e: {  	_ = 	snop;
	(pc) =	sbr.rel @p0 .LBB2_10-.Ltmp4, $4  }
0x10f: {  	s13 =	sadd.s32 $0x15480, s13  }
0x110: {  	[spmem:s3] =	stream.indirect.scatter.add.f32 [tilespmem:s29], [sflag:$0x3], $0x40, s13, s26, $0xb8;
	[tilespmem:$0x1E800] =	vst v63  }
0x111: {  	_ =	swait.ge [sflag:s22], $0x2000  }
0x112: {  	[sflag:s22] =	ssyncset.done $0x0  }
0x113: {  	[sflag:s22] =	ssyncadd.s32 $0xFFFFE000  }
0x114: {  	_ =	swait.ge [sflag:s28], $0x2000  }
0x115: {  	[sflag:s28] =	ssyncset.done $0x0  }
0x116: {  	[sflag:s28] =	ssyncadd.s32 $0xFFFFE000  }
0x117: {  	[tilespmem:s29], [sflag:$0x2] =	stream.indirect.gather [spmem:s2], $0x40, s31, s26, $0xb8;
	[tilespmem:$0x1E800] =	vst v63  }
0x118: {  	_ = 	snop  }
0x119: {  	[spmem:s3] =	stream.indirect.scatter.add.f32 [tilespmem:s23], [sflag:$0x3], $0x40, s1, s26, $0xb8;
	[tilespmem:$0x1E800] =	vst v63  }
0x11a: {  	_ =	swait.ge [sflag:s22], $0x2000  }
0x11b: {  	[sflag:s22] =	ssyncset.done $0x0  }
0x11c: {  	[sflag:s22] =	ssyncadd.s32 $0xFFFFE000  }
0x11d: {  	_ =	swait.ge [sflag:s30], $0x2000  }
0x11e: {  	[sflag:s30] =	ssyncset.done $0x0  }
0x11f: {  	[sflag:s30] =	ssyncadd.s32 $0xFFFFE000  }
0x120: {  	[spmem:s3] =	stream.indirect.scatter.add.f32 [tilespmem:s29], [sflag:$0x3], $0x40, s0, s26, $0xb8;
	[tilespmem:$0x1E800] =	vst v63  }
0x121: {  	_ =	swait.ge [sflag:s22], $0x2000  }
0x122: {  	[sflag:s22] =	ssyncset.done $0x0  }
0x123: {  	s5 =	simm.s32 $0x0;
	[sflag:s22] =	ssyncadd.s32 $0xFFFFE000  }
0x124: {  	[tilespmem:s24], [sflag:$0x3] =	stream.linear.gather [hbm4b:s11+s5], $0x1400, $0x38;
	[tilespmem:$0x1E800] =	vst v63  }
0x125: {  	_ =	swait.ge [sflag:s22], $0x1400  }
0x126: {  	[sflag:s22] =	ssyncset.done $0x0  }
0x127: {  	[sflag:s22] =	ssyncadd.s32 $0xFFFFEC00  }
0x128: {  	[tilespmem:s25], [sflag:$0x3] =	stream.linear.gather [hbm4b:s12+s5], $0x1400, $0x38;
	[tilespmem:$0x1E800] =	vst v63  }
0x129: {  	_ =	swait.ge [sflag:s22], $0x1400  }
0x12a: {  	[sflag:s22] =	ssyncset.done $0x0  }
0x12b: {  	[sflag:s22] =	ssyncadd.s32 $0xFFFFEC00  }
0x12c: {  	[tilespmem:s23], [sflag:$0x1] =	stream.indirect.gather [spmem:s2], $0x40, s24, s26, $0xb8;
	[tilespmem:$0x1E800] =	vst v63  }
0x12d: {  	_ =	swait.ge [sflag:s28], $0x2000  }
0x12e: {  	[sflag:s28] =	ssyncset.done $0x0  }
0x12f: {  	s15 =	simm.s32 $0x14080;
	[sflag:s28] =	ssyncadd.s32 $0xFFFFE000  }
0x130: {  	[tilespmem:s29], [sflag:$0x2] =	stream.indirect.gather [spmem:s2], $0x40, s15, s26, $0xb8;
	[tilespmem:$0x1E800] =	vst v63  }
0x131: {  	s13 =	simm.s32 $0x15400  }
0x132: {  	[spmem:s3] =	stream.indirect.scatter.add.f32 [tilespmem:s23], [sflag:$0x3], $0x40, s13, s26, $0xb8;
	[tilespmem:$0x1E800] =	vst v63  }
0x133: {  	_ =	swait.ge [sflag:s22], $0x2000  }
0x134: {  	[sflag:s22] =	ssyncset.done $0x0  }
0x135: {  	[sflag:s22] =	ssyncadd.s32 $0xFFFFE000  }
0x136: {  	_ =	swait.ge [sflag:s30], $0x2000  }
0x137: {  	[sflag:s30] =	ssyncset.done $0x0  }
0x138: {  	s14 =	simm.s32 $0x14100;
	[sflag:s30] =	ssyncadd.s32 $0xFFFFE000  }
0x139: {  	[tilespmem:s23], [sflag:$0x1] =	stream.indirect.gather [spmem:s2], $0x40, s14, s26, $0xb8;
	[tilespmem:$0x1E800] =	vst v63  }
0x13a: {  	s15 =	simm.s32 $0x15480  }
0x13b: {  	[spmem:s3] =	stream.indirect.scatter.add.f32 [tilespmem:s29], [sflag:$0x3], $0x40, s15, s26, $0xb8;
	[tilespmem:$0x1E800] =	vst v63  }
0x13c: {  	_ =	swait.ge [sflag:s22], $0x2000  }
0x13d: {  	s5 =	simm.s32 $0x400;
	[sflag:s22] =	ssyncset.done $0x0  }
.LBB2_12:
0x13e: {  	p0 =	sne.s32 s5, $0x4800  }
0x13f: {  	[sflag:s22] =	ssyncadd.s32 $0xFFFFE000;
	s13 =	smov.u32 s5;
	s5 =	sadd.s32 $0x400, s5  }
0x140: {  	_ = 	snop  }
0x141: {  	_ =	swait.ge [sflag:s28], $0x2000  }
0x142: {  	s13 =	sshra.s32 s13, $0x2;
	[sflag:s28] =	ssyncset.done $0x0  }
0x143: {  	s14 =	sadd.s32 $0x14080, s13;
	[sflag:s28] =	ssyncadd.s32 $0xFFFFE000  }
0x144: {  	[tilespmem:s29], [sflag:$0x2] =	stream.indirect.gather [spmem:s2], $0x40, s14, s26, $0xb8;
	[tilespmem:$0x1E800] =	vst v63  }
0x145: {  	s14 =	sadd.s32 $0x15400, s13  }
0x146: {  	[spmem:s3] =	stream.indirect.scatter.add.f32 [tilespmem:s23], [sflag:$0x3], $0x40, s14, s26, $0xb8;
	[tilespmem:$0x1E800] =	vst v63  }
0x147: {  	_ =	swait.ge [sflag:s22], $0x2000  }
0x148: {  	[sflag:s22] =	ssyncset.done $0x0  }
0x149: {  	[sflag:s22] =	ssyncadd.s32 $0xFFFFE000  }
0x14a: {  	_ =	swait.ge [sflag:s30], $0x2000  }
0x14b: {  	[sflag:s30] =	ssyncset.done $0x0  }
0x14c: {  	s14 =	sadd.s32 $0x14100, s13;
	[sflag:s30] =	ssyncadd.s32 $0xFFFFE000  }
0x14d: {  	[tilespmem:s23], [sflag:$0x1] =	stream.indirect.gather [spmem:s2], $0x40, s14, s26, $0xb8;
	[tilespmem:$0x1E800] =	vst v63  }
.Ltmp5:
0x14e: {  	_ = 	snop;
	(pc) =	sbr.rel @p0 .LBB2_12-.Ltmp5, $4  }
0x14f: {  	s13 =	sadd.s32 $0x15480, s13  }
0x150: {  	[spmem:s3] =	stream.indirect.scatter.add.f32 [tilespmem:s29], [sflag:$0x3], $0x40, s13, s26, $0xb8;
	[tilespmem:$0x1E800] =	vst v63  }
0x151: {  	_ =	swait.ge [sflag:s22], $0x2000  }
0x152: {  	[sflag:s22] =	ssyncset.done $0x0  }
0x153: {  	[sflag:s22] =	ssyncadd.s32 $0xFFFFE000  }
0x154: {  	_ =	swait.ge [sflag:s28], $0x2000  }
0x155: {  	[sflag:s28] =	ssyncset.done $0x0  }
0x156: {  	[sflag:s28] =	ssyncadd.s32 $0xFFFFE000  }
0x157: {  	[tilespmem:s29], [sflag:$0x2] =	stream.indirect.gather [spmem:s2], $0x40, s31, s26, $0xb8;
	[tilespmem:$0x1E800] =	vst v63  }
0x158: {  	_ = 	snop  }
0x159: {  	[spmem:s3] =	stream.indirect.scatter.add.f32 [tilespmem:s23], [sflag:$0x3], $0x40, s1, s26, $0xb8;
	[tilespmem:$0x1E800] =	vst v63  }
0x15a: {  	_ =	swait.ge [sflag:s22], $0x2000  }
0x15b: {  	[sflag:s22] =	ssyncset.done $0x0  }
0x15c: {  	[sflag:s22] =	ssyncadd.s32 $0xFFFFE000  }
0x15d: {  	_ =	swait.ge [sflag:s30], $0x2000  }
0x15e: {  	[sflag:s30] =	ssyncset.done $0x0  }
0x15f: {  	[sflag:s30] =	ssyncadd.s32 $0xFFFFE000  }
0x160: {  	[spmem:s3] =	stream.indirect.scatter.add.f32 [tilespmem:s29], [sflag:$0x3], $0x40, s0, s26, $0xb8;
	[tilespmem:$0x1E800] =	vst v63  }
0x161: {  	_ =	swait.ge [sflag:s22], $0x2000  }
0x162: {  	s4 =	sadd.s32 $0x1, s4;
	[sflag:s22] =	ssyncset.done $0x0  }
0x163: {  	p0 =	sne.s32 s4, s17;
	[sflag:s22] =	ssyncadd.s32 $0xFFFFE000  }
.Ltmp6:
0x164: {  	[bflag:$0x0] =	sbarrier.arrive $0xFFFF;
	(pc) =	sbr.rel @p0 .LBB2_1-.Ltmp6, $4  }
0x165: {  	[hbm:s16], [sflag:s7] =	dma.local [spmem:s6], $0x2800  }
0x166: {  	_ =	swait.ge [sflag:s22], $0x2800  }
0x167: {  	[sflag:s22] =	ssyncset.done $0x0  }
0x168: {  	[sflag:s22] =	ssyncadd.s32 $0xFFFFD800  }
0x169: {  	_ =	sfence.sel $0x180000  }
0x16a: {  	[bflag:$0x0] =	sbarrier.arrive $0xFFFF  }
0x16b: {  	_ =	strace $0x9000004A  }
0x16c: {  	s0 =	stileid.u32;
	[bflag:$0x2] =	sbarrier.arrive $0xFFFF  }
0x16d: {  	p0 =	sne.s32 s0, $0x0;
	s0 =	rddreg [dreg:$0x4]  }
0x16e: {  	s0 =	sadd.s32 @!p0 $0x100000, s0  }
0x16f: {  	[sflag:s0] =	ssyncadd.tile.s32 @!p0 $0x1;
	_ =	shalt  }
.Lfunc_end2:
_tile_overlayer_lowered:
.L_overlay_start_2:
0x170: {  	(tag) =	ssettag $0x2  }
0x171: {  	s0 =	rddreg [dreg:$0x0];
	s2 =	stileid.u32  }
0x172: {  	s1 =	rddreg [dreg:$0x1];
	p0 =	sne.s32 s2, $0x0  }
0x173: {  	s3 =	rddreg [dreg:$0x2];
	[bflag:$0x3] =	sbarrier.arrive $0xFFFF;
	s2 =	simm.s32 @!p0 $0x1C03  }
0x174: {  	[timem:s3], [sflag:s2] =	dma.local @!p0 [hbm:s0], s1  }
0x175: {  	s0 =	simm.s32 @!p0 $0x3  }
0x176: {  	_ =	swait.ge @!p0 [sflag:s0], s1  }
0x177: {  	s1 =	ssub.s32 @!p0 $0x0, s1;
	[sflag:s0] =	ssyncset.done @!p0 $0x0  }
0x178: {  	[sflag:s0] =	ssyncadd.s32 @!p0 s1  }
0x179: {  	[bflag:$0x3] =	sbarrier.arrive $0xFFFF  }
0x17a: {  	_ =	shalt  }

// kernel: kernel.14.cloned.1.call-start
scs
__scs_entry_jumppad:
0x0: {  	(pc) =	sbr.rel $0x88, $3  }
0x1: {  	(tag) =	ssettag $0x0;
	lr =	simm.s32 $0x1  }
0x2: {  	[smem:$0x3F9D] =	sst lr;
	_ =	strace $0xD0000000  }
0x3: {  	_ = 	snop  }
0x4: {  	_ = 	snop  }
0x5: {  	_ = 	snop  }
0x6: {  	_ = 	snop  }
0x7: {  	_ = 	snop  }
__scs_overlays_trampoline_lowered:
0x8: {  	[smem:$0x3FAC] =	sst s0  }
0x9: {  	[smem:$0x3FAD] =	sst s1  }
0xa: {  	[smem:$0x3FAE] =	sst s2  }
0xb: {  	[smem:$0x3FAF] =	sst s3  }
0xc: {  	[smem:$0x3FB0] =	sst s4  }
0xd: {  	[smem:$0x3FB1] =	sst s5  }
0xe: {  	[smem:$0x3FB2] =	sst s6  }
0xf: {  	[smem:$0x3FB3] =	sst s7  }
0x10: {  	[smem:$0x3FB4] =	sst s8  }
0x11: {  	[smem:$0x3FB5] =	sst s9;
	s0 =	simm.s32 @!p0 $0x0  }
0x12: {  	s1 =	sld [smem:$0x3F9B];
	s0 =	simm.s32 @p0 $0x1  }
0x13: {  	[smem:$0x3FB6] =	sst s0;
	s0 =	simm.s32 @!p1 $0x0  }
0x14: {  	s2 =	sld [smem:$0x3F9A];
	s0 =	simm.s32 @p1 $0x1  }
0x15: {  	[smem:$0x3FB7] =	sst s0;
	s0 =	simm.s32 @!p2 $0x0  }
0x16: {  	s3 =	sld [smem:$0x3FDB];
	s0 =	simm.s32 @p2 $0x1  }
0x17: {  	s4 =	simm.s32 $0x1BF5;
	[smem:$0x3FB9] =	sst s0  }
0x18: {  	s0 =	sld [smem:$0x3F9C];
	_ =	swait.ge [sflag:s4], $0x0  }
0x19: {  	s7 =	sld [smem:$0x3F9D]  }
0x1a: {  	s8 =	sadd.s32 $0xFFFFE003, lr  }
0x1b: {  	s9 =	sadd.s32 $0xFFFFFEF7, lr;
	s5 =	simm.s32 $0xFFFFFFFF;
	p2 =	slt.u32 s8, $0xFFFFF086  }
0x1c: {  	p1 =	slt.u32 s9, $0xF7A;
	s5 =	simm.s32 @!p2 $0x0  }
0x1d: {  	s5 =	simm.s32 @p1 $0x1;
	p0 =	seq.s32 s7, s2  }
0x1e: {  	s7 =	smul.u32 @!p0 $0xF7A, s2;
	p2 =	seq.s32 @!p0 s5, $0x0  }
0x1f: {  	s9 =	smul.u32 $0xF7A, s1;
	s8 =	simm.s32 @!p0 $0x1BF5;
	p2 =	por !p2, p0  }
0x20: {  	[sflag:s8] =	ssyncset.s32 @!p0 $0xFFFFF086;
	s6 =	sadd.s32 @!p0 s3, s7;
	s7 =	simm.s32 @!p0 $0x108  }
0x21: {  	s3 =	sadd.s32 s3, s9;
	s6 =	sadd.s32 @!p0 $0x88, s6;
	s7 =	simm.s32 @p2 $0x1082  }
0x22: {  	[simem:s7], [sflag:s8] =	dma.local @!p0 [hbm:s6], $0xF7A  }
0x23: {  	s9 =	sor.u32 $0xD0000000, s2;
	s6 =	simm.s32 $0x108;
	_ =	swait.ge @!p0 [sflag:s8], $0x0  }
0x24: {  	s3 =	sadd.s32 $0x88, s3;
	s6 =	simm.s32 @!p1 $0x1082;
	[sflag:s4] =	ssyncset.s32 $0xFFFFF086  }
0x25: {  	[simem:s6], [sflag:s4] =	dma.local [hbm:s3], $0xF7A  }
0x26: {  	[smem:$0x3F9D] =	sst s1;
	(tag) =	ssettag s2;
	_ =	strace s9  }
0x27: {  	s1 =	sld [smem:$0x3FAD]  }
0x28: {  	s2 =	sld [smem:$0x3FAE]  }
0x29: {  	s4 =	sld [smem:$0x3FB0]  }
0x2a: {  	p0 =	seq.s32 s5, $0x0;
	s5 =	sld [smem:$0x3FB1]  }
0x2b: {  	s6 =	sld [smem:$0x3FB2]  }
0x2c: {  	s7 =	sld [smem:$0x3FB3]  }
0x2d: {  	s3 =	simm.s32 $0x108;
	s8 =	sld [smem:$0x3FB4]  }
0x2e: {  	s3 =	simm.s32 @!p0 $0x1082;
	s9 =	sld [smem:$0x3FB5]  }
0x2f: {  	lr =	sadd.s32 s0, s3;
	s0 =	sld [smem:$0x3FAC]  }
0x30: {  	s3 =	sld [smem:$0x3FAF]  }
0x31: {  	[smem:$0x3FB8] =	sst s10  }
0x32: {  	s10 =	sld [smem:$0x3FB6];
	_ =	sdelay $0x3  }
0x33: {  	p0 =	seq.s32 s10, $0x1;
	s10 =	sld [smem:$0x3FB8];
	_ =	sdelay $0x3  }
0x34: {  	[smem:$0x3FB8] =	sst s10  }
0x35: {  	s10 =	sld [smem:$0x3FB7];
	_ =	sdelay $0x3  }
0x36: {  	p1 =	seq.s32 s10, $0x1;
	s10 =	sld [smem:$0x3FB8];
	_ =	sdelay $0x3  }
0x37: {  	[smem:$0x3FB8] =	sst s10  }
0x38: {  	s10 =	sld [smem:$0x3FB9]  }
0x39: {  	_ = 	snop;
	(pc) =	sbr.ind lr, $3  }
0x3a: {  	_ = 	snop  }
0x3b: {  	_ = 	snop  }
0x3c: {  	p2 =	seq.s32 s10, $0x1;
	s10 =	sld [smem:$0x3FB8]  }
0x3d: {  	_ =	shalt  }
0x3e: {  	_ =	shalt  }
0x3f: {  	_ =	shalt  }
0x40: {  	_ =	shalt  }
0x41: {  	_ =	shalt  }
0x42: {  	_ =	shalt  }
0x43: {  	_ =	shalt  }
0x44: {  	_ =	shalt  }
0x45: {  	_ =	shalt  }
0x46: {  	_ =	shalt  }
0x47: {  	_ =	shalt  }
0x48: {  	_ =	shalt  }
0x49: {  	_ =	shalt  }
0x4a: {  	_ =	shalt  }
0x4b: {  	_ =	shalt  }
0x4c: {  	_ =	shalt  }
0x4d: {  	_ =	shalt  }
0x4e: {  	_ =	shalt  }
0x4f: {  	_ =	shalt  }
0x50: {  	_ =	shalt  }
0x51: {  	_ =	shalt  }
0x52: {  	_ =	shalt  }
0x53: {  	_ =	shalt  }
0x54: {  	_ =	shalt  }
0x55: {  	_ =	shalt  }
0x56: {  	_ =	shalt  }
0x57: {  	_ =	shalt  }
0x58: {  	_ =	shalt  }
0x59: {  	_ =	shalt  }
0x5a: {  	_ =	shalt  }
0x5b: {  	_ =	shalt  }
0x5c: {  	_ =	shalt  }
0x5d: {  	_ =	shalt  }
0x5e: {  	_ =	shalt  }
0x5f: {  	_ =	shalt  }
0x60: {  	_ =	shalt  }
0x61: {  	_ =	shalt  }
0x62: {  	_ =	shalt  }
0x63: {  	_ =	shalt  }
0x64: {  	_ =	shalt  }
0x65: {  	_ =	shalt  }
0x66: {  	_ =	shalt  }
0x67: {  	_ =	shalt  }
0x68: {  	_ =	shalt  }
0x69: {  	_ =	shalt  }
0x6a: {  	_ =	shalt  }
0x6b: {  	_ =	shalt  }
0x6c: {  	_ =	shalt  }
0x6d: {  	_ =	shalt  }
0x6e: {  	_ =	shalt  }
0x6f: {  	_ =	shalt  }
0x70: {  	_ =	shalt  }
0x71: {  	_ =	shalt  }
0x72: {  	_ =	shalt  }
0x73: {  	_ =	shalt  }
0x74: {  	_ =	shalt  }
0x75: {  	_ =	shalt  }
0x76: {  	_ =	shalt  }
0x77: {  	_ =	shalt  }
0x78: {  	_ =	shalt  }
0x79: {  	_ =	shalt  }
0x7a: {  	_ =	shalt  }
0x7b: {  	_ =	shalt  }
0x7c: {  	_ =	shalt  }
0x7d: {  	_ =	shalt  }
0x7e: {  	_ =	shalt  }
0x7f: {  	_ =	shalt  }
0x80: {  	_ =	shalt  }
0x81: {  	_ =	shalt  }
0x82: {  	_ =	shalt  }
0x83: {  	_ =	shalt  }
0x84: {  	_ =	shalt  }
0x85: {  	_ =	shalt  }
0x86: {  	_ =	shalt  }
0x87: {  	_ =	shalt  }
.Lfunc_end0:
.L_simem_size_0:
called_computation.2_lowered:
.L_overlay_start_0:
0x88: {  	s2 =	sld [smem:$0x3FD9]  }
0x89: {  	s3 =	sld [smem:$0x3FFE];
	_ =	sdelay $0x1  }
0x8a: {  	s1 =	srdreg.scid  }
0x8b: {  	s0 =	sand.u32 $0x1, s1  }
0x8c: {  	s17 =	sshll.u32 s0, $0xA;
	s2 =	sadd.s32 s3, s2  }
0x8d: {  	s2 =	sadd.s32 s2, s17  }
0x8e: {  	[smem:$0x3FC4] =	sst s2  }
0x8f: {  	_ = 	snop  }
0x90: {  	s2 =	sld [smem:$0x3FD0];
	(tm) =	ssettm $0x1  }
0x91: {  	s18 =	sld [smem:$0x3FFB];
	_ =	sdelay $0x3  }
0x92: {  	_ =	strace s18  }
0x93: {  	s3 =	sld [smem:$0x3FFC];
	_ =	sdelay $0x3  }
0x94: {  	_ =	strace s3  }
0x95: {  	s3 =	sld [smem:$0x3FFD];
	_ =	sdelay $0x3  }
0x96: {  	_ =	strace s3  }
0x97: {  	_ =	strace $0x8FFFFFFF  }
0x98: {  	s19 =	sld [smem:$0x3FDB];
	_ =	sdelay $0x1  }
0x99: {  	s4 =	simm.s32 $_scs_section_size  }
0x9a: {  	s5 =	simm.s32 $_size__tile_overlayer_lowered;
	s6 =	simm.s32 $_tile_overlayer_lowered  }
0x9b: {  	s22 =	simm.s32 $0x1BFF;
	s21 =	sshll.u32 s6, $0x1;
	s3 =	sadd.s32 s4, s19  }
0x9c: {  	s7 =	simm.s32 $0x0;
	s20 =	sshll.u32 s5, $0x1;
	s5 =	sadd.s32 s21, s3  }
0x9d: {  	[timem:s7], [sflag:s22] =	dma.local [hbm:s5], s20  }
0x9e: {  	_ =	swait.ge [sflag:s22], s20  }
0x9f: {  	s4 =	ssub.s32 $0x0, s20;
	[sflag:s22] =	ssyncset.done $0x0  }
0xa0: {  	[sflag:s22] =	ssyncadd.s32 s4;
	_ =	sdelay $0x1  }
0xa1: {  	s23 =	simm.s32 $0x1B8B  }
0xa2: {  	_ =	swait.ge [sflag:s23], $0x1  }
0xa3: {  	[sflag:s23] =	ssyncset.done $0x0  }
0xa4: {  	s25 =	simm.s32 $0x1B8E;
	s24 =	sld [smem:$0x3FFE];
	[sflag:s23] =	ssyncadd.s32 $0xFFFFFFFF  }
0xa5: {  	s26 =	simm.s32 $execute0_lowered;
	[smem:$0x3FD2] =	sst s25  }
0xa6: {  	s5 =	sshll.u32 s26, $0x1;
	_ =	strace $0x8000004C;
	[dreg:$0x1] =	wrdreg $0xFFFFFFFF  }
0xa7: {  	s28 =	simm.s32 $_size_execute0_lowered;
	s3 =	sadd.s32 s3, s5;
	[dreg:$0x0] =	wrdreg $0x0  }
0xa8: {  	s5 =	sshll.u32 s28, $0x1;
	[dreg:$0x2] =	wrdreg s3  }
0xa9: {  	[dreg:$0x3] =	wrdreg s5  }
0xaa: {  	[dreg:$0x4] =	wrdreg $0xC0  }
0xab: {  	_ =	task [dreg:s7], $0x5FFFF  }
0xac: {  	[dreg:$0x1] =	wrdreg $0xFFFFFFFF  }
0xad: {  	[dreg:$0x0] =	wrdreg $0x60  }
0xae: {  	[dreg:$0x2] =	wrdreg s24  }
0xaf: {  	[dreg:$0x3] =	wrdreg s2  }
0xb0: {  	[dreg:$0x4] =	wrdreg $0x0  }
0xb1: {  	[dreg:$0x5] =	wrdreg $0xA0000  }
0xb2: {  	[dreg:$0x6] =	wrdreg $0x9  }
0xb3: {  	_ =	task.clear_ibuf [dreg:s7], $0x7FFFF;
	_ =	strace $0x9000004C  }
0xb4: {  	s29 =	simm.s32 $0x9;
	_ =	strace $0x8000004E  }
0xb5: {  	_ =	swait.ge [sflag:s29], $0x1  }
0xb6: {  	[sflag:s29] =	ssyncadd.s32 $0xFFFFFFFF  }
0xb7: {  	_ =	strace $0x9000004E  }
0xb8: {  	_ =	sfence  }
0xb9: {  	s30 =	sld [smem:$0x0];
	_ =	sdelay $0x2  }
0xba: {  	s31 =	sshll.u32 s1, $0xD;
	s1 =	sshrl.u32 s1, $0x2  }
0xbb: {  	s3 =	sand.u32 $0x4000, s31;
	s1 =	sadd.s32 s1, s30  }
0xbc: {  	s0 =	sor.u32 s3, s0;
	s1 =	sshll.u32 s1, $0x11  }
0xbd: {  	s0 =	sor.u32 s1, s0  }
0xbe: {  	s0 =	sadd.s32 $0x8F2B, s0  }
0xbf: {  	[sflag:s0] =	ssyncadd.remote.s32 $0x1  }
0xc0: {  	_ =	sfence.sel $0xFFFF  }
0xc1: {  	[dreg:$0x0] =	wrdreg $0xFFFFFFFF;
	(pc) =	sbr.abs _section_cstart, $3  }
0xc2: {  	[dreg:$0x1] =	wrdreg $0xFFFFFFFF  }
0xc3: {  	_ =	task.clear_ibuf [dreg:s7], $0x2FFFF;
	_ =	strace $0x9FFFFFFF  }
0xc4: {  	(tm) =	ssettm $0x7FFFFFFF  }
0xc5: {  	_ =	shalt  }
tec
execute0_lowered:
.L_overlay_start_1:
0x0: {  	(tag) =	ssettag $0x1  }
0x1: {  	s0 =	rddreg [dreg:$0x0]  }
0x2: {  	s1 =	rddreg [dreg:$0x1]  }
0x3: {  	s2 =	rddreg [dreg:$0x2]  }
0x4: {  	s3 =	rddreg [dreg:$0x3];
	s11 =	stileid.u32  }
0x5: {  	s6 =	srdreg.scid;
	s4 =	simm.s32 $0x0;
	s28 =	simm.s32 $0x1  }
0x6: {  	s29 =	simm.s32 $0x1A800;
	s30 =	simm.s32 $0x2;
	s5 =	smul.u32 $0x14000, s11  }
0x7: {  	s31 =	simm.s32 $0x15380;
	s6 =	sand.u32 $0x1, s6;
	s10 =	smul.u32 $0x50, s11  }
0x8: {  	[smem:$0x7FF] =	sst s4;
	s12 =	sadd.s32 $0x1A00, s0;
	s19 =	smul.u32 $0x50000, s11  }
0x9: {  	s22 =	sshll.u32 s11, $0x6;
	s8 =	smul.u32 $0x280000, s6;
	_ =	strace $0x8000004D  }
0xa: {  	s18 =	ssub.s32 $0x2, s6;
	s6 =	smul.u32 $0x500, s6;
	s7 =	sshrl.u32 s5, $0x3  }
0xb: {  	s9 =	sshrl.u32 s18, $0x1;
	s20 =	sadd.s32 s5, s2;
	s23 =	sshrl.u32 s19, $0x2  }
0xc: {  	s25 =	sadd.s32 s5, s3;
	s13 =	sadd.s32 s7, s0;
	s17 =	sadd.s32 s5, s8  }
0xd: {  	s14 =	ssub.s32 s18, s9;
	[dreg:$0x5] =	wrdreg s20;
	s6 =	sadd.s32 s10, s6  }
0xe: {  	s8 =	sadd.s32 s23, s3;
	[dreg:$0x8] =	wrdreg s25;
	s23 =	simm.s32 $0x16800  }
0xf: {  	s25 =	simm.s32 $0x15400;
	s7 =	sshrl.u32 s17, $0x3;
	s21 =	sadd.s32 $0xBA00, s13  }
0x10: {  	s6 =	sshll.u32 s6, $0x4;
	s26 =	sadd.s32 $0x33A00, s13;
	s17 =	smax.u32 s14, $0x1  }
0x11: {  	s18 =	sadd.s32 $0x4000, s8;
	s19 =	sadd.s32 $0x8000, s8;
	s20 =	sadd.s32 $0xC000, s8  }
0x12: {  	s0 =	sadd.s32 s7, s0;
	[dreg:$0x6] =	wrdreg s21;
	s7 =	sor.u32 $0x1C03, s22  }
0x13: {  	s15 =	sadd.s32 $0x280, s6;
	s9 =	sadd.s32 s1, s6;
	s10 =	sadd.s32 s12, s6  }
0x14: {  	[dreg:$0x9] =	wrdreg s26;
	s21 =	sadd.s32 $0x10000, s8;
	s22 =	simm.s32 $0x3  }
0x15: {  	s26 =	simm.s32 $0x80;
	s11 =	sadd.s32 s1, s15;
	s12 =	sadd.s32 s12, s15  }
0x16: {  	s24 =	sadd.s32 $0x5BA00, s0;
	s16 =	sadd.s32 $0x83A00, s0;
	s1 =	simm.s32 $0x16700  }
0x17: {  	v0 =	vimm.f32 $0.0e+00;
	s0 =	simm.s32 $0x16780;
	[dreg:$0x7] =	wrdreg s24;
	s24 =	simm.s32 $0x14000  }
.LBB2_1:
0x18: {  	s6 =	simm.s32 $0x200;
	s5 =	simm.s32 $0x0  }
.LBB2_2:
0x19: {  	p0 =	sne.s32 s6, $0xFE00;
	[tilespmem:s5+$0x16830] =	vst v0;
	s13 =	smov.u32 s6;
	s6 =	sadd.s32 $0x200, s6  }
.Ltmp0:
0x1a: {  	[tilespmem:s5+$0x16820] =	vst v0;
	(pc) =	sbr.rel @p0 .LBB2_2-.Ltmp0, $3  }
0x1b: {  	[tilespmem:s5+$0x16800] =	vst v0  }
0x1c: {  	[tilespmem:s5+$0x16810] =	vst v0;
	_ =	sdelay $0x1  }
0x1d: {  	s5 =	sshra.s32 s13, $0x2  }
0x1e: {  	[tilespmem:s5+$0x16830] =	vst v0  }
0x1f: {  	[tilespmem:s5+$0x16820] =	vst v0  }
0x20: {  	[tilespmem:s5+$0x16800] =	vst v0;
	s13 =	rddreg [dreg:$0x5]  }
0x21: {  	[tilespmem:s5+$0x16810] =	vst v0;
	s6 =	rddreg [dreg:$0x6];
	s5 =	sshrl.u32 s13, $0x3  }
0x22: {  	[spmem:s5], [sflag:s7] =	dma.local [hbm:s6], $0x2800  }
0x23: {  	_ =	swait.ge [sflag:s22], $0x2800  }
0x24: {  	[sflag:s22] =	ssyncset.done $0x0  }
0x25: {  	[sflag:s22] =	ssyncadd.s32 $0xFFFFD800  }
0x26: {  	[spmem:s8] =	stream.linear.scatter [tilespmem:s23], [sflag:$0x3], $0x4000, $0x38;
	[tilespmem:$0x1E800] =	vst v63  }
0x27: {  	_ =	swait.ge [sflag:s22], $0x4000  }
0x28: {  	[sflag:s22] =	ssyncset.done $0x0  }
0x29: {  	[sflag:s22] =	ssyncadd.s32 $0xFFFFC000  }
0x2a: {  	[spmem:s18] =	stream.linear.scatter [tilespmem:s23], [sflag:$0x3], $0x4000, $0x38;
	[tilespmem:$0x1E800] =	vst v63  }
0x2b: {  	_ =	swait.ge [sflag:s22], $0x4000  }
0x2c: {  	[sflag:s22] =	ssyncset.done $0x0  }
0x2d: {  	[sflag:s22] =	ssyncadd.s32 $0xFFFFC000  }
0x2e: {  	[spmem:s19] =	stream.linear.scatter [tilespmem:s23], [sflag:$0x3], $0x4000, $0x38;
	[tilespmem:$0x1E800] =	vst v63  }
0x2f: {  	_ =	swait.ge [sflag:s22], $0x4000  }
0x30: {  	[sflag:s22] =	ssyncset.done $0x0  }
0x31: {  	[sflag:s22] =	ssyncadd.s32 $0xFFFFC000  }
0x32: {  	[spmem:s20] =	stream.linear.scatter [tilespmem:s23], [sflag:$0x3], $0x4000, $0x38;
	[tilespmem:$0x1E800] =	vst v63  }
0x33: {  	_ =	swait.ge [sflag:s22], $0x4000  }
0x34: {  	[sflag:s22] =	ssyncset.done $0x0  }
0x35: {  	[sflag:s22] =	ssyncadd.s32 $0xFFFFC000  }
0x36: {  	[spmem:s21] =	stream.linear.scatter [tilespmem:s23], [sflag:$0x3], $0x4000, $0x38;
	[tilespmem:$0x1E800] =	vst v63  }
0x37: {  	_ =	swait.ge [sflag:s22], $0x4000  }
0x38: {  	[sflag:s22] =	ssyncset.done $0x0  }
0x39: {  	[sflag:s22] =	ssyncadd.s32 $0xFFFFC000  }
0x3a: {  	s14 =	simm.s32 $0x0;
	[bflag:$0x0] =	sbarrier.arrive $0xFFFF  }
0x3b: {  	[tilespmem:s24], [sflag:$0x3] =	stream.linear.gather [hbm4b:s9+s14], $0x1400, $0x38;
	[tilespmem:$0x1E800] =	vst v63  }
0x3c: {  	_ =	swait.ge [sflag:s22], $0x1400  }
0x3d: {  	[sflag:s22] =	ssyncset.done $0x0  }
0x3e: {  	[sflag:s22] =	ssyncadd.s32 $0xFFFFEC00  }
0x3f: {  	[tilespmem:s25], [sflag:$0x3] =	stream.linear.gather [hbm4b:s10+s14], $0x1400, $0x38;
	[tilespmem:$0x1E800] =	vst v63  }
0x40: {  	_ =	swait.ge [sflag:s22], $0x1400  }
0x41: {  	[sflag:s22] =	ssyncset.done $0x0  }
0x42: {  	[sflag:s22] =	ssyncadd.s32 $0xFFFFEC00  }
0x43: {  	[tilespmem:s23], [sflag:$0x1] =	stream.indirect.gather [spmem:s2], $0x40, s24, s26, $0xb8;
	[tilespmem:$0x1E800] =	vst v63  }
0x44: {  	_ =	swait.ge [sflag:s28], $0x2000  }
0x45: {  	[sflag:s28] =	ssyncset.done $0x0  }
0x46: {  	s15 =	simm.s32 $0x14080;
	[sflag:s28] =	ssyncadd.s32 $0xFFFFE000  }
0x47: {  	[tilespmem:s29], [sflag:$0x2] =	stream.indirect.gather [spmem:s2], $0x40, s15, s26, $0xb8;
	[tilespmem:$0x1E800] =	vst v63  }
0x48: {  	s13 =	simm.s32 $0x15400  }
0x49: {  	[spmem:s3] =	stream.indirect.scatter.add.f32 [tilespmem:s23], [sflag:$0x3], $0x40, s13, s26, $0xb8;
	[tilespmem:$0x1E800] =	vst v63  }
0x4a: {  	_ =	swait.ge [sflag:s22], $0x2000  }
0x4b: {  	[sflag:s22] =	ssyncset.done $0x0  }
0x4c: {  	[sflag:s22] =	ssyncadd.s32 $0xFFFFE000  }
0x4d: {  	_ =	swait.ge [sflag:s30], $0x2000  }
0x4e: {  	[sflag:s30] =	ssyncset.done $0x0  }
0x4f: {  	s14 =	simm.s32 $0x14100;
	[sflag:s30] =	ssyncadd.s32 $0xFFFFE000  }
0x50: {  	[tilespmem:s23], [sflag:$0x1] =	stream.indirect.gather [spmem:s2], $0x40, s14, s26, $0xb8;
	[tilespmem:$0x1E800] =	vst v63  }
0x51: {  	s15 =	simm.s32 $0x15480  }
0x52: {  	[spmem:s3] =	stream.indirect.scatter.add.f32 [tilespmem:s29], [sflag:$0x3], $0x40, s15, s26, $0xb8;
	[tilespmem:$0x1E800] =	vst v63  }
0x53: {  	_ =	swait.ge [sflag:s22], $0x2000  }
0x54: {  	s6 =	simm.s32 $0x400;
	[sflag:s22] =	ssyncset.done $0x0  }
.LBB2_4:
0x55: {  	p0 =	sne.s32 s6, $0x4800  }
0x56: {  	[sflag:s22] =	ssyncadd.s32 $0xFFFFE000;
	s13 =	smov.u32 s6;
	s6 =	sadd.s32 $0x400, s6  }
0x57: {  	_ = 	snop  }
0x58: {  	_ =	swait.ge [sflag:s28], $0x2000  }
0x59: {  	s13 =	sshra.s32 s13, $0x2;
	[sflag:s28] =	ssyncset.done $0x0  }
0x5a: {  	s14 =	sadd.s32 $0x14080, s13;
	[sflag:s28] =	ssyncadd.s32 $0xFFFFE000  }
0x5b: {  	[tilespmem:s29], [sflag:$0x2] =	stream.indirect.gather [spmem:s2], $0x40, s14, s26, $0xb8;
	[tilespmem:$0x1E800] =	vst v63  }
0x5c: {  	s14 =	sadd.s32 $0x15400, s13  }
0x5d: {  	[spmem:s3] =	stream.indirect.scatter.add.f32 [tilespmem:s23], [sflag:$0x3], $0x40, s14, s26, $0xb8;
	[tilespmem:$0x1E800] =	vst v63  }
0x5e: {  	_ =	swait.ge [sflag:s22], $0x2000  }
0x5f: {  	[sflag:s22] =	ssyncset.done $0x0  }
0x60: {  	[sflag:s22] =	ssyncadd.s32 $0xFFFFE000  }
0x61: {  	_ =	swait.ge [sflag:s30], $0x2000  }
0x62: {  	[sflag:s30] =	ssyncset.done $0x0  }
0x63: {  	s14 =	sadd.s32 $0x14100, s13;
	[sflag:s30] =	ssyncadd.s32 $0xFFFFE000  }
0x64: {  	[tilespmem:s23], [sflag:$0x1] =	stream.indirect.gather [spmem:s2], $0x40, s14, s26, $0xb8;
	[tilespmem:$0x1E800] =	vst v63  }
.Ltmp1:
0x65: {  	_ = 	snop;
	(pc) =	sbr.rel @p0 .LBB2_4-.Ltmp1, $4  }
0x66: {  	s13 =	sadd.s32 $0x15480, s13  }
0x67: {  	[spmem:s3] =	stream.indirect.scatter.add.f32 [tilespmem:s29], [sflag:$0x3], $0x40, s13, s26, $0xb8;
	[tilespmem:$0x1E800] =	vst v63  }
0x68: {  	_ =	swait.ge [sflag:s22], $0x2000  }
0x69: {  	[sflag:s22] =	ssyncset.done $0x0  }
0x6a: {  	[sflag:s22] =	ssyncadd.s32 $0xFFFFE000  }
0x6b: {  	_ =	swait.ge [sflag:s28], $0x2000  }
0x6c: {  	[sflag:s28] =	ssyncset.done $0x0  }
0x6d: {  	[sflag:s28] =	ssyncadd.s32 $0xFFFFE000  }
0x6e: {  	[tilespmem:s29], [sflag:$0x2] =	stream.indirect.gather [spmem:s2], $0x40, s31, s26, $0xb8;
	[tilespmem:$0x1E800] =	vst v63  }
0x6f: {  	_ = 	snop  }
0x70: {  	[spmem:s3] =	stream.indirect.scatter.add.f32 [tilespmem:s23], [sflag:$0x3], $0x40, s1, s26, $0xb8;
	[tilespmem:$0x1E800] =	vst v63  }
0x71: {  	_ =	swait.ge [sflag:s22], $0x2000  }
0x72: {  	[sflag:s22] =	ssyncset.done $0x0  }
0x73: {  	[sflag:s22] =	ssyncadd.s32 $0xFFFFE000  }
0x74: {  	_ =	swait.ge [sflag:s30], $0x2000  }
0x75: {  	[sflag:s30] =	ssyncset.done $0x0  }
0x76: {  	[sflag:s30] =	ssyncadd.s32 $0xFFFFE000  }
0x77: {  	[spmem:s3] =	stream.indirect.scatter.add.f32 [tilespmem:s29], [sflag:$0x3], $0x40, s0, s26, $0xb8;
	[tilespmem:$0x1E800] =	vst v63  }
0x78: {  	_ =	swait.ge [sflag:s22], $0x2000  }
0x79: {  	[sflag:s22] =	ssyncset.done $0x0  }
0x7a: {  	s6 =	simm.s32 $0x0;
	[sflag:s22] =	ssyncadd.s32 $0xFFFFE000  }
0x7b: {  	[tilespmem:s24], [sflag:$0x3] =	stream.linear.gather [hbm4b:s11+s6], $0x1400, $0x38;
	[tilespmem:$0x1E800] =	vst v63  }
0x7c: {  	_ =	swait.ge [sflag:s22], $0x1400  }
0x7d: {  	[sflag:s22] =	ssyncset.done $0x0  }
0x7e: {  	[sflag:s22] =	ssyncadd.s32 $0xFFFFEC00  }
0x7f: {  	[tilespmem:s25], [sflag:$0x3] =	stream.linear.gather [hbm4b:s12+s6], $0x1400, $0x38;
	[tilespmem:$0x1E800] =	vst v63  }
0x80: {  	_ =	swait.ge [sflag:s22], $0x1400  }
0x81: {  	[sflag:s22] =	ssyncset.done $0x0  }
0x82: {  	[sflag:s22] =	ssyncadd.s32 $0xFFFFEC00  }
0x83: {  	[tilespmem:s23], [sflag:$0x1] =	stream.indirect.gather [spmem:s2], $0x40, s24, s26, $0xb8;
	[tilespmem:$0x1E800] =	vst v63  }
0x84: {  	_ =	swait.ge [sflag:s28], $0x2000  }
0x85: {  	[sflag:s28] =	ssyncset.done $0x0  }
0x86: {  	s15 =	simm.s32 $0x14080;
	[sflag:s28] =	ssyncadd.s32 $0xFFFFE000  }
0x87: {  	[tilespmem:s29], [sflag:$0x2] =	stream.indirect.gather [spmem:s2], $0x40, s15, s26, $0xb8;
	[tilespmem:$0x1E800] =	vst v63  }
0x88: {  	s13 =	simm.s32 $0x15400  }
0x89: {  	[spmem:s3] =	stream.indirect.scatter.add.f32 [tilespmem:s23], [sflag:$0x3], $0x40, s13, s26, $0xb8;
	[tilespmem:$0x1E800] =	vst v63  }
0x8a: {  	_ =	swait.ge [sflag:s22], $0x2000  }
0x8b: {  	[sflag:s22] =	ssyncset.done $0x0  }
0x8c: {  	[sflag:s22] =	ssyncadd.s32 $0xFFFFE000  }
0x8d: {  	_ =	swait.ge [sflag:s30], $0x2000  }
0x8e: {  	[sflag:s30] =	ssyncset.done $0x0  }
0x8f: {  	s14 =	simm.s32 $0x14100;
	[sflag:s30] =	ssyncadd.s32 $0xFFFFE000  }
0x90: {  	[tilespmem:s23], [sflag:$0x1] =	stream.indirect.gather [spmem:s2], $0x40, s14, s26, $0xb8;
	[tilespmem:$0x1E800] =	vst v63  }
0x91: {  	s15 =	simm.s32 $0x15480  }
0x92: {  	[spmem:s3] =	stream.indirect.scatter.add.f32 [tilespmem:s29], [sflag:$0x3], $0x40, s15, s26, $0xb8;
	[tilespmem:$0x1E800] =	vst v63  }
0x93: {  	_ =	swait.ge [sflag:s22], $0x2000  }
0x94: {  	s6 =	simm.s32 $0x400;
	[sflag:s22] =	ssyncset.done $0x0  }
.LBB2_6:
0x95: {  	p0 =	sne.s32 s6, $0x4800  }
0x96: {  	[sflag:s22] =	ssyncadd.s32 $0xFFFFE000;
	s13 =	smov.u32 s6;
	s6 =	sadd.s32 $0x400, s6  }
0x97: {  	_ = 	snop  }
0x98: {  	_ =	swait.ge [sflag:s28], $0x2000  }
0x99: {  	s13 =	sshra.s32 s13, $0x2;
	[sflag:s28] =	ssyncset.done $0x0  }
0x9a: {  	s14 =	sadd.s32 $0x14080, s13;
	[sflag:s28] =	ssyncadd.s32 $0xFFFFE000  }
0x9b: {  	[tilespmem:s29], [sflag:$0x2] =	stream.indirect.gather [spmem:s2], $0x40, s14, s26, $0xb8;
	[tilespmem:$0x1E800] =	vst v63  }
0x9c: {  	s14 =	sadd.s32 $0x15400, s13  }
0x9d: {  	[spmem:s3] =	stream.indirect.scatter.add.f32 [tilespmem:s23], [sflag:$0x3], $0x40, s14, s26, $0xb8;
	[tilespmem:$0x1E800] =	vst v63  }
0x9e: {  	_ =	swait.ge [sflag:s22], $0x2000  }
0x9f: {  	[sflag:s22] =	ssyncset.done $0x0  }
0xa0: {  	[sflag:s22] =	ssyncadd.s32 $0xFFFFE000  }
0xa1: {  	_ =	swait.ge [sflag:s30], $0x2000  }
0xa2: {  	[sflag:s30] =	ssyncset.done $0x0  }
0xa3: {  	s14 =	sadd.s32 $0x14100, s13;
	[sflag:s30] =	ssyncadd.s32 $0xFFFFE000  }
0xa4: {  	[tilespmem:s23], [sflag:$0x1] =	stream.indirect.gather [spmem:s2], $0x40, s14, s26, $0xb8;
	[tilespmem:$0x1E800] =	vst v63  }
.Ltmp2:
0xa5: {  	_ = 	snop;
	(pc) =	sbr.rel @p0 .LBB2_6-.Ltmp2, $4  }
0xa6: {  	s13 =	sadd.s32 $0x15480, s13  }
0xa7: {  	[spmem:s3] =	stream.indirect.scatter.add.f32 [tilespmem:s29], [sflag:$0x3], $0x40, s13, s26, $0xb8;
	[tilespmem:$0x1E800] =	vst v63  }
0xa8: {  	_ =	swait.ge [sflag:s22], $0x2000  }
0xa9: {  	[sflag:s22] =	ssyncset.done $0x0  }
0xaa: {  	[sflag:s22] =	ssyncadd.s32 $0xFFFFE000  }
0xab: {  	_ =	swait.ge [sflag:s28], $0x2000  }
0xac: {  	[sflag:s28] =	ssyncset.done $0x0  }
0xad: {  	[sflag:s28] =	ssyncadd.s32 $0xFFFFE000  }
0xae: {  	[tilespmem:s29], [sflag:$0x2] =	stream.indirect.gather [spmem:s2], $0x40, s31, s26, $0xb8;
	[tilespmem:$0x1E800] =	vst v63  }
0xaf: {  	_ = 	snop  }
0xb0: {  	[spmem:s3] =	stream.indirect.scatter.add.f32 [tilespmem:s23], [sflag:$0x3], $0x40, s1, s26, $0xb8;
	[tilespmem:$0x1E800] =	vst v63  }
0xb1: {  	_ =	swait.ge [sflag:s22], $0x2000  }
0xb2: {  	[sflag:s22] =	ssyncset.done $0x0  }
0xb3: {  	[sflag:s22] =	ssyncadd.s32 $0xFFFFE000  }
0xb4: {  	_ =	swait.ge [sflag:s30], $0x2000  }
0xb5: {  	[sflag:s30] =	ssyncset.done $0x0  }
0xb6: {  	[sflag:s30] =	ssyncadd.s32 $0xFFFFE000  }
0xb7: {  	[spmem:s3] =	stream.indirect.scatter.add.f32 [tilespmem:s29], [sflag:$0x3], $0x40, s0, s26, $0xb8;
	[tilespmem:$0x1E800] =	vst v63  }
0xb8: {  	_ =	swait.ge [sflag:s22], $0x2000  }
0xb9: {  	[sflag:s22] =	ssyncset.done $0x0  }
0xba: {  	[sflag:s22] =	ssyncadd.s32 $0xFFFFE000  }
0xbb: {  	[bflag:$0x0] =	sbarrier.arrive $0xFFFF  }
0xbc: {  	s6 =	rddreg [dreg:$0x8]  }
0xbd: {  	s13 =	rddreg [dreg:$0x7];
	s6 =	sshrl.u32 s6, $0x3  }
0xbe: {  	[hbm:s13], [sflag:s7] =	dma.local [spmem:s6], $0x2800  }
0xbf: {  	_ =	swait.ge [sflag:s22], $0x2800  }
0xc0: {  	[sflag:s22] =	ssyncset.done $0x0  }
0xc1: {  	s14 =	simm.s32 $0x200;
	s13 =	simm.s32 $0x0;
	[sflag:s22] =	ssyncadd.s32 $0xFFFFD800  }
.LBB2_8:
0xc2: {  	p0 =	sne.s32 s14, $0xFE00;
	[tilespmem:s13+$0x16830] =	vst v0;
	s15 =	smov.u32 s14;
	s14 =	sadd.s32 $0x200, s14  }
.Ltmp3:
0xc3: {  	[tilespmem:s13+$0x16820] =	vst v0;
	(pc) =	sbr.rel @p0 .LBB2_8-.Ltmp3, $3  }
0xc4: {  	[tilespmem:s13+$0x16800] =	vst v0  }
0xc5: {  	[tilespmem:s13+$0x16810] =	vst v0;
	_ =	sdelay $0x1  }
0xc6: {  	s13 =	sshra.s32 s15, $0x2  }
0xc7: {  	[tilespmem:s13+$0x16830] =	vst v0  }
0xc8: {  	[tilespmem:s13+$0x16820] =	vst v0  }
0xc9: {  	[tilespmem:s13+$0x16800] =	vst v0  }
0xca: {  	[tilespmem:s13+$0x16810] =	vst v0;
	s15 =	rddreg [dreg:$0x9]  }
0xcb: {  	[spmem:s5], [sflag:s7] =	dma.local [hbm:s15], $0x2800  }
0xcc: {  	_ =	swait.ge [sflag:s22], $0x2800  }
0xcd: {  	[sflag:s22] =	ssyncset.done $0x0  }
0xce: {  	[sflag:s22] =	ssyncadd.s32 $0xFFFFD800  }
0xcf: {  	[spmem:s8] =	stream.linear.scatter [tilespmem:s23], [sflag:$0x3], $0x4000, $0x38;
	[tilespmem:$0x1E800] =	vst v63  }
0xd0: {  	_ =	swait.ge [sflag:s22], $0x4000  }
0xd1: {  	[sflag:s22] =	ssyncset.done $0x0  }
0xd2: {  	[sflag:s22] =	ssyncadd.s32 $0xFFFFC000  }
0xd3: {  	[spmem:s18] =	stream.linear.scatter [tilespmem:s23], [sflag:$0x3], $0x4000, $0x38;
	[tilespmem:$0x1E800] =	vst v63  }
0xd4: {  	_ =	swait.ge [sflag:s22], $0x4000  }
0xd5: {  	[sflag:s22] =	ssyncset.done $0x0  }
0xd6: {  	[sflag:s22] =	ssyncadd.s32 $0xFFFFC000  }
0xd7: {  	[spmem:s19] =	stream.linear.scatter [tilespmem:s23], [sflag:$0x3], $0x4000, $0x38;
	[tilespmem:$0x1E800] =	vst v63  }
0xd8: {  	_ =	swait.ge [sflag:s22], $0x4000  }
0xd9: {  	[sflag:s22] =	ssyncset.done $0x0  }
0xda: {  	[sflag:s22] =	ssyncadd.s32 $0xFFFFC000  }
0xdb: {  	[spmem:s20] =	stream.linear.scatter [tilespmem:s23], [sflag:$0x3], $0x4000, $0x38;
	[tilespmem:$0x1E800] =	vst v63  }
0xdc: {  	_ =	swait.ge [sflag:s22], $0x4000  }
0xdd: {  	[sflag:s22] =	ssyncset.done $0x0  }
0xde: {  	[sflag:s22] =	ssyncadd.s32 $0xFFFFC000  }
0xdf: {  	[spmem:s21] =	stream.linear.scatter [tilespmem:s23], [sflag:$0x3], $0x4000, $0x38;
	[tilespmem:$0x1E800] =	vst v63  }
0xe0: {  	_ =	swait.ge [sflag:s22], $0x4000  }
0xe1: {  	[sflag:s22] =	ssyncset.done $0x0  }
0xe2: {  	[sflag:s22] =	ssyncadd.s32 $0xFFFFC000  }
0xe3: {  	s14 =	simm.s32 $0x0;
	[bflag:$0x0] =	sbarrier.arrive $0xFFFF  }
0xe4: {  	[tilespmem:s24], [sflag:$0x3] =	stream.linear.gather [hbm4b:s9+s14], $0x1400, $0x38;
	[tilespmem:$0x1E800] =	vst v63  }
0xe5: {  	_ =	swait.ge [sflag:s22], $0x1400  }
0xe6: {  	[sflag:s22] =	ssyncset.done $0x0  }
0xe7: {  	[sflag:s22] =	ssyncadd.s32 $0xFFFFEC00  }
0xe8: {  	[tilespmem:s25], [sflag:$0x3] =	stream.linear.gather [hbm4b:s10+s14], $0x1400, $0x38;
	[tilespmem:$0x1E800] =	vst v63  }
0xe9: {  	_ =	swait.ge [sflag:s22], $0x1400  }
0xea: {  	[sflag:s22] =	ssyncset.done $0x0  }
0xeb: {  	[sflag:s22] =	ssyncadd.s32 $0xFFFFEC00  }
0xec: {  	[tilespmem:s23], [sflag:$0x1] =	stream.indirect.gather [spmem:s2], $0x40, s24, s26, $0xb8;
	[tilespmem:$0x1E800] =	vst v63  }
0xed: {  	_ =	swait.ge [sflag:s28], $0x2000  }
0xee: {  	[sflag:s28] =	ssyncset.done $0x0  }
0xef: {  	s15 =	simm.s32 $0x14080;
	[sflag:s28] =	ssyncadd.s32 $0xFFFFE000  }
0xf0: {  	[tilespmem:s29], [sflag:$0x2] =	stream.indirect.gather [spmem:s2], $0x40, s15, s26, $0xb8;
	[tilespmem:$0x1E800] =	vst v63  }
0xf1: {  	s13 =	simm.s32 $0x15400  }
0xf2: {  	[spmem:s3] =	stream.indirect.scatter.add.f32 [tilespmem:s23], [sflag:$0x3], $0x40, s13, s26, $0xb8;
	[tilespmem:$0x1E800] =	vst v63  }
0xf3: {  	_ =	swait.ge [sflag:s22], $0x2000  }
0xf4: {  	[sflag:s22] =	ssyncset.done $0x0  }
0xf5: {  	[sflag:s22] =	ssyncadd.s32 $0xFFFFE000  }
0xf6: {  	_ =	swait.ge [sflag:s30], $0x2000  }
0xf7: {  	[sflag:s30] =	ssyncset.done $0x0  }
0xf8: {  	s14 =	simm.s32 $0x14100;
	[sflag:s30] =	ssyncadd.s32 $0xFFFFE000  }
0xf9: {  	[tilespmem:s23], [sflag:$0x1] =	stream.indirect.gather [spmem:s2], $0x40, s14, s26, $0xb8;
	[tilespmem:$0x1E800] =	vst v63  }
0xfa: {  	s15 =	simm.s32 $0x15480  }
0xfb: {  	[spmem:s3] =	stream.indirect.scatter.add.f32 [tilespmem:s29], [sflag:$0x3], $0x40, s15, s26, $0xb8;
	[tilespmem:$0x1E800] =	vst v63  }
0xfc: {  	_ =	swait.ge [sflag:s22], $0x2000  }
0xfd: {  	s5 =	simm.s32 $0x400;
	[sflag:s22] =	ssyncset.done $0x0  }
.LBB2_10:
0xfe: {  	p0 =	sne.s32 s5, $0x4800  }
0xff: {  	[sflag:s22] =	ssyncadd.s32 $0xFFFFE000;
	s13 =	smov.u32 s5;
	s5 =	sadd.s32 $0x400, s5  }
0x100: {  	_ = 	snop  }
0x101: {  	_ =	swait.ge [sflag:s28], $0x2000  }
0x102: {  	s13 =	sshra.s32 s13, $0x2;
	[sflag:s28] =	ssyncset.done $0x0  }
0x103: {  	s14 =	sadd.s32 $0x14080, s13;
	[sflag:s28] =	ssyncadd.s32 $0xFFFFE000  }
0x104: {  	[tilespmem:s29], [sflag:$0x2] =	stream.indirect.gather [spmem:s2], $0x40, s14, s26, $0xb8;
	[tilespmem:$0x1E800] =	vst v63  }
0x105: {  	s14 =	sadd.s32 $0x15400, s13  }
0x106: {  	[spmem:s3] =	stream.indirect.scatter.add.f32 [tilespmem:s23], [sflag:$0x3], $0x40, s14, s26, $0xb8;
	[tilespmem:$0x1E800] =	vst v63  }
0x107: {  	_ =	swait.ge [sflag:s22], $0x2000  }
0x108: {  	[sflag:s22] =	ssyncset.done $0x0  }
0x109: {  	[sflag:s22] =	ssyncadd.s32 $0xFFFFE000  }
0x10a: {  	_ =	swait.ge [sflag:s30], $0x2000  }
0x10b: {  	[sflag:s30] =	ssyncset.done $0x0  }
0x10c: {  	s14 =	sadd.s32 $0x14100, s13;
	[sflag:s30] =	ssyncadd.s32 $0xFFFFE000  }
0x10d: {  	[tilespmem:s23], [sflag:$0x1] =	stream.indirect.gather [spmem:s2], $0x40, s14, s26, $0xb8;
	[tilespmem:$0x1E800] =	vst v63  }
.Ltmp4:
0x10e: {  	_ = 	snop;
	(pc) =	sbr.rel @p0 .LBB2_10-.Ltmp4, $4  }
0x10f: {  	s13 =	sadd.s32 $0x15480, s13  }
0x110: {  	[spmem:s3] =	stream.indirect.scatter.add.f32 [tilespmem:s29], [sflag:$0x3], $0x40, s13, s26, $0xb8;
	[tilespmem:$0x1E800] =	vst v63  }
0x111: {  	_ =	swait.ge [sflag:s22], $0x2000  }
0x112: {  	[sflag:s22] =	ssyncset.done $0x0  }
0x113: {  	[sflag:s22] =	ssyncadd.s32 $0xFFFFE000  }
0x114: {  	_ =	swait.ge [sflag:s28], $0x2000  }
0x115: {  	[sflag:s28] =	ssyncset.done $0x0  }
0x116: {  	[sflag:s28] =	ssyncadd.s32 $0xFFFFE000  }
0x117: {  	[tilespmem:s29], [sflag:$0x2] =	stream.indirect.gather [spmem:s2], $0x40, s31, s26, $0xb8;
	[tilespmem:$0x1E800] =	vst v63  }
0x118: {  	_ = 	snop  }
0x119: {  	[spmem:s3] =	stream.indirect.scatter.add.f32 [tilespmem:s23], [sflag:$0x3], $0x40, s1, s26, $0xb8;
	[tilespmem:$0x1E800] =	vst v63  }
0x11a: {  	_ =	swait.ge [sflag:s22], $0x2000  }
0x11b: {  	[sflag:s22] =	ssyncset.done $0x0  }
0x11c: {  	[sflag:s22] =	ssyncadd.s32 $0xFFFFE000  }
0x11d: {  	_ =	swait.ge [sflag:s30], $0x2000  }
0x11e: {  	[sflag:s30] =	ssyncset.done $0x0  }
0x11f: {  	[sflag:s30] =	ssyncadd.s32 $0xFFFFE000  }
0x120: {  	[spmem:s3] =	stream.indirect.scatter.add.f32 [tilespmem:s29], [sflag:$0x3], $0x40, s0, s26, $0xb8;
	[tilespmem:$0x1E800] =	vst v63  }
0x121: {  	_ =	swait.ge [sflag:s22], $0x2000  }
0x122: {  	[sflag:s22] =	ssyncset.done $0x0  }
0x123: {  	s5 =	simm.s32 $0x0;
	[sflag:s22] =	ssyncadd.s32 $0xFFFFE000  }
0x124: {  	[tilespmem:s24], [sflag:$0x3] =	stream.linear.gather [hbm4b:s11+s5], $0x1400, $0x38;
	[tilespmem:$0x1E800] =	vst v63  }
0x125: {  	_ =	swait.ge [sflag:s22], $0x1400  }
0x126: {  	[sflag:s22] =	ssyncset.done $0x0  }
0x127: {  	[sflag:s22] =	ssyncadd.s32 $0xFFFFEC00  }
0x128: {  	[tilespmem:s25], [sflag:$0x3] =	stream.linear.gather [hbm4b:s12+s5], $0x1400, $0x38;
	[tilespmem:$0x1E800] =	vst v63  }
0x129: {  	_ =	swait.ge [sflag:s22], $0x1400  }
0x12a: {  	[sflag:s22] =	ssyncset.done $0x0  }
0x12b: {  	[sflag:s22] =	ssyncadd.s32 $0xFFFFEC00  }
0x12c: {  	[tilespmem:s23], [sflag:$0x1] =	stream.indirect.gather [spmem:s2], $0x40, s24, s26, $0xb8;
	[tilespmem:$0x1E800] =	vst v63  }
0x12d: {  	_ =	swait.ge [sflag:s28], $0x2000  }
0x12e: {  	[sflag:s28] =	ssyncset.done $0x0  }
0x12f: {  	s15 =	simm.s32 $0x14080;
	[sflag:s28] =	ssyncadd.s32 $0xFFFFE000  }
0x130: {  	[tilespmem:s29], [sflag:$0x2] =	stream.indirect.gather [spmem:s2], $0x40, s15, s26, $0xb8;
	[tilespmem:$0x1E800] =	vst v63  }
0x131: {  	s13 =	simm.s32 $0x15400  }
0x132: {  	[spmem:s3] =	stream.indirect.scatter.add.f32 [tilespmem:s23], [sflag:$0x3], $0x40, s13, s26, $0xb8;
	[tilespmem:$0x1E800] =	vst v63  }
0x133: {  	_ =	swait.ge [sflag:s22], $0x2000  }
0x134: {  	[sflag:s22] =	ssyncset.done $0x0  }
0x135: {  	[sflag:s22] =	ssyncadd.s32 $0xFFFFE000  }
0x136: {  	_ =	swait.ge [sflag:s30], $0x2000  }
0x137: {  	[sflag:s30] =	ssyncset.done $0x0  }
0x138: {  	s14 =	simm.s32 $0x14100;
	[sflag:s30] =	ssyncadd.s32 $0xFFFFE000  }
0x139: {  	[tilespmem:s23], [sflag:$0x1] =	stream.indirect.gather [spmem:s2], $0x40, s14, s26, $0xb8;
	[tilespmem:$0x1E800] =	vst v63  }
0x13a: {  	s15 =	simm.s32 $0x15480  }
0x13b: {  	[spmem:s3] =	stream.indirect.scatter.add.f32 [tilespmem:s29], [sflag:$0x3], $0x40, s15, s26, $0xb8;
	[tilespmem:$0x1E800] =	vst v63  }
0x13c: {  	_ =	swait.ge [sflag:s22], $0x2000  }
0x13d: {  	s5 =	simm.s32 $0x400;
	[sflag:s22] =	ssyncset.done $0x0  }
.LBB2_12:
0x13e: {  	p0 =	sne.s32 s5, $0x4800  }
0x13f: {  	[sflag:s22] =	ssyncadd.s32 $0xFFFFE000;
	s13 =	smov.u32 s5;
	s5 =	sadd.s32 $0x400, s5  }
0x140: {  	_ = 	snop  }
0x141: {  	_ =	swait.ge [sflag:s28], $0x2000  }
0x142: {  	s13 =	sshra.s32 s13, $0x2;
	[sflag:s28] =	ssyncset.done $0x0  }
0x143: {  	s14 =	sadd.s32 $0x14080, s13;
	[sflag:s28] =	ssyncadd.s32 $0xFFFFE000  }
0x144: {  	[tilespmem:s29], [sflag:$0x2] =	stream.indirect.gather [spmem:s2], $0x40, s14, s26, $0xb8;
	[tilespmem:$0x1E800] =	vst v63  }
0x145: {  	s14 =	sadd.s32 $0x15400, s13  }
0x146: {  	[spmem:s3] =	stream.indirect.scatter.add.f32 [tilespmem:s23], [sflag:$0x3], $0x40, s14, s26, $0xb8;
	[tilespmem:$0x1E800] =	vst v63  }
0x147: {  	_ =	swait.ge [sflag:s22], $0x2000  }
0x148: {  	[sflag:s22] =	ssyncset.done $0x0  }
0x149: {  	[sflag:s22] =	ssyncadd.s32 $0xFFFFE000  }
0x14a: {  	_ =	swait.ge [sflag:s30], $0x2000  }
0x14b: {  	[sflag:s30] =	ssyncset.done $0x0  }
0x14c: {  	s14 =	sadd.s32 $0x14100, s13;
	[sflag:s30] =	ssyncadd.s32 $0xFFFFE000  }
0x14d: {  	[tilespmem:s23], [sflag:$0x1] =	stream.indirect.gather [spmem:s2], $0x40, s14, s26, $0xb8;
	[tilespmem:$0x1E800] =	vst v63  }
.Ltmp5:
0x14e: {  	_ = 	snop;
	(pc) =	sbr.rel @p0 .LBB2_12-.Ltmp5, $4  }
0x14f: {  	s13 =	sadd.s32 $0x15480, s13  }
0x150: {  	[spmem:s3] =	stream.indirect.scatter.add.f32 [tilespmem:s29], [sflag:$0x3], $0x40, s13, s26, $0xb8;
	[tilespmem:$0x1E800] =	vst v63  }
0x151: {  	_ =	swait.ge [sflag:s22], $0x2000  }
0x152: {  	[sflag:s22] =	ssyncset.done $0x0  }
0x153: {  	[sflag:s22] =	ssyncadd.s32 $0xFFFFE000  }
0x154: {  	_ =	swait.ge [sflag:s28], $0x2000  }
0x155: {  	[sflag:s28] =	ssyncset.done $0x0  }
0x156: {  	[sflag:s28] =	ssyncadd.s32 $0xFFFFE000  }
0x157: {  	[tilespmem:s29], [sflag:$0x2] =	stream.indirect.gather [spmem:s2], $0x40, s31, s26, $0xb8;
	[tilespmem:$0x1E800] =	vst v63  }
0x158: {  	_ = 	snop  }
0x159: {  	[spmem:s3] =	stream.indirect.scatter.add.f32 [tilespmem:s23], [sflag:$0x3], $0x40, s1, s26, $0xb8;
	[tilespmem:$0x1E800] =	vst v63  }
0x15a: {  	_ =	swait.ge [sflag:s22], $0x2000  }
0x15b: {  	[sflag:s22] =	ssyncset.done $0x0  }
0x15c: {  	[sflag:s22] =	ssyncadd.s32 $0xFFFFE000  }
0x15d: {  	_ =	swait.ge [sflag:s30], $0x2000  }
0x15e: {  	[sflag:s30] =	ssyncset.done $0x0  }
0x15f: {  	[sflag:s30] =	ssyncadd.s32 $0xFFFFE000  }
0x160: {  	[spmem:s3] =	stream.indirect.scatter.add.f32 [tilespmem:s29], [sflag:$0x3], $0x40, s0, s26, $0xb8;
	[tilespmem:$0x1E800] =	vst v63  }
0x161: {  	_ =	swait.ge [sflag:s22], $0x2000  }
0x162: {  	s4 =	sadd.s32 $0x1, s4;
	[sflag:s22] =	ssyncset.done $0x0  }
0x163: {  	p0 =	sne.s32 s4, s17;
	[sflag:s22] =	ssyncadd.s32 $0xFFFFE000  }
.Ltmp6:
0x164: {  	[bflag:$0x0] =	sbarrier.arrive $0xFFFF;
	(pc) =	sbr.rel @p0 .LBB2_1-.Ltmp6, $4  }
0x165: {  	[hbm:s16], [sflag:s7] =	dma.local [spmem:s6], $0x2800  }
0x166: {  	_ =	swait.ge [sflag:s22], $0x2800  }
0x167: {  	[sflag:s22] =	ssyncset.done $0x0  }
0x168: {  	[sflag:s22] =	ssyncadd.s32 $0xFFFFD800  }
0x169: {  	_ =	sfence.sel $0x180000  }
0x16a: {  	[bflag:$0x0] =	sbarrier.arrive $0xFFFF  }
0x16b: {  	_ =	strace $0x9000004D  }
0x16c: {  	s0 =	stileid.u32;
	[bflag:$0x2] =	sbarrier.arrive $0xFFFF  }
0x16d: {  	p0 =	sne.s32 s0, $0x0;
	s0 =	rddreg [dreg:$0x4]  }
0x16e: {  	s0 =	sadd.s32 @!p0 $0x100000, s0  }
0x16f: {  	[sflag:s0] =	ssyncadd.tile.s32 @!p0 $0x1;
	_ =	shalt  }
.Lfunc_end2:
_tile_overlayer_lowered:
.L_overlay_start_2:
0x170: {  	(tag) =	ssettag $0x2  }
0x171: {  	s0 =	rddreg [dreg:$0x0];
	s2 =	stileid.u32  }
0x172: {  	s1 =	rddreg [dreg:$0x1];
	p0 =	sne.s32 s2, $0x0  }
0x173: {  	s3 =	rddreg [dreg:$0x2];
	[bflag:$0x3] =	sbarrier.arrive $0xFFFF;
	s2 =	simm.s32 @!p0 $0x1C03  }
0x174: {  	[timem:s3], [sflag:s2] =	dma.local @!p0 [hbm:s0], s1  }
0x175: {  	s0 =	simm.s32 @!p0 $0x3  }
0x176: {  	_ =	swait.ge @!p0 [sflag:s0], s1  }
0x177: {  	s1 =	ssub.s32 @!p0 $0x0, s1;
	[sflag:s0] =	ssyncset.done @!p0 $0x0  }
0x178: {  	[sflag:s0] =	ssyncadd.s32 @!p0 s1  }
0x179: {  	[bflag:$0x3] =	sbarrier.arrive $0xFFFF  }
0x17a: {  	_ =	shalt  }

// kernel: kernel.8.cloned.1.call-start
scs
__scs_entry_jumppad:
0x0: {  	(pc) =	sbr.rel $0x88, $3  }
0x1: {  	(tag) =	ssettag $0x0;
	lr =	simm.s32 $0x1  }
0x2: {  	[smem:$0x3F9D] =	sst lr;
	_ =	strace $0xD0000000  }
0x3: {  	_ = 	snop  }
0x4: {  	_ = 	snop  }
0x5: {  	_ = 	snop  }
0x6: {  	_ = 	snop  }
0x7: {  	_ = 	snop  }
__scs_overlays_trampoline_lowered:
0x8: {  	[smem:$0x3FAC] =	sst s0  }
0x9: {  	[smem:$0x3FAD] =	sst s1  }
0xa: {  	[smem:$0x3FAE] =	sst s2  }
0xb: {  	[smem:$0x3FAF] =	sst s3  }
0xc: {  	[smem:$0x3FB0] =	sst s4  }
0xd: {  	[smem:$0x3FB1] =	sst s5  }
0xe: {  	[smem:$0x3FB2] =	sst s6  }
0xf: {  	[smem:$0x3FB3] =	sst s7  }
0x10: {  	[smem:$0x3FB4] =	sst s8  }
0x11: {  	[smem:$0x3FB5] =	sst s9;
	s0 =	simm.s32 @!p0 $0x0  }
0x12: {  	s1 =	sld [smem:$0x3F9B];
	s0 =	simm.s32 @p0 $0x1  }
0x13: {  	[smem:$0x3FB6] =	sst s0;
	s0 =	simm.s32 @!p1 $0x0  }
0x14: {  	s2 =	sld [smem:$0x3F9A];
	s0 =	simm.s32 @p1 $0x1  }
0x15: {  	[smem:$0x3FB7] =	sst s0;
	s0 =	simm.s32 @!p2 $0x0  }
0x16: {  	s3 =	sld [smem:$0x3FDB];
	s0 =	simm.s32 @p2 $0x1  }
0x17: {  	s4 =	simm.s32 $0x1BF5;
	[smem:$0x3FB9] =	sst s0  }
0x18: {  	s0 =	sld [smem:$0x3F9C];
	_ =	swait.ge [sflag:s4], $0x0  }
0x19: {  	s7 =	sld [smem:$0x3F9D]  }
0x1a: {  	s8 =	sadd.s32 $0xFFFFE003, lr  }
0x1b: {  	s9 =	sadd.s32 $0xFFFFFEF7, lr;
	s5 =	simm.s32 $0xFFFFFFFF;
	p2 =	slt.u32 s8, $0xFFFFF086  }
0x1c: {  	p1 =	slt.u32 s9, $0xF7A;
	s5 =	simm.s32 @!p2 $0x0  }
0x1d: {  	s5 =	simm.s32 @p1 $0x1;
	p0 =	seq.s32 s7, s2  }
0x1e: {  	s7 =	smul.u32 @!p0 $0xF7A, s2;
	p2 =	seq.s32 @!p0 s5, $0x0  }
0x1f: {  	s9 =	smul.u32 $0xF7A, s1;
	s8 =	simm.s32 @!p0 $0x1BF5;
	p2 =	por !p2, p0  }
0x20: {  	[sflag:s8] =	ssyncset.s32 @!p0 $0xFFFFF086;
	s6 =	sadd.s32 @!p0 s3, s7;
	s7 =	simm.s32 @!p0 $0x108  }
0x21: {  	s3 =	sadd.s32 s3, s9;
	s6 =	sadd.s32 @!p0 $0x88, s6;
	s7 =	simm.s32 @p2 $0x1082  }
0x22: {  	[simem:s7], [sflag:s8] =	dma.local @!p0 [hbm:s6], $0xF7A  }
0x23: {  	s9 =	sor.u32 $0xD0000000, s2;
	s6 =	simm.s32 $0x108;
	_ =	swait.ge @!p0 [sflag:s8], $0x0  }
0x24: {  	s3 =	sadd.s32 $0x88, s3;
	s6 =	simm.s32 @!p1 $0x1082;
	[sflag:s4] =	ssyncset.s32 $0xFFFFF086  }
0x25: {  	[simem:s6], [sflag:s4] =	dma.local [hbm:s3], $0xF7A  }
0x26: {  	[smem:$0x3F9D] =	sst s1;
	(tag) =	ssettag s2;
	_ =	strace s9  }
0x27: {  	s1 =	sld [smem:$0x3FAD]  }
0x28: {  	s2 =	sld [smem:$0x3FAE]  }
0x29: {  	s4 =	sld [smem:$0x3FB0]  }
0x2a: {  	p0 =	seq.s32 s5, $0x0;
	s5 =	sld [smem:$0x3FB1]  }
0x2b: {  	s6 =	sld [smem:$0x3FB2]  }
0x2c: {  	s7 =	sld [smem:$0x3FB3]  }
0x2d: {  	s3 =	simm.s32 $0x108;
	s8 =	sld [smem:$0x3FB4]  }
0x2e: {  	s3 =	simm.s32 @!p0 $0x1082;
	s9 =	sld [smem:$0x3FB5]  }
0x2f: {  	lr =	sadd.s32 s0, s3;
	s0 =	sld [smem:$0x3FAC]  }
0x30: {  	s3 =	sld [smem:$0x3FAF]  }
0x31: {  	[smem:$0x3FB8] =	sst s10  }
0x32: {  	s10 =	sld [smem:$0x3FB6];
	_ =	sdelay $0x3  }
0x33: {  	p0 =	seq.s32 s10, $0x1;
	s10 =	sld [smem:$0x3FB8];
	_ =	sdelay $0x3  }
0x34: {  	[smem:$0x3FB8] =	sst s10  }
0x35: {  	s10 =	sld [smem:$0x3FB7];
	_ =	sdelay $0x3  }
0x36: {  	p1 =	seq.s32 s10, $0x1;
	s10 =	sld [smem:$0x3FB8];
	_ =	sdelay $0x3  }
0x37: {  	[smem:$0x3FB8] =	sst s10  }
0x38: {  	s10 =	sld [smem:$0x3FB9]  }
0x39: {  	_ = 	snop;
	(pc) =	sbr.ind lr, $3  }
0x3a: {  	_ = 	snop  }
0x3b: {  	_ = 	snop  }
0x3c: {  	p2 =	seq.s32 s10, $0x1;
	s10 =	sld [smem:$0x3FB8]  }
0x3d: {  	_ =	shalt  }
0x3e: {  	_ =	shalt  }
0x3f: {  	_ =	shalt  }
0x40: {  	_ =	shalt  }
0x41: {  	_ =	shalt  }
0x42: {  	_ =	shalt  }
0x43: {  	_ =	shalt  }
0x44: {  	_ =	shalt  }
0x45: {  	_ =	shalt  }
0x46: {  	_ =	shalt  }
0x47: {  	_ =	shalt  }
0x48: {  	_ =	shalt  }
0x49: {  	_ =	shalt  }
0x4a: {  	_ =	shalt  }
0x4b: {  	_ =	shalt  }
0x4c: {  	_ =	shalt  }
0x4d: {  	_ =	shalt  }
0x4e: {  	_ =	shalt  }
0x4f: {  	_ =	shalt  }
0x50: {  	_ =	shalt  }
0x51: {  	_ =	shalt  }
0x52: {  	_ =	shalt  }
0x53: {  	_ =	shalt  }
0x54: {  	_ =	shalt  }
0x55: {  	_ =	shalt  }
0x56: {  	_ =	shalt  }
0x57: {  	_ =	shalt  }
0x58: {  	_ =	shalt  }
0x59: {  	_ =	shalt  }
0x5a: {  	_ =	shalt  }
0x5b: {  	_ =	shalt  }
0x5c: {  	_ =	shalt  }
0x5d: {  	_ =	shalt  }
0x5e: {  	_ =	shalt  }
0x5f: {  	_ =	shalt  }
0x60: {  	_ =	shalt  }
0x61: {  	_ =	shalt  }
0x62: {  	_ =	shalt  }
0x63: {  	_ =	shalt  }
0x64: {  	_ =	shalt  }
0x65: {  	_ =	shalt  }
0x66: {  	_ =	shalt  }
0x67: {  	_ =	shalt  }
0x68: {  	_ =	shalt  }
0x69: {  	_ =	shalt  }
0x6a: {  	_ =	shalt  }
0x6b: {  	_ =	shalt  }
0x6c: {  	_ =	shalt  }
0x6d: {  	_ =	shalt  }
0x6e: {  	_ =	shalt  }
0x6f: {  	_ =	shalt  }
0x70: {  	_ =	shalt  }
0x71: {  	_ =	shalt  }
0x72: {  	_ =	shalt  }
0x73: {  	_ =	shalt  }
0x74: {  	_ =	shalt  }
0x75: {  	_ =	shalt  }
0x76: {  	_ =	shalt  }
0x77: {  	_ =	shalt  }
0x78: {  	_ =	shalt  }
0x79: {  	_ =	shalt  }
0x7a: {  	_ =	shalt  }
0x7b: {  	_ =	shalt  }
0x7c: {  	_ =	shalt  }
0x7d: {  	_ =	shalt  }
0x7e: {  	_ =	shalt  }
0x7f: {  	_ =	shalt  }
0x80: {  	_ =	shalt  }
0x81: {  	_ =	shalt  }
0x82: {  	_ =	shalt  }
0x83: {  	_ =	shalt  }
0x84: {  	_ =	shalt  }
0x85: {  	_ =	shalt  }
0x86: {  	_ =	shalt  }
0x87: {  	_ =	shalt  }
.Lfunc_end0:
.L_simem_size_0:
called_computation_lowered:
.L_overlay_start_0:
0x88: {  	s2 =	sld [smem:$0x3FD9]  }
0x89: {  	s3 =	sld [smem:$0x3FFE];
	_ =	sdelay $0x1  }
0x8a: {  	s1 =	srdreg.scid  }
0x8b: {  	s0 =	sand.u32 $0x1, s1  }
0x8c: {  	s16 =	sshll.u32 s0, $0xA;
	s2 =	sadd.s32 s3, s2  }
0x8d: {  	s2 =	sadd.s32 s2, s16  }
0x8e: {  	[smem:$0x3FC4] =	sst s2  }
0x8f: {  	_ = 	snop  }
0x90: {  	(tm) =	ssettm $0x1  }
0x91: {  	s17 =	sld [smem:$0x3FFB];
	_ =	sdelay $0x3  }
0x92: {  	_ =	strace s17  }
0x93: {  	s2 =	sld [smem:$0x3FFC];
	_ =	sdelay $0x3  }
0x94: {  	_ =	strace s2  }
0x95: {  	s2 =	sld [smem:$0x3FFD];
	_ =	sdelay $0x3  }
0x96: {  	_ =	strace s2  }
0x97: {  	_ =	strace $0x8FFFFFFF  }
0x98: {  	s18 =	sld [smem:$0x3FDB];
	_ =	sdelay $0x1  }
0x99: {  	s19 =	simm.s32 $_scs_section_size  }
0x9a: {  	s4 =	simm.s32 $_size__tile_overlayer_lowered;
	s5 =	simm.s32 $_tile_overlayer_lowered  }
0x9b: {  	s22 =	simm.s32 $0x1BFF;
	s21 =	sshll.u32 s5, $0x1;
	s2 =	sadd.s32 s19, s18  }
0x9c: {  	s6 =	simm.s32 $0x0;
	s20 =	sshll.u32 s4, $0x1;
	s4 =	sadd.s32 s21, s2  }
0x9d: {  	[timem:s6], [sflag:s22] =	dma.local [hbm:s4], s20  }
0x9e: {  	_ =	swait.ge [sflag:s22], s20  }
0x9f: {  	s3 =	ssub.s32 $0x0, s20;
	[sflag:s22] =	ssyncset.done $0x0  }
0xa0: {  	[sflag:s22] =	ssyncadd.s32 s3;
	_ =	sdelay $0x1  }
0xa1: {  	s23 =	simm.s32 $0x1B8B  }
0xa2: {  	_ =	swait.ge [sflag:s23], $0x1  }
0xa3: {  	[sflag:s23] =	ssyncset.done $0x0  }
0xa4: {  	s25 =	simm.s32 $0x1B8E;
	s24 =	sld [smem:$0x3FFE];
	[sflag:s23] =	ssyncadd.s32 $0xFFFFFFFF  }
0xa5: {  	s26 =	simm.s32 $execute0_lowered;
	[smem:$0x3FD2] =	sst s25  }
0xa6: {  	s4 =	sshll.u32 s26, $0x1;
	_ =	strace $0x80000046;
	[dreg:$0x1] =	wrdreg $0xFFFFFFFF  }
0xa7: {  	s28 =	simm.s32 $_size_execute0_lowered;
	s2 =	sadd.s32 s2, s4;
	[dreg:$0x0] =	wrdreg $0x0  }
0xa8: {  	s4 =	sshll.u32 s28, $0x1;
	[dreg:$0x2] =	wrdreg s2  }
0xa9: {  	[dreg:$0x3] =	wrdreg s4  }
0xaa: {  	[dreg:$0x4] =	wrdreg $0xC0  }
0xab: {  	_ =	task [dreg:s6], $0x5FFFF  }
0xac: {  	[dreg:$0x1] =	wrdreg $0xFFFFFFFF  }
0xad: {  	[dreg:$0x0] =	wrdreg $0x60  }
0xae: {  	[dreg:$0x2] =	wrdreg s24  }
0xaf: {  	[dreg:$0x3] =	wrdreg $0x0  }
0xb0: {  	[dreg:$0x4] =	wrdreg $0x9  }
0xb1: {  	_ =	task.clear_ibuf [dreg:s6], $0x5FFFF;
	_ =	strace $0x90000046  }
0xb2: {  	s29 =	simm.s32 $0x9;
	_ =	strace $0x80000048  }
0xb3: {  	_ =	swait.ge [sflag:s29], $0x1  }
0xb4: {  	[sflag:s29] =	ssyncadd.s32 $0xFFFFFFFF  }
0xb5: {  	_ =	strace $0x90000048  }
0xb6: {  	_ =	sfence  }
0xb7: {  	s30 =	sld [smem:$0x0];
	_ =	sdelay $0x2  }
0xb8: {  	s31 =	sshll.u32 s1, $0xD;
	s1 =	sshrl.u32 s1, $0x2  }
0xb9: {  	s3 =	sand.u32 $0x4000, s31;
	s1 =	sadd.s32 s1, s30  }
0xba: {  	s0 =	sor.u32 s3, s0;
	s1 =	sshll.u32 s1, $0x11  }
0xbb: {  	s0 =	sor.u32 s1, s0  }
0xbc: {  	s0 =	sadd.s32 $0x8F2B, s0  }
0xbd: {  	[sflag:s0] =	ssyncadd.remote.s32 $0x1  }
0xbe: {  	_ =	sfence.sel $0xFFFF  }
0xbf: {  	[dreg:$0x0] =	wrdreg $0xFFFFFFFF;
	(pc) =	sbr.abs _section_cstart, $3  }
0xc0: {  	[dreg:$0x1] =	wrdreg $0xFFFFFFFF  }
0xc1: {  	_ =	task.clear_ibuf [dreg:s6], $0x2FFFF;
	_ =	strace $0x9FFFFFFF  }
0xc2: {  	(tm) =	ssettm $0x7FFFFFFF  }
0xc3: {  	_ =	shalt  }
tec
execute0_lowered:
.L_overlay_start_1:
0x0: {  	(tag) =	ssettag $0x1  }
0x1: {  	s4 =	rddreg [dreg:$0x0]  }
0x2: {  	s0 =	srdreg.scid;
	s2 =	rddreg [dreg:$0x1]  }
0x3: {  	s1 =	rddreg [dreg:$0x2];
	s5 =	sand.u32 $0x1, s0  }
0x4: {  	s3 =	simm.s32 $0x0;
	s0 =	stileid.u32;
	s6 =	smul.u32 $0x5000, s5  }
0x5: {  	s12 =	simm.s32 $0x5000;
	s13 =	simm.s32 $0x1;
	s7 =	smul.u32 $0x500, s0  }
0x6: {  	s14 =	simm.s32 $0x2800;
	[smem:$0x7FF] =	sst s3;
	s8 =	smul.u32 $0x140000, s5  }
0x7: {  	s15 =	simm.s32 $0x80;
	s9 =	smul.u32 $0x14000, s0;
	_ =	strace $0x80000047  }
0x8: {  	s5 =	ssub.s32 $0x2, s5;
	s29 =	smul.u32 $0x50000, s0;
	s16 =	sshll.u32 s0, $0x6  }
0x9: {  	s30 =	sshrl.u32 s5, $0x1;
	s16 =	sor.u32 $0x1C01, s16;
	s28 =	sadd.s32 s9, s8  }
0xa: {  	s6 =	sadd.s32 s7, s6;
	s9 =	ssub.s32 s5, s30;
	s7 =	sshrl.u32 s28, $0x3  }
0xb: {  	s31 =	sshrl.u32 s29, $0x2;
	s6 =	sadd.s32 s6, s4;
	s7 =	sadd.s32 s7, s4  }
0xc: {  	s4 =	sadd.s32 s31, s2;
	s5 =	sadd.s32 $0x1A00, s6;
	s6 =	sadd.s32 $0xBA00, s7  }
0xd: {  	s7 =	smax.u32 s9, $0x1;
	s8 =	sadd.s32 $0x4000, s4;
	s9 =	sadd.s32 $0x8000, s4  }
0xe: {  	v0 =	vimm.f32 $0.0e+00;
	v1 =	vimm.f32 $1.000000000e+00;
	s10 =	sadd.s32 $0xC000, s4;
	s11 =	sadd.s32 $0x10000, s4;
	s17 =	sshrl.u32 s4, $0x3  }
.LBB2_1:
0xf: {  	s18 =	simm.s32 $0x200;
	s19 =	simm.s32 $0x0  }
.LBB2_2:
0x10: {  	p0 =	sne.s32 s18, $0xFE00;
	[tilespmem:s19+$0x5000] =	vst v0;
	s19 =	smov.u32 s18;
	s18 =	sadd.s32 $0x200, s18  }
.Ltmp0:
0x11: {  	(pc) =	sbr.rel @p0 .LBB2_2-.Ltmp0, $2  }
0x12: {  	_ =	sdelay $0x2  }
0x13: {  	s19 =	sshra.s32 s19, $0x2  }
0x14: {  	[tilespmem:s19+$0x5000] =	vst v0  }
0x15: {  	[spmem:s4] =	stream.linear.scatter [tilespmem:s12], [sflag:$0x1], $0x4000, $0x38;
	[tilespmem:$0x9000] =	vst v63  }
0x16: {  	_ =	swait.ge [sflag:s13], $0x4000  }
0x17: {  	[sflag:s13] =	ssyncset.done $0x0  }
0x18: {  	[sflag:s13] =	ssyncadd.s32 $0xFFFFC000  }
0x19: {  	[spmem:s8] =	stream.linear.scatter [tilespmem:s12], [sflag:$0x1], $0x4000, $0x38;
	[tilespmem:$0x9000] =	vst v63  }
0x1a: {  	_ =	swait.ge [sflag:s13], $0x4000  }
0x1b: {  	[sflag:s13] =	ssyncset.done $0x0  }
0x1c: {  	[sflag:s13] =	ssyncadd.s32 $0xFFFFC000  }
0x1d: {  	[spmem:s9] =	stream.linear.scatter [tilespmem:s12], [sflag:$0x1], $0x4000, $0x38;
	[tilespmem:$0x9000] =	vst v63  }
0x1e: {  	_ =	swait.ge [sflag:s13], $0x4000  }
0x1f: {  	[sflag:s13] =	ssyncset.done $0x0  }
0x20: {  	[sflag:s13] =	ssyncadd.s32 $0xFFFFC000  }
0x21: {  	[spmem:s10] =	stream.linear.scatter [tilespmem:s12], [sflag:$0x1], $0x4000, $0x38;
	[tilespmem:$0x9000] =	vst v63  }
0x22: {  	_ =	swait.ge [sflag:s13], $0x4000  }
0x23: {  	[sflag:s13] =	ssyncset.done $0x0  }
0x24: {  	[sflag:s13] =	ssyncadd.s32 $0xFFFFC000  }
0x25: {  	[spmem:s11] =	stream.linear.scatter [tilespmem:s12], [sflag:$0x1], $0x4000, $0x38;
	[tilespmem:$0x9000] =	vst v63  }
0x26: {  	_ =	swait.ge [sflag:s13], $0x4000  }
0x27: {  	[sflag:s13] =	ssyncset.done $0x0  }
0x28: {  	s18 =	simm.s32 $0x200;
	s19 =	simm.s32 $0x0;
	[sflag:s13] =	ssyncadd.s32 $0xFFFFC000  }
.LBB2_4:
0x29: {  	p0 =	sne.s32 s18, $0xFE00;
	[tilespmem:s19+$0x5000] =	vst v1;
	s19 =	smov.u32 s18;
	s18 =	sadd.s32 $0x200, s18  }
.Ltmp1:
0x2a: {  	(pc) =	sbr.rel @p0 .LBB2_4-.Ltmp1, $2  }
0x2b: {  	_ =	sdelay $0x2  }
0x2c: {  	s19 =	sshra.s32 s19, $0x2  }
0x2d: {  	[tilespmem:s19+$0x5000] =	vst v1;
	s18 =	simm.s32 $0x0  }
0x2e: {  	[tilespmem:s14], [sflag:$0x1] =	stream.linear.gather [hbm4b:s5+s18], $0x2800, $0x38;
	[tilespmem:$0x9000] =	vst v63  }
0x2f: {  	_ =	swait.ge [sflag:s13], $0x2800  }
0x30: {  	[sflag:s13] =	ssyncset.done $0x0  }
0x31: {  	[sflag:s13] =	ssyncadd.s32 $0xFFFFD800  }
0x32: {  	s31 =	simm.s32 $0x2800;
	[bflag:$0x0] =	sbarrier.arrive $0xFFFF  }
0x33: {  	[spmem:s2] =	stream.indirect.scatter.add.f32 [tilespmem:s12], [sflag:$0x1], $0x10, s31, s15, $0xb8;
	[tilespmem:$0x9000] =	vst v63  }
0x34: {  	s18 =	simm.s32 $0x200;
	_ =	swait.ge [sflag:s13], $0x800  }
.LBB2_6:
0x35: {  	s19 =	sshra.s32 s18, $0x2;
	[sflag:s13] =	ssyncset.done $0x0;
	p0 =	sne.s32 s18, $0x9E00  }
.Ltmp2:
0x36: {  	s19 =	sadd.s32 $0x2800, s19;
	[sflag:s13] =	ssyncadd.s32 $0xFFFFF800;
	(pc) =	sbr.rel @p0 .LBB2_6-.Ltmp2, $3  }
0x37: {  	[spmem:s2] =	stream.indirect.scatter.add.f32 [tilespmem:s12], [sflag:$0x1], $0x10, s19, s15, $0xb8;
	[tilespmem:$0x9000] =	vst v63  }
0x38: {  	s18 =	sadd.s32 $0x200, s18;
	_ =	sdelay $0x1  }
0x39: {  	_ =	swait.ge [sflag:s13], $0x800  }
0x3a: {  	[sflag:s13] =	ssyncset.done $0x0;
	s3 =	sadd.s32 $0x1, s3  }
0x3b: {  	[sflag:s13] =	ssyncadd.s32 $0xFFFFF800;
	p0 =	sne.s32 s3, s7  }
.Ltmp3:
0x3c: {  	[bflag:$0x0] =	sbarrier.arrive $0xFFFF;
	(pc) =	sbr.rel @p0 .LBB2_1-.Ltmp3, $4  }
0x3d: {  	[hbm:s6], [sflag:s16] =	dma.local [spmem:s17], $0x2800  }
0x3e: {  	_ =	swait.ge [sflag:s13], $0x2800  }
0x3f: {  	[sflag:s13] =	ssyncset.done $0x0  }
0x40: {  	[sflag:s13] =	ssyncadd.s32 $0xFFFFD800  }
0x41: {  	_ =	sfence.sel $0x180000  }
0x42: {  	[bflag:$0x0] =	sbarrier.arrive $0xFFFF  }
0x43: {  	p0 =	sne.s32 s0, $0x0;
	_ =	strace $0x90000047  }
0x44: {  	s0 =	sadd.s32 @!p0 $0x100000, s1;
	[bflag:$0x2] =	sbarrier.arrive $0xFFFF  }
0x45: {  	[sflag:s0] =	ssyncadd.tile.s32 @!p0 $0x1;
	_ =	shalt  }
.Lfunc_end2:
_tile_overlayer_lowered:
.L_overlay_start_2:
0x46: {  	(tag) =	ssettag $0x2  }
0x47: {  	s0 =	rddreg [dreg:$0x0];
	s2 =	stileid.u32  }
0x48: {  	s1 =	rddreg [dreg:$0x1];
	p0 =	sne.s32 s2, $0x0  }
0x49: {  	s3 =	rddreg [dreg:$0x2];
	[bflag:$0x3] =	sbarrier.arrive $0xFFFF;
	s2 =	simm.s32 @!p0 $0x1C01  }
0x4a: {  	[timem:s3], [sflag:s2] =	dma.local @!p0 [hbm:s0], s1  }
0x4b: {  	s0 =	simm.s32 @!p0 $0x1  }
0x4c: {  	_ =	swait.ge @!p0 [sflag:s0], s1  }
0x4d: {  	s1 =	ssub.s32 @!p0 $0x0, s1;
	[sflag:s0] =	ssyncset.done @!p0 $0x0  }
0x4e: {  	[sflag:s0] =	ssyncadd.s32 @!p0 s1  }
0x4f: {  	[bflag:$0x3] =	sbarrier.arrive $0xFFFF  }
0x50: {  	_ =	shalt  }

</sc_bundles>
